<compile_context>
chip_gen: v7x
topology: tpu7x:2x2x1
jax: 0.10.2.dev20260603
libtpu: 0.0.44.dev20260713+nightly
codegen_flags: <defaults>
</compile_context>

<pallas_src>
import functools

import jax
import jax.numpy as jnp
from jax import lax
from jax.experimental import pallas as pl
from jax.experimental.pallas import tpu as pltpu
from jax.experimental.pallas import tpu_sc as plsc

N = 10000
E = 320000
D = 128
N_ACC = 10240
NC = 2
NS = 16
NW = NC * NS
EPW = E // NW
CH = 80
NCH = EPW // CH
STRIPE = N_ACC // NS


def _sc_mesh():
    return plsc.VectorSubcoreMesh(core_axis_name="c", subcore_axis_name="s")


def _sc_degree(src):
    @functools.partial(
        pl.kernel,
        out_type=jax.ShapeDtypeStruct((NC, N_ACC), jnp.float32),
        mesh=_sc_mesh(),
        scratch_types=[
            pltpu.VMEM((EPW,), jnp.int32),
            pltpu.VMEM((CH,), jnp.int32),
            pltpu.VMEM((CH,), jnp.float32),
            pltpu.VMEM((STRIPE,), jnp.float32),
            pltpu.VMEM_SHARED((N_ACC,), jnp.float32),
        ],
    )
    def k(src_hbm, out_hbm, idx_all, idx_ch, ones_v, bounce, deg_sh):
        c = lax.axis_index("c")
        s = lax.axis_index("s")
        wid = s * NC + c

        def fill16(i, _):
            bounce[pl.ds(i * 16, 16)] = jnp.zeros((16,), jnp.float32)
            return 0
        lax.fori_loop(0, STRIPE // 16, fill16, 0)

        def ones16(i, _):
            ones_v[pl.ds(i * 16, 16)] = jnp.full((16,), 1.0, jnp.float32)
            return 0
        lax.fori_loop(0, CH // 16, ones16, 0)

        pltpu.sync_copy(bounce, deg_sh.at[pl.ds(s * STRIPE, STRIPE)])
        plsc.subcore_barrier()

        pltpu.sync_copy(src_hbm.at[pl.ds(wid * EPW, EPW)], idx_all)

        def body(g, _):
            def cp(i, _):
                idx_ch[pl.ds(i * 16, 16)] = idx_all[pl.ds(g * CH + i * 16, 16)]
                return 0
            lax.fori_loop(0, CH // 16, cp, 0)
            pltpu.sync_copy(ones_v, deg_sh.at[idx_ch], add=True)
            return 0
        lax.fori_loop(0, NCH, body, 0)

        plsc.subcore_barrier()
        pltpu.sync_copy(deg_sh.at[pl.ds(s * STRIPE, STRIPE)], bounce)
        pltpu.sync_copy(bounce, out_hbm.at[c, pl.ds(s * STRIPE, STRIPE)])

    return k(src)


def _sc_z(y, src, dst, zeros_chunk):
    @functools.partial(
        pl.kernel,
        out_type=jax.ShapeDtypeStruct((NC, N_ACC, D), jnp.float32),
        mesh=_sc_mesh(),
        scratch_types=[
            pltpu.VMEM((EPW,), jnp.int32),
            pltpu.VMEM((EPW,), jnp.int32),
            pltpu.VMEM((CH,), jnp.int32),
            pltpu.VMEM((CH, D), jnp.float32),
            pltpu.VMEM((CH, D), jnp.float32),
            pltpu.VMEM_SHARED((N_ACC, D), jnp.float32),
            pltpu.SemaphoreType.DMA,
            pltpu.SemaphoreType.DMA,
        ],
    )
    def k(y_hbm, src_hbm, dst_hbm, zeros_hbm, out_hbm,
          src_all, dst_all, sidx_ch, rows_a, rows_b, z_sh, sem_a, sem_b):
        c = lax.axis_index("c")
        s = lax.axis_index("s")
        wid = s * NC + c

        pltpu.sync_copy(zeros_hbm, rows_a)

        def zinit(t, _):
            pltpu.sync_copy(rows_a, z_sh.at[pl.ds(s * STRIPE + t * CH, CH)])
            return 0
        lax.fori_loop(0, STRIPE // CH, zinit, 0)
        plsc.subcore_barrier()

        pltpu.sync_copy(src_hbm.at[pl.ds(wid * EPW, EPW)], src_all)
        pltpu.sync_copy(dst_hbm.at[pl.ds(wid * EPW, EPW)], dst_all)

        def gstart(g, buf, sem):
            pltpu.async_copy(y_hbm.at[dst_all.at[pl.ds(g * CH, CH)]], buf, sem)

        def gwait(buf, sem):
            pltpu.make_async_copy(y_hbm.at[pl.ds(0, CH)], buf, sem).wait()

        def scatter(g, buf):
            def cp(i, _):
                sidx_ch[pl.ds(i * 16, 16)] = src_all[pl.ds(g * CH + i * 16, 16)]
                return 0
            lax.fori_loop(0, CH // 16, cp, 0)
            pltpu.sync_copy(buf, z_sh.at[sidx_ch], add=True)

        gstart(0, rows_a, sem_a)

        def pair(i, _):
            g0 = 2 * i
            gstart(g0 + 1, rows_b, sem_b)
            gwait(rows_a, sem_a)
            scatter(g0, rows_a)

            @pl.when(g0 + 2 < NCH)
            def _():
                gstart(g0 + 2, rows_a, sem_a)
            gwait(rows_b, sem_b)
            scatter(g0 + 1, rows_b)
            return 0
        lax.fori_loop(0, NCH // 2, pair, 0)
        gwait(rows_a, sem_a)
        scatter(NCH - 1, rows_a)

        plsc.subcore_barrier()

        def wout(t, _):
            r0 = s * STRIPE + t * CH
            pltpu.sync_copy(z_sh.at[pl.ds(r0, CH)], rows_a)
            pltpu.sync_copy(rows_a, out_hbm.at[c, pl.ds(r0, CH)])
            return 0
        lax.fori_loop(0, STRIPE // CH, wout, 0)

    return k(y, src, dst, zeros_chunk)


def _scale_body(dref, xref, yref):
    d = dref[:, 0:1] + dref[:, 1:2]
    yref[...] = lax.rsqrt(d) * xref[...]


def _scale(deg_part_t, x):
    blk = 400
    return pl.pallas_call(
        _scale_body,
        grid=(N // blk,),
        in_specs=[
            pl.BlockSpec((blk, NC), lambda i: (i, 0)),
            pl.BlockSpec((blk, D), lambda i: (i, 0)),
        ],
        out_specs=pl.BlockSpec((blk, D), lambda i: (i, 0)),
        out_shape=jax.ShapeDtypeStruct((N, D), jnp.float32),
    )(deg_part_t, x)


def _agg_body(zref, dref, xref, aref, *, blk):
    i = pl.program_id(0)
    deg = dref[:, 0:1] + dref[:, 1:2]
    z = zref[0] + zref[1]
    dinv = lax.rsqrt(deg)
    mean_term = jnp.where(deg > 0, deg * xref[...], 0.0)
    agg = 0.5 * dinv * z + 0.5 * mean_term
    rows = i * blk + lax.broadcasted_iota(jnp.int32, (blk, 1), 0)
    aref[...] = jnp.where(rows < N, agg, 0.0).T


def _aggregate(z_part, deg_part_t, x_pad):
    blk = 512
    return pl.pallas_call(
        functools.partial(_agg_body, blk=blk),
        grid=(N_ACC // blk,),
        in_specs=[
            pl.BlockSpec((NC, blk, D), lambda i: (0, i, 0)),
            pl.BlockSpec((blk, NC), lambda i: (i, 0)),
            pl.BlockSpec((blk, D), lambda i: (i, 0)),
        ],
        out_specs=pl.BlockSpec((D, blk), lambda i: (0, i)),
        out_shape=jax.ShapeDtypeStruct((D, N_ACC), jnp.float32),
    )(z_part, deg_part_t, x_pad)


def _panel_body(at_ref, vtb_ref, wtb_ref, at_s, tt_s, vt_ref, wt_ref):
    k, n = at_ref.shape
    pb = 16
    npan = k // pb
    lanes_n = lax.broadcasted_iota(jnp.int32, (1, n), 1)
    lanes_p = lax.broadcasted_iota(jnp.int32, (1, pb), 1)

    at_s[...] = at_ref[...]
    vt_ref[...] = jnp.zeros_like(vt_ref)
    tt_s[...] = jnp.zeros_like(tt_s)

    for p in range(npan):
        base = p * pb

        def step(jj, carry, base=base):
            j = base + jj
            x = at_s[pl.ds(j, 1), :]
            sel = lanes_n == j
            xm = jnp.where(lanes_n >= j, x, 0.0)
            alpha = jnp.sum(jnp.where(sel, x, 0.0))
            norm2 = jnp.sum(xm * xm)
            norm = jnp.sqrt(norm2)
            beta = jnp.where(alpha >= 0, -norm, norm)
            denom = alpha - beta
            safe_denom = jnp.where(denom == 0, 1.0, denom)
            safe_beta = jnp.where(beta == 0, 1.0, beta)
            tau = jnp.where(norm2 > 0, (beta - alpha) / safe_beta, 0.0)
            recip = 1.0 / safe_denom
            v = jnp.where(sel, 1.0, xm * recip)
            vt_ref[pl.ds(j, 1), :] = v

            ab = at_s[pl.ds(base, pb), :]
            wb = lax.dot_general(ab, v, (((1,), (1,)), ((), ())),
                                 preferred_element_type=jnp.float32)
            rows_b = base + lax.broadcasted_iota(jnp.int32, (pb, 1), 0)
            wmb = jnp.where(rows_b > j, wb, 0.0)
            at_s[pl.ds(base, pb), :] = ab - tau * wmb * v

            vp = vt_ref[pl.ds(base, pb), :]
            u = lax.dot_general(v, vp, (((1,), (1,)), ((), ())),
                                preferred_element_type=jnp.float32)
            um = jnp.where(lanes_p < jj, u, 0.0)
            ttp = tt_s[pl.ds(base, pb), :]
            trow = -tau * lax.dot_general(um, ttp, (((1,), (0,)), ((), ())),
                                          preferred_element_type=jnp.float32)
            tt_s[pl.ds(j, 1), :] = trow + jnp.where(lanes_p == jj, tau, 0.0)
            return carry

        lax.fori_loop(0, pb, step, 0, unroll=False)

        if p < npan - 1:
            r0 = base + pb
            rest = at_s[pl.ds(r0, k - r0), :]
            vp = vt_ref[pl.ds(base, pb), :]
            ttp = tt_s[pl.ds(base, pb), :]
            m1 = lax.dot_general(rest, vp, (((1,), (1,)), ((), ())),
                                 preferred_element_type=jnp.float32)
            m2 = lax.dot_general(m1, ttp, (((1,), (1,)), ((), ())),
                                 preferred_element_type=jnp.float32)
            at_s[pl.ds(r0, k - r0), :] = rest - lax.dot_general(
                m2, vp, (((1,), (0,)), ((), ())),
                preferred_element_type=jnp.float32)

    for p in range(npan):
        base = p * pb
        vp = vt_ref[pl.ds(base, pb), :]
        racc = vp
        for q in range(p):
            qb = q * pb
            vq = vt_ref[pl.ds(qb, pb), :]
            cqp = lax.dot_general(vq, vp, (((1,), (1,)), ((), ())),
                                  preferred_element_type=jnp.float32)
            wq = wt_ref[pl.ds(qb, pb), :]
            racc = racc - lax.dot_general(cqp, wq, (((0,), (0,)), ((), ())),
                                          preferred_element_type=jnp.float32)
        ttp = tt_s[pl.ds(base, pb), :]
        wt_ref[pl.ds(base, pb), :] = lax.dot_general(
            ttp, racc, (((1,), (0,)), ((), ())),
            preferred_element_type=jnp.float32)

    vtb_ref[...] = vt_ref[...].astype(jnp.bfloat16)
    wtb_ref[...] = wt_ref[...].astype(jnp.bfloat16)


def _panel(at_pad):
    k = at_pad.shape[0]
    return pl.pallas_call(
        _panel_body,
        out_shape=(
            jax.ShapeDtypeStruct((k, N_ACC), jnp.bfloat16),
            jax.ShapeDtypeStruct((k, N_ACC), jnp.bfloat16),
        ),
        scratch_shapes=[
            pltpu.VMEM((k, N_ACC), jnp.float32),
            pltpu.VMEM((k, 16), jnp.float32),
            pltpu.VMEM((k, N_ACC), jnp.float32),
            pltpu.VMEM((k, N_ACC), jnp.float32),
        ],
    )(at_pad)


def _q_body(wt_ref, vt_ref, q_ref, *, bm, bn):
    i = pl.program_id(0)
    j = pl.program_id(1)
    prod = lax.dot_general(wt_ref[...], vt_ref[...],
                           (((0,), (0,)), ((), ())),
                           preferred_element_type=jnp.float32)
    r = i * bm + lax.broadcasted_iota(jnp.int32, (bm, bn), 0)
    c = j * bn + lax.broadcasted_iota(jnp.int32, (bm, bn), 1)
    q_ref[...] = jnp.where(r == c, 1.0, 0.0) - prod


def _form_q(vt, wt, bm=512, bn=2048):
    k = vt.shape[0]
    grid = (pl.cdiv(N, bm), pl.cdiv(N, bn))
    return pl.pallas_call(
        functools.partial(_q_body, bm=bm, bn=bn),
        grid=grid,
        in_specs=[
            pl.BlockSpec((k, bm), lambda i, j: (0, i)),
            pl.BlockSpec((k, bn), lambda i, j: (0, j)),
        ],
        out_specs=pl.BlockSpec((bm, bn), lambda i, j: (i, j)),
        out_shape=jax.ShapeDtypeStruct((N, N), jnp.float32),
    )(wt, vt)


def kernel(node_features, edge_index):
    src = edge_index[:, 0]
    dst = edge_index[:, 1]

    deg_part = _sc_degree(src)
    deg_part_t = deg_part.T
    y = _scale(deg_part_t[:N], node_features)
    zeros_chunk = jnp.zeros((CH, D), jnp.float32)
    z_part = _sc_z(y, src, dst, zeros_chunk)
    agg = _aggregate(z_part, deg_part_t, node_features)

    vtb, wtb = _panel(agg)
    return _form_q(vtb, wtb)

# --- scband reference (transcript-rebuilt; emitter-appended) ---
"""Pipeline reference for scband-rfpconv-33552284516501 (READ-ONLY COPY).

The authoritative reference and input builder live on the scoring server;
editing this copy changes nothing except your own understanding.
"""

import jax, jax.numpy as jnp
import numpy as np

N = 10000
E = 320000
D = 128


def setup_inputs(seed: int = 0) -> dict:
    key = jax.random.key(seed)
    k1, k2 = jax.random.split(key)
    node_features = jax.random.normal(k1, (N, D), dtype=jnp.float32)
    # edge_index is an __init__ arg in the original keras layer; passed as an input here.
    edge_index = jax.random.randint(k2, (E, 2), 0, N, dtype=jnp.int32)
    return {"node_features": node_features, "edge_index": edge_index}


def reference(node_features, edge_index):
    # Faithful translation of RFPConv.call
    edge_pairs = edge_index  # tf.squeeze is a no-op for [E, 2]
    src = edge_pairs[:, 0]
    dst = edge_pairs[:, 1]
    n = node_features.shape[0]
    d = node_features.shape[1]
    e = edge_pairs.shape[0]

    transformed_features = node_features
    neighbour_features = jnp.take(transformed_features, dst, axis=0)
    source_features = jnp.take(transformed_features, src, axis=0)

    ones_degree = jnp.ones((e,), dtype=jnp.float32)
    node_degree_ = jax.ops.segment_sum(ones_degree, src, num_segments=n)
    node_degree = jnp.power(node_degree_, -0.5)

    start_degree = jnp.take(node_degree, src)
    source_degree = jnp.broadcast_to(jnp.take(node_degree_, src)[:, None], (e, d))
    end_degree = jnp.take(node_degree, dst)

    neighbour_features = start_degree[:, None] * neighbour_features
    neighbour_features = end_degree[:, None] * neighbour_features

    aggregated_features = 0.5 * jax.ops.segment_sum(neighbour_features, src, num_segments=n)

    # tf.math.unsorted_segment_mean: sum / count, 0 for empty segments
    seg_sum = jax.ops.segment_sum(source_degree * source_features, src, num_segments=n)
    counts = node_degree_[:, None]
    seg_mean = jnp.where(counts > 0, seg_sum / jnp.maximum(counts, 1.0), 0.0)

    aggregated_features = aggregated_features + 0.5 * seg_mean

    q, _ = jnp.linalg.qr(aggregated_features, mode='complete')  # full_matrices=True
    return q

if __name__ == "__main__":
    import jax
    _d = setup_inputs()
    print(jax.jit(kernel)(*tuple(_d.values())))

</pallas_src>

<mosaic_0001>
#map = affine_map<(d0, d1) -> (0)>
#map1 = affine_map<(d0, d1) -> (0, 0)>
module attributes {stable_mosaic.version = 14 : i64} {
  func.func @k(%arg0: i32, %arg1: i32, %arg2: memref<320000xi32, #tpu.memory_space<hbm>>, %arg3: memref<2x10240xf32, #tpu.memory_space<hbm>>, %arg4: memref<10000xi32, #tpu.memory_space<vmem>>, %arg5: memref<80xi32, #tpu.memory_space<vmem>>, %arg6: memref<80xf32, #tpu.memory_space<vmem>>, %arg7: memref<640xf32, #tpu.memory_space<vmem>>, %arg8: memref<10240xf32, #tpu.memory_space<vmem_shared>>) attributes {dimension_semantics = [#tpu.dimension_semantics<core_parallel>, #tpu.dimension_semantics<subcore_parallel>], iteration_bounds = array<i64: 2, 16>, scalar_prefetch = 0 : i64, scratch_operands = 5 : i64, tpu.core_type = #tpu.core_type<sc_vector_subcore>, window_params = [{transform_indices = #map}, {transform_indices = #map1}]} {
    %mul3A = arith.constant 2 : i32
    %mul3A_0 = arith.muli %arg1, %mul3A : i32
    %add3A = arith.addi %mul3A_0, %arg0 : i32
    %scan3A = arith.constant 0 : i32
    %scan3A_1 = arith.constant 0 : i32
    %scan3A_2 = arith.constant 40 : i32
    %scan3A_3 = arith.addi %scan3A_1, %scan3A_2 : i32
    %scan3A_4 = arith.constant 1 : i32
    %scan3A_5 = scf.for %scan3A_30 = %scan3A_1 to %scan3A_3 step %scan3A_4 iter_args(%scan3A_31 = %scan3A) -> (i32)  : i32 {
      %broadcast_in_dim3A = arith.constant 0.000000e+00 : f32
      %broadcast_in_dim3A_32 = vector.broadcast %broadcast_in_dim3A : f32 to vector<16xf32>
      %mul3A_33 = arith.constant 16 : i32
      %mul3A_34 = arith.muli %scan3A_30, %mul3A_33 : i32
      %swap3A = arith.index_cast %mul3A_34 : i32 to index
      %swap3A_35 = tpu.vector_load %arg7[%swap3A] {strides = array<i32>} : memref<640xf32, #tpu.memory_space<vmem>>, vector<16xf32>,
      %swap3A_36 = vector.shape_cast %swap3A_35 : vector<16xf32> to vector<16xf32>
      %swap3A_37 = vector.shape_cast %broadcast_in_dim3A_32 : vector<16xf32> to vector<16xf32>
      tpu.vector_store %arg7[%swap3A], %swap3A_37 {strides = array<i32>} : memref<640xf32, #tpu.memory_space<vmem>>, vector<16xf32>,
      %scan3A_38 = arith.constant 0 : i32
      scf.yield %scan3A_38 : i32
    }
    %scan3A_6 = arith.constant 40 : i32
    %scan3A_7 = arith.constant 0 : i32
    %scan3A_8 = arith.constant 0 : i32
    %scan3A_9 = arith.constant 5 : i32
    %scan3A_10 = arith.addi %scan3A_8, %scan3A_9 : i32
    %scan3A_11 = arith.constant 1 : i32
    %scan3A_12 = scf.for %scan3A_30 = %scan3A_8 to %scan3A_10 step %scan3A_11 iter_args(%scan3A_31 = %scan3A_7) -> (i32)  : i32 {
      %broadcast_in_dim3A = arith.constant 1.000000e+00 : f32
      %broadcast_in_dim3A_32 = vector.broadcast %broadcast_in_dim3A : f32 to vector<16xf32>
      %mul3A_33 = arith.constant 16 : i32
      %mul3A_34 = arith.muli %scan3A_30, %mul3A_33 : i32
      %swap3A = arith.index_cast %mul3A_34 : i32 to index
      %swap3A_35 = tpu.vector_load %arg6[%swap3A] {strides = array<i32>} : memref<80xf32, #tpu.memory_space<vmem>>, vector<16xf32>,
      %swap3A_36 = vector.shape_cast %swap3A_35 : vector<16xf32> to vector<16xf32>
      %swap3A_37 = vector.shape_cast %broadcast_in_dim3A_32 : vector<16xf32> to vector<16xf32>
      tpu.vector_store %arg6[%swap3A], %swap3A_37 {strides = array<i32>} : memref<80xf32, #tpu.memory_space<vmem>>, vector<16xf32>,
      %scan3A_38 = arith.constant 0 : i32
      scf.yield %scan3A_38 : i32
    }
    %scan3A_13 = arith.constant 5 : i32
    %mul3A_14 = arith.constant 640 : i32
    %mul3A_15 = arith.muli %arg1, %mul3A_14 : i32
    "tpu.region"() ({
      %run_scoped3A = tpu.sem_alloc : memref<!tpu.dma_semaphore, #tpu.memory_space<semaphore_mem>>
      %dma_start3A = tpu.memref_slice %arg8[%mul3A_15] : memref<10240xf32, #tpu.memory_space<vmem_shared>> -> memref<640xf32, #tpu.memory_space<vmem_shared>>
      %dma_start3A_30 = tpu.memref_slice %arg8[%mul3A_15] : memref<10240xf32, #tpu.memory_space<vmem_shared>> -> memref<640xf32, #tpu.memory_space<vmem_shared>>
      tpu.enqueue_dma source(%arg7 : memref<640xf32, #tpu.memory_space<vmem>>) target(%dma_start3A_30 : memref<640xf32, #tpu.memory_space<vmem_shared>>) target_semaphore(%run_scoped3A : memref<!tpu.dma_semaphore, #tpu.memory_space<semaphore_mem>>)
      %dma_wait3A = tpu.memref_slice %arg8[%mul3A_15] : memref<10240xf32, #tpu.memory_space<vmem_shared>> -> memref<640xf32, #tpu.memory_space<vmem_shared>>
      %dma_wait3A_31 = tpu.memref_slice %arg8[%mul3A_15] : memref<10240xf32, #tpu.memory_space<vmem_shared>> -> memref<640xf32, #tpu.memory_space<vmem_shared>>
      tpu.wait_dma2 semaphore(%run_scoped3A : memref<!tpu.dma_semaphore, #tpu.memory_space<semaphore_mem>>) src(%arg7 : memref<640xf32, #tpu.memory_space<vmem>>) dst(%dma_wait3A_31 : memref<640xf32, #tpu.memory_space<vmem_shared>>)
      tpu.yield
    }) : () -> ()
    %barrier3A = arith.constant 0 : index
    tpu.barrier barrier_id(%barrier3A)
    %mul3A_16 = arith.constant 10000 : i32
    %mul3A_17 = arith.muli %add3A, %mul3A_16 : i32
    "tpu.region"() ({
      %run_scoped3A = tpu.sem_alloc : memref<!tpu.dma_semaphore, #tpu.memory_space<semaphore_mem>>
      %dma_start3A = tpu.memref_slice %arg2[%mul3A_17] : memref<320000xi32, #tpu.memory_space<hbm>> -> memref<10000xi32, #tpu.memory_space<hbm>>
      %dma_start3A_30 = tpu.memref_slice %arg2[%mul3A_17] : memref<320000xi32, #tpu.memory_space<hbm>> -> memref<10000xi32, #tpu.memory_space<hbm>>
      tpu.enqueue_dma source(%dma_start3A_30 : memref<10000xi32, #tpu.memory_space<hbm>>) target(%arg4 : memref<10000xi32, #tpu.memory_space<vmem>>) target_semaphore(%run_scoped3A : memref<!tpu.dma_semaphore, #tpu.memory_space<semaphore_mem>>)
      %dma_wait3A = tpu.memref_slice %arg2[%mul3A_17] : memref<320000xi32, #tpu.memory_space<hbm>> -> memref<10000xi32, #tpu.memory_space<hbm>>
      %dma_wait3A_31 = tpu.memref_slice %arg2[%mul3A_17] : memref<320000xi32, #tpu.memory_space<hbm>> -> memref<10000xi32, #tpu.memory_space<hbm>>
      tpu.wait_dma2 semaphore(%run_scoped3A : memref<!tpu.dma_semaphore, #tpu.memory_space<semaphore_mem>>) src(%dma_wait3A_31 : memref<10000xi32, #tpu.memory_space<hbm>>) dst(%arg4 : memref<10000xi32, #tpu.memory_space<vmem>>)
      tpu.yield
    }) : () -> ()
    %scan3A_18 = arith.constant 0 : i32
    %scan3A_19 = arith.constant 0 : i32
    %scan3A_20 = arith.constant 125 : i32
    %scan3A_21 = arith.addi %scan3A_19, %scan3A_20 : i32
    %scan3A_22 = arith.constant 1 : i32
    %scan3A_23 = scf.for %scan3A_30 = %scan3A_19 to %scan3A_21 step %scan3A_22 iter_args(%scan3A_31 = %scan3A_18) -> (i32)  : i32 {
      %scan3A_32 = arith.constant 0 : i32
      %scan3A_33 = arith.constant 0 : i32
      %scan3A_34 = arith.constant 5 : i32
      %scan3A_35 = arith.addi %scan3A_33, %scan3A_34 : i32
      %scan3A_36 = arith.constant 1 : i32
      %scan3A_37 = scf.for %scan3A_40 = %scan3A_33 to %scan3A_35 step %scan3A_36 iter_args(%scan3A_41 = %scan3A_32) -> (i32)  : i32 {
        %mul3A_42 = arith.constant 80 : i32
        %mul3A_43 = arith.muli %scan3A_30, %mul3A_42 : i32
        %mul3A_44 = arith.constant 16 : i32
        %mul3A_45 = arith.muli %scan3A_40, %mul3A_44 : i32
        %add3A_46 = arith.addi %mul3A_43, %mul3A_45 : i32
        %get3A = arith.index_cast %add3A_46 : i32 to index
        %get3A_47 = tpu.vector_load %arg4[%get3A] {strides = array<i32>} : memref<10000xi32, #tpu.memory_space<vmem>>, vector<16xi32>,
        %get3A_48 = vector.shape_cast %get3A_47 : vector<16xi32> to vector<16xi32>
        %mul3A_49 = arith.constant 16 : i32
        %mul3A_50 = arith.muli %scan3A_40, %mul3A_49 : i32
        %swap3A = arith.index_cast %mul3A_50 : i32 to index
        %swap3A_51 = tpu.vector_load %arg5[%swap3A] {strides = array<i32>} : memref<80xi32, #tpu.memory_space<vmem>>, vector<16xi32>,
        %swap3A_52 = vector.shape_cast %swap3A_51 : vector<16xi32> to vector<16xi32>
        %swap3A_53 = vector.shape_cast %get3A_48 : vector<16xi32> to vector<16xi32>
        tpu.vector_store %arg5[%swap3A], %swap3A_53 {strides = array<i32>} : memref<80xi32, #tpu.memory_space<vmem>>, vector<16xi32>,
        %scan3A_54 = arith.constant 0 : i32
        scf.yield %scan3A_54 : i32
      }
      %scan3A_38 = arith.constant 5 : i32
      "tpu.region"() ({
        %run_scoped3A = tpu.sem_alloc : memref<!tpu.dma_semaphore, #tpu.memory_space<semaphore_mem>>
        %dma_start3A = arith.constant 0 : i32
        %dma_start3A_40 = tpu.memref_slice %arg8[%dma_start3A] : memref<10240xf32, #tpu.memory_space<vmem_shared>> -> memref<10240xf32, #tpu.memory_space<vmem_shared>>
        tpu.enqueue_indirect_dma source(%arg6 : memref<80xf32, #tpu.memory_space<vmem>>) target(%dma_start3A_40 : memref<10240xf32, #tpu.memory_space<vmem_shared>>) offsets(%arg5 : memref<80xi32, #tpu.memory_space<vmem>>) semaphore(%run_scoped3A : memref<!tpu.dma_semaphore, #tpu.memory_space<semaphore_mem>>) {add = true}
        %dma_wait3A = arith.constant 0 : i32
        %dma_wait3A_41 = tpu.memref_slice %arg8[%dma_wait3A] : memref<10240xf32, #tpu.memory_space<vmem_shared>> -> memref<10240xf32, #tpu.memory_space<vmem_shared>>
        tpu.wait_indirect_dma semaphore(%run_scoped3A : memref<!tpu.dma_semaphore, #tpu.memory_space<semaphore_mem>>) src(%arg6 : memref<80xf32, #tpu.memory_space<vmem>>) dst(%dma_wait3A_41 : memref<10240xf32, #tpu.memory_space<vmem_shared>>)
        tpu.yield
      }) : () -> ()
      %scan3A_39 = arith.constant 0 : i32
      scf.yield %scan3A_39 : i32
    }
    %scan3A_24 = arith.constant 125 : i32
    %barrier3A_25 = arith.constant 0 : index
    tpu.barrier barrier_id(%barrier3A_25)
    %mul3A_26 = arith.constant 640 : i32
    %mul3A_27 = arith.muli %arg1, %mul3A_26 : i32
    "tpu.region"() ({
      %run_scoped3A = tpu.sem_alloc : memref<!tpu.dma_semaphore, #tpu.memory_space<semaphore_mem>>
      %dma_start3A = tpu.memref_slice %arg8[%mul3A_27] : memref<10240xf32, #tpu.memory_space<vmem_shared>> -> memref<640xf32, #tpu.memory_space<vmem_shared>>
      %dma_start3A_30 = tpu.memref_slice %arg8[%mul3A_27] : memref<10240xf32, #tpu.memory_space<vmem_shared>> -> memref<640xf32, #tpu.memory_space<vmem_shared>>
      tpu.enqueue_dma source(%dma_start3A_30 : memref<640xf32, #tpu.memory_space<vmem_shared>>) target(%arg7 : memref<640xf32, #tpu.memory_space<vmem>>) target_semaphore(%run_scoped3A : memref<!tpu.dma_semaphore, #tpu.memory_space<semaphore_mem>>)
      %dma_wait3A = tpu.memref_slice %arg8[%mul3A_27] : memref<10240xf32, #tpu.memory_space<vmem_shared>> -> memref<640xf32, #tpu.memory_space<vmem_shared>>
      %dma_wait3A_31 = tpu.memref_slice %arg8[%mul3A_27] : memref<10240xf32, #tpu.memory_space<vmem_shared>> -> memref<640xf32, #tpu.memory_space<vmem_shared>>
      tpu.wait_dma2 semaphore(%run_scoped3A : memref<!tpu.dma_semaphore, #tpu.memory_space<semaphore_mem>>) src(%dma_wait3A_31 : memref<640xf32, #tpu.memory_space<vmem_shared>>) dst(%arg7 : memref<640xf32, #tpu.memory_space<vmem>>)
      tpu.yield
    }) : () -> ()
    %mul3A_28 = arith.constant 640 : i32
    %mul3A_29 = arith.muli %arg1, %mul3A_28 : i32
    "tpu.region"() ({
      %run_scoped3A = tpu.sem_alloc : memref<!tpu.dma_semaphore, #tpu.memory_space<semaphore_mem>>
      %dma_start3A = tpu.memref_slice %arg3[%arg0, %mul3A_29] : memref<2x10240xf32, #tpu.memory_space<hbm>> -> memref<1x640xf32, #tpu.memory_space<hbm>>
      %dma_start3A_30 = tpu.memref_squeeze %dma_start3A : memref<1x640xf32, #tpu.memory_space<hbm>> -> memref<640xf32, #tpu.memory_space<hbm>>
      %dma_start3A_31 = tpu.memref_slice %arg3[%arg0, %mul3A_29] : memref<2x10240xf32, #tpu.memory_space<hbm>> -> memref<1x640xf32, #tpu.memory_space<hbm>>
      %dma_start3A_32 = tpu.memref_squeeze %dma_start3A_31 : memref<1x640xf32, #tpu.memory_space<hbm>> -> memref<640xf32, #tpu.memory_space<hbm>>
      tpu.enqueue_dma source(%arg7 : memref<640xf32, #tpu.memory_space<vmem>>) target(%dma_start3A_32 : memref<640xf32, #tpu.memory_space<hbm>>) target_semaphore(%run_scoped3A : memref<!tpu.dma_semaphore, #tpu.memory_space<semaphore_mem>>)
      %dma_wait3A = tpu.memref_slice %arg3[%arg0, %mul3A_29] : memref<2x10240xf32, #tpu.memory_space<hbm>> -> memref<1x640xf32, #tpu.memory_space<hbm>>
      %dma_wait3A_33 = tpu.memref_squeeze %dma_wait3A : memref<1x640xf32, #tpu.memory_space<hbm>> -> memref<640xf32, #tpu.memory_space<hbm>>
      %dma_wait3A_34 = tpu.memref_slice %arg3[%arg0, %mul3A_29] : memref<2x10240xf32, #tpu.memory_space<hbm>> -> memref<1x640xf32, #tpu.memory_space<hbm>>
      %dma_wait3A_35 = tpu.memref_squeeze %dma_wait3A_34 : memref<1x640xf32, #tpu.memory_space<hbm>> -> memref<640xf32, #tpu.memory_space<hbm>>
      tpu.wait_dma2 semaphore(%run_scoped3A : memref<!tpu.dma_semaphore, #tpu.memory_space<semaphore_mem>>) src(%arg7 : memref<640xf32, #tpu.memory_space<vmem>>) dst(%dma_wait3A_35 : memref<640xf32, #tpu.memory_space<hbm>>)
      tpu.yield
    }) : () -> ()
    return
  }
}

#map = affine_map<(d0, d1) -> (0, 0)>
#map1 = affine_map<(d0, d1) -> (0)>
#map2 = affine_map<(d0, d1) -> (0, 0, 0)>
module attributes {stable_mosaic.version = 14 : i64} {
  func.func @k(%arg0: i32, %arg1: i32, %arg2: memref<10000x128xf32, #tpu.memory_space<hbm>>, %arg3: memref<320000xi32, #tpu.memory_space<hbm>>, %arg4: memref<320000xi32, #tpu.memory_space<hbm>>, %arg5: memref<80x128xf32, #tpu.memory_space<hbm>>, %arg6: memref<2x10240x128xf32, #tpu.memory_space<hbm>>, %arg7: memref<10000xi32, #tpu.memory_space<vmem>>, %arg8: memref<10000xi32, #tpu.memory_space<vmem>>, %arg9: memref<80xi32, #tpu.memory_space<vmem>>, %arg10: memref<80x128xf32, #tpu.memory_space<vmem>>, %arg11: memref<80x128xf32, #tpu.memory_space<vmem>>, %arg12: memref<10240x128xf32, #tpu.memory_space<vmem_shared>>, %arg13: memref<!tpu.dma_semaphore, #tpu.memory_space<semaphore_mem>>, %arg14: memref<!tpu.dma_semaphore, #tpu.memory_space<semaphore_mem>>) attributes {dimension_semantics = [#tpu.dimension_semantics<core_parallel>, #tpu.dimension_semantics<subcore_parallel>], iteration_bounds = array<i64: 2, 16>, scalar_prefetch = 0 : i64, scratch_operands = 8 : i64, tpu.core_type = #tpu.core_type<sc_vector_subcore>, window_params = [{transform_indices = #map}, {transform_indices = #map1}, {transform_indices = #map1}, {transform_indices = #map}, {transform_indices = #map2}]} {
    %mul3A = arith.constant 2 : i32
    %mul3A_0 = arith.muli %arg1, %mul3A : i32
    %add3A = arith.addi %mul3A_0, %arg0 : i32
    "tpu.region"() ({
      %run_scoped3A = tpu.sem_alloc : memref<!tpu.dma_semaphore, #tpu.memory_space<semaphore_mem>>
      tpu.enqueue_dma source(%arg5 : memref<80x128xf32, #tpu.memory_space<hbm>>) target(%arg10 : memref<80x128xf32, #tpu.memory_space<vmem>>) target_semaphore(%run_scoped3A : memref<!tpu.dma_semaphore, #tpu.memory_space<semaphore_mem>>)
      tpu.wait_dma2 semaphore(%run_scoped3A : memref<!tpu.dma_semaphore, #tpu.memory_space<semaphore_mem>>) src(%arg5 : memref<80x128xf32, #tpu.memory_space<hbm>>) dst(%arg10 : memref<80x128xf32, #tpu.memory_space<vmem>>)
      tpu.yield
    }) : () -> ()
    %scan3A = arith.constant 0 : i32
    %scan3A_1 = arith.constant 0 : i32
    %scan3A_2 = arith.constant 8 : i32
    %scan3A_3 = arith.addi %scan3A_1, %scan3A_2 : i32
    %scan3A_4 = arith.constant 1 : i32
    %scan3A_5 = scf.for %scan3A_42 = %scan3A_1 to %scan3A_3 step %scan3A_4 iter_args(%scan3A_43 = %scan3A) -> (i32)  : i32 {
      %mul3A_44 = arith.constant 640 : i32
      %mul3A_45 = arith.muli %arg1, %mul3A_44 : i32
      %mul3A_46 = arith.constant 80 : i32
      %mul3A_47 = arith.muli %scan3A_42, %mul3A_46 : i32
      %add3A_48 = arith.addi %mul3A_45, %mul3A_47 : i32
      "tpu.region"() ({
        %run_scoped3A = tpu.sem_alloc : memref<!tpu.dma_semaphore, #tpu.memory_space<semaphore_mem>>
        %dma_start3A_50 = arith.constant 0 : i32
        %dma_start3A_51 = tpu.memref_slice %arg12[%add3A_48, %dma_start3A_50] : memref<10240x128xf32, #tpu.memory_space<vmem_shared>> -> memref<80x128xf32, #tpu.memory_space<vmem_shared>>
        %dma_start3A_52 = arith.constant 0 : i32
        %dma_start3A_53 = tpu.memref_slice %arg12[%add3A_48, %dma_start3A_52] : memref<10240x128xf32, #tpu.memory_space<vmem_shared>> -> memref<80x128xf32, #tpu.memory_space<vmem_shared>>
        tpu.enqueue_dma source(%arg10 : memref<80x128xf32, #tpu.memory_space<vmem>>) target(%dma_start3A_53 : memref<80x128xf32, #tpu.memory_space<vmem_shared>>) target_semaphore(%run_scoped3A : memref<!tpu.dma_semaphore, #tpu.memory_space<semaphore_mem>>)
        %dma_wait3A_54 = arith.constant 0 : i32
        %dma_wait3A_55 = tpu.memref_slice %arg12[%add3A_48, %dma_wait3A_54] : memref<10240x128xf32, #tpu.memory_space<vmem_shared>> -> memref<80x128xf32, #tpu.memory_space<vmem_shared>>
        %dma_wait3A_56 = arith.constant 0 : i32
        %dma_wait3A_57 = tpu.memref_slice %arg12[%add3A_48, %dma_wait3A_56] : memref<10240x128xf32, #tpu.memory_space<vmem_shared>> -> memref<80x128xf32, #tpu.memory_space<vmem_shared>>
        tpu.wait_dma2 semaphore(%run_scoped3A : memref<!tpu.dma_semaphore, #tpu.memory_space<semaphore_mem>>) src(%arg10 : memref<80x128xf32, #tpu.memory_space<vmem>>) dst(%dma_wait3A_57 : memref<80x128xf32, #tpu.memory_space<vmem_shared>>)
        tpu.yield
      }) : () -> ()
      %scan3A_49 = arith.constant 0 : i32
      scf.yield %scan3A_49 : i32
    }
    %scan3A_6 = arith.constant 8 : i32
    %barrier3A = arith.constant 0 : index
    tpu.barrier barrier_id(%barrier3A)
    %mul3A_7 = arith.constant 10000 : i32
    %mul3A_8 = arith.muli %add3A, %mul3A_7 : i32
    "tpu.region"() ({
      %run_scoped3A = tpu.sem_alloc : memref<!tpu.dma_semaphore, #tpu.memory_space<semaphore_mem>>
      %dma_start3A_42 = tpu.memref_slice %arg3[%mul3A_8] : memref<320000xi32, #tpu.memory_space<hbm>> -> memref<10000xi32, #tpu.memory_space<hbm>>
      %dma_start3A_43 = tpu.memref_slice %arg3[%mul3A_8] : memref<320000xi32, #tpu.memory_space<hbm>> -> memref<10000xi32, #tpu.memory_space<hbm>>
      tpu.enqueue_dma source(%dma_start3A_43 : memref<10000xi32, #tpu.memory_space<hbm>>) target(%arg7 : memref<10000xi32, #tpu.memory_space<vmem>>) target_semaphore(%run_scoped3A : memref<!tpu.dma_semaphore, #tpu.memory_space<semaphore_mem>>)
      %dma_wait3A_44 = tpu.memref_slice %arg3[%mul3A_8] : memref<320000xi32, #tpu.memory_space<hbm>> -> memref<10000xi32, #tpu.memory_space<hbm>>
      %dma_wait3A_45 = tpu.memref_slice %arg3[%mul3A_8] : memref<320000xi32, #tpu.memory_space<hbm>> -> memref<10000xi32, #tpu.memory_space<hbm>>
      tpu.wait_dma2 semaphore(%run_scoped3A : memref<!tpu.dma_semaphore, #tpu.memory_space<semaphore_mem>>) src(%dma_wait3A_45 : memref<10000xi32, #tpu.memory_space<hbm>>) dst(%arg7 : memref<10000xi32, #tpu.memory_space<vmem>>)
      tpu.yield
    }) : () -> ()
    %mul3A_9 = arith.constant 10000 : i32
    %mul3A_10 = arith.muli %add3A, %mul3A_9 : i32
    "tpu.region"() ({
      %run_scoped3A = tpu.sem_alloc : memref<!tpu.dma_semaphore, #tpu.memory_space<semaphore_mem>>
      %dma_start3A_42 = tpu.memref_slice %arg4[%mul3A_10] : memref<320000xi32, #tpu.memory_space<hbm>> -> memref<10000xi32, #tpu.memory_space<hbm>>
      %dma_start3A_43 = tpu.memref_slice %arg4[%mul3A_10] : memref<320000xi32, #tpu.memory_space<hbm>> -> memref<10000xi32, #tpu.memory_space<hbm>>
      tpu.enqueue_dma source(%dma_start3A_43 : memref<10000xi32, #tpu.memory_space<hbm>>) target(%arg8 : memref<10000xi32, #tpu.memory_space<vmem>>) target_semaphore(%run_scoped3A : memref<!tpu.dma_semaphore, #tpu.memory_space<semaphore_mem>>)
      %dma_wait3A_44 = tpu.memref_slice %arg4[%mul3A_10] : memref<320000xi32, #tpu.memory_space<hbm>> -> memref<10000xi32, #tpu.memory_space<hbm>>
      %dma_wait3A_45 = tpu.memref_slice %arg4[%mul3A_10] : memref<320000xi32, #tpu.memory_space<hbm>> -> memref<10000xi32, #tpu.memory_space<hbm>>
      tpu.wait_dma2 semaphore(%run_scoped3A : memref<!tpu.dma_semaphore, #tpu.memory_space<semaphore_mem>>) src(%dma_wait3A_45 : memref<10000xi32, #tpu.memory_space<hbm>>) dst(%arg8 : memref<10000xi32, #tpu.memory_space<vmem>>)
      tpu.yield
    }) : () -> ()
    %dma_start3A = arith.constant 0 : i32
    %dma_start3A_11 = tpu.memref_slice %arg8[%dma_start3A] : memref<10000xi32, #tpu.memory_space<vmem>> -> memref<80xi32, #tpu.memory_space<vmem>>
    %dma_start3A_12 = arith.constant 0 : i32
    %dma_start3A_13 = arith.constant 0 : i32
    %dma_start3A_14 = tpu.memref_slice %arg2[%dma_start3A_12, %dma_start3A_13] : memref<10000x128xf32, #tpu.memory_space<hbm>> -> memref<10000x128xf32, #tpu.memory_space<hbm>>
    tpu.enqueue_indirect_dma source(%dma_start3A_14 : memref<10000x128xf32, #tpu.memory_space<hbm>>) target(%arg10 : memref<80x128xf32, #tpu.memory_space<vmem>>) offsets(%dma_start3A_11 : memref<80xi32, #tpu.memory_space<vmem>>) semaphore(%arg13 : memref<!tpu.dma_semaphore, #tpu.memory_space<semaphore_mem>>)
    %scan3A_15 = arith.constant 0 : i32
    %scan3A_16 = arith.constant 0 : i32
    %scan3A_17 = arith.constant 62 : i32
    %scan3A_18 = arith.addi %scan3A_16, %scan3A_17 : i32
    %scan3A_19 = arith.constant 1 : i32
    %scan3A_20 = scf.for %scan3A_42 = %scan3A_16 to %scan3A_18 step %scan3A_19 iter_args(%scan3A_43 = %scan3A_15) -> (i32)  : i32 {
      %mul3A_44 = arith.constant 2 : i32
      %mul3A_45 = arith.muli %mul3A_44, %scan3A_42 : i32
      %add3A_46 = arith.constant 1 : i32
      %add3A_47 = arith.addi %mul3A_45, %add3A_46 : i32
      %mul3A_48 = arith.constant 80 : i32
      %mul3A_49 = arith.muli %add3A_47, %mul3A_48 : i32
      %dma_start3A_50 = tpu.memref_slice %arg8[%mul3A_49] : memref<10000xi32, #tpu.memory_space<vmem>> -> memref<80xi32, #tpu.memory_space<vmem>>
      %dma_start3A_51 = arith.constant 0 : i32
      %dma_start3A_52 = arith.constant 0 : i32
      %dma_start3A_53 = tpu.memref_slice %arg2[%dma_start3A_51, %dma_start3A_52] : memref<10000x128xf32, #tpu.memory_space<hbm>> -> memref<10000x128xf32, #tpu.memory_space<hbm>>
      tpu.enqueue_indirect_dma source(%dma_start3A_53 : memref<10000x128xf32, #tpu.memory_space<hbm>>) target(%arg11 : memref<80x128xf32, #tpu.memory_space<vmem>>) offsets(%dma_start3A_50 : memref<80xi32, #tpu.memory_space<vmem>>) semaphore(%arg14 : memref<!tpu.dma_semaphore, #tpu.memory_space<semaphore_mem>>)
      %dma_wait3A_54 = arith.constant 0 : i32
      %dma_wait3A_55 = arith.constant 0 : i32
      %dma_wait3A_56 = tpu.memref_slice %arg2[%dma_wait3A_54, %dma_wait3A_55] : memref<10000x128xf32, #tpu.memory_space<hbm>> -> memref<80x128xf32, #tpu.memory_space<hbm>>
      %dma_wait3A_57 = arith.constant 0 : i32
      %dma_wait3A_58 = arith.constant 0 : i32
      %dma_wait3A_59 = tpu.memref_slice %arg2[%dma_wait3A_57, %dma_wait3A_58] : memref<10000x128xf32, #tpu.memory_space<hbm>> -> memref<80x128xf32, #tpu.memory_space<hbm>>
      tpu.wait_dma2 semaphore(%arg13 : memref<!tpu.dma_semaphore, #tpu.memory_space<semaphore_mem>>) src(%dma_wait3A_59 : memref<80x128xf32, #tpu.memory_space<hbm>>) dst(%arg10 : memref<80x128xf32, #tpu.memory_space<vmem>>)
      %scan3A_60 = arith.constant 0 : i32
      %scan3A_61 = arith.constant 0 : i32
      %scan3A_62 = arith.constant 5 : i32
      %scan3A_63 = arith.addi %scan3A_61, %scan3A_62 : i32
      %scan3A_64 = arith.constant 1 : i32
      %scan3A_65 = scf.for %scan3A_87 = %scan3A_61 to %scan3A_63 step %scan3A_64 iter_args(%scan3A_88 = %scan3A_60) -> (i32)  : i32 {
        %mul3A_89 = arith.constant 80 : i32
        %mul3A_90 = arith.muli %mul3A_45, %mul3A_89 : i32
        %mul3A_91 = arith.constant 16 : i32
        %mul3A_92 = arith.muli %scan3A_87, %mul3A_91 : i32
        %add3A_93 = arith.addi %mul3A_90, %mul3A_92 : i32
        %get3A = arith.index_cast %add3A_93 : i32 to index
        %get3A_94 = tpu.vector_load %arg7[%get3A] {strides = array<i32>} : memref<10000xi32, #tpu.memory_space<vmem>>, vector<16xi32>,
        %get3A_95 = vector.shape_cast %get3A_94 : vector<16xi32> to vector<16xi32>
        %mul3A_96 = arith.constant 16 : i32
        %mul3A_97 = arith.muli %scan3A_87, %mul3A_96 : i32
        %swap3A = arith.index_cast %mul3A_97 : i32 to index
        %swap3A_98 = tpu.vector_load %arg9[%swap3A] {strides = array<i32>} : memref<80xi32, #tpu.memory_space<vmem>>, vector<16xi32>,
        %swap3A_99 = vector.shape_cast %swap3A_98 : vector<16xi32> to vector<16xi32>
        %swap3A_100 = vector.shape_cast %get3A_95 : vector<16xi32> to vector<16xi32>
        tpu.vector_store %arg9[%swap3A], %swap3A_100 {strides = array<i32>} : memref<80xi32, #tpu.memory_space<vmem>>, vector<16xi32>,
        %scan3A_101 = arith.constant 0 : i32
        scf.yield %scan3A_101 : i32
      }
      %scan3A_66 = arith.constant 5 : i32
      "tpu.region"() ({
        %run_scoped3A = tpu.sem_alloc : memref<!tpu.dma_semaphore, #tpu.memory_space<semaphore_mem>>
        %dma_start3A_87 = arith.constant 0 : i32
        %dma_start3A_88 = arith.constant 0 : i32
        %dma_start3A_89 = tpu.memref_slice %arg12[%dma_start3A_87, %dma_start3A_88] : memref<10240x128xf32, #tpu.memory_space<vmem_shared>> -> memref<10240x128xf32, #tpu.memory_space<vmem_shared>>
        tpu.enqueue_indirect_dma source(%arg10 : memref<80x128xf32, #tpu.memory_space<vmem>>) target(%dma_start3A_89 : memref<10240x128xf32, #tpu.memory_space<vmem_shared>>) offsets(%arg9 : memref<80xi32, #tpu.memory_space<vmem>>) semaphore(%run_scoped3A : memref<!tpu.dma_semaphore, #tpu.memory_space<semaphore_mem>>) {add = true}
        %dma_wait3A_90 = arith.constant 0 : i32
        %dma_wait3A_91 = arith.constant 0 : i32
        %dma_wait3A_92 = tpu.memref_slice %arg12[%dma_wait3A_90, %dma_wait3A_91] : memref<10240x128xf32, #tpu.memory_space<vmem_shared>> -> memref<10240x128xf32, #tpu.memory_space<vmem_shared>>
        tpu.wait_indirect_dma semaphore(%run_scoped3A : memref<!tpu.dma_semaphore, #tpu.memory_space<semaphore_mem>>) src(%arg10 : memref<80x128xf32, #tpu.memory_space<vmem>>) dst(%dma_wait3A_92 : memref<10240x128xf32, #tpu.memory_space<vmem_shared>>)
        tpu.yield
      }) : () -> ()
      %add3A_67 = arith.constant 2 : i32
      %add3A_68 = arith.addi %mul3A_45, %add3A_67 : i32
      %lt3A = arith.constant 125 : i32
      %lt3A_69 = arith.cmpi slt, %add3A_68, %lt3A : i32
      %convert_element_type3A = arith.extui %lt3A_69 : i1 to i32
      %cond3A = arith.constant 0 : i32
      %cond3A_70 = arith.cmpi ne, %convert_element_type3A, %cond3A : i32
      scf.if %cond3A_70 {
        %add3A_87 = arith.constant 2 : i32
        %add3A_88 = arith.addi %mul3A_45, %add3A_87 : i32
        %mul3A_89 = arith.constant 80 : i32
        %mul3A_90 = arith.muli %add3A_88, %mul3A_89 : i32
        %dma_start3A_91 = tpu.memref_slice %arg8[%mul3A_90] : memref<10000xi32, #tpu.memory_space<vmem>> -> memref<80xi32, #tpu.memory_space<vmem>>
        %dma_start3A_92 = arith.constant 0 : i32
        %dma_start3A_93 = arith.constant 0 : i32
        %dma_start3A_94 = tpu.memref_slice %arg2[%dma_start3A_92, %dma_start3A_93] : memref<10000x128xf32, #tpu.memory_space<hbm>> -> memref<10000x128xf32, #tpu.memory_space<hbm>>
        tpu.enqueue_indirect_dma source(%dma_start3A_94 : memref<10000x128xf32, #tpu.memory_space<hbm>>) target(%arg10 : memref<80x128xf32, #tpu.memory_space<vmem>>) offsets(%dma_start3A_91 : memref<80xi32, #tpu.memory_space<vmem>>) semaphore(%arg13 : memref<!tpu.dma_semaphore, #tpu.memory_space<semaphore_mem>>)
      } else {
      }
      %dma_wait3A_71 = arith.constant 0 : i32
      %dma_wait3A_72 = arith.constant 0 : i32
      %dma_wait3A_73 = tpu.memref_slice %arg2[%dma_wait3A_71, %dma_wait3A_72] : memref<10000x128xf32, #tpu.memory_space<hbm>> -> memref<80x128xf32, #tpu.memory_space<hbm>>
      %dma_wait3A_74 = arith.constant 0 : i32
      %dma_wait3A_75 = arith.constant 0 : i32
      %dma_wait3A_76 = tpu.memref_slice %arg2[%dma_wait3A_74, %dma_wait3A_75] : memref<10000x128xf32, #tpu.memory_space<hbm>> -> memref<80x128xf32, #tpu.memory_space<hbm>>
      tpu.wait_dma2 semaphore(%arg14 : memref<!tpu.dma_semaphore, #tpu.memory_space<semaphore_mem>>) src(%dma_wait3A_76 : memref<80x128xf32, #tpu.memory_space<hbm>>) dst(%arg11 : memref<80x128xf32, #tpu.memory_space<vmem>>)
      %add3A_77 = arith.constant 1 : i32
      %add3A_78 = arith.addi %mul3A_45, %add3A_77 : i32
      %scan3A_79 = arith.constant 0 : i32
      %scan3A_80 = arith.constant 0 : i32
      %scan3A_81 = arith.constant 5 : i32
      %scan3A_82 = arith.addi %scan3A_80, %scan3A_81 : i32
      %scan3A_83 = arith.constant 1 : i32
      %scan3A_84 = scf.for %scan3A_87 = %scan3A_80 to %scan3A_82 step %scan3A_83 iter_args(%scan3A_88 = %scan3A_79) -> (i32)  : i32 {
        %mul3A_89 = arith.constant 80 : i32
        %mul3A_90 = arith.muli %add3A_78, %mul3A_89 : i32
        %mul3A_91 = arith.constant 16 : i32
        %mul3A_92 = arith.muli %scan3A_87, %mul3A_91 : i32
        %add3A_93 = arith.addi %mul3A_90, %mul3A_92 : i32
        %get3A = arith.index_cast %add3A_93 : i32 to index
        %get3A_94 = tpu.vector_load %arg7[%get3A] {strides = array<i32>} : memref<10000xi32, #tpu.memory_space<vmem>>, vector<16xi32>,
        %get3A_95 = vector.shape_cast %get3A_94 : vector<16xi32> to vector<16xi32>
        %mul3A_96 = arith.constant 16 : i32
        %mul3A_97 = arith.muli %scan3A_87, %mul3A_96 : i32
        %swap3A = arith.index_cast %mul3A_97 : i32 to index
        %swap3A_98 = tpu.vector_load %arg9[%swap3A] {strides = array<i32>} : memref<80xi32, #tpu.memory_space<vmem>>, vector<16xi32>,
        %swap3A_99 = vector.shape_cast %swap3A_98 : vector<16xi32> to vector<16xi32>
        %swap3A_100 = vector.shape_cast %get3A_95 : vector<16xi32> to vector<16xi32>
        tpu.vector_store %arg9[%swap3A], %swap3A_100 {strides = array<i32>} : memref<80xi32, #tpu.memory_space<vmem>>, vector<16xi32>,
        %scan3A_101 = arith.constant 0 : i32
        scf.yield %scan3A_101 : i32
      }
      %scan3A_85 = arith.constant 5 : i32
      "tpu.region"() ({
        %run_scoped3A = tpu.sem_alloc : memref<!tpu.dma_semaphore, #tpu.memory_space<semaphore_mem>>
        %dma_start3A_87 = arith.constant 0 : i32
        %dma_start3A_88 = arith.constant 0 : i32
        %dma_start3A_89 = tpu.memref_slice %arg12[%dma_start3A_87, %dma_start3A_88] : memref<10240x128xf32, #tpu.memory_space<vmem_shared>> -> memref<10240x128xf32, #tpu.memory_space<vmem_shared>>
        tpu.enqueue_indirect_dma source(%arg11 : memref<80x128xf32, #tpu.memory_space<vmem>>) target(%dma_start3A_89 : memref<10240x128xf32, #tpu.memory_space<vmem_shared>>) offsets(%arg9 : memref<80xi32, #tpu.memory_space<vmem>>) semaphore(%run_scoped3A : memref<!tpu.dma_semaphore, #tpu.memory_space<semaphore_mem>>) {add = true}
        %dma_wait3A_90 = arith.constant 0 : i32
        %dma_wait3A_91 = arith.constant 0 : i32
        %dma_wait3A_92 = tpu.memref_slice %arg12[%dma_wait3A_90, %dma_wait3A_91] : memref<10240x128xf32, #tpu.memory_space<vmem_shared>> -> memref<10240x128xf32, #tpu.memory_space<vmem_shared>>
        tpu.wait_indirect_dma semaphore(%run_scoped3A : memref<!tpu.dma_semaphore, #tpu.memory_space<semaphore_mem>>) src(%arg11 : memref<80x128xf32, #tpu.memory_space<vmem>>) dst(%dma_wait3A_92 : memref<10240x128xf32, #tpu.memory_space<vmem_shared>>)
        tpu.yield
      }) : () -> ()
      %scan3A_86 = arith.constant 0 : i32
      scf.yield %scan3A_86 : i32
    }
    %scan3A_21 = arith.constant 62 : i32
    %dma_wait3A = arith.constant 0 : i32
    %dma_wait3A_22 = arith.constant 0 : i32
    %dma_wait3A_23 = tpu.memref_slice %arg2[%dma_wait3A, %dma_wait3A_22] : memref<10000x128xf32, #tpu.memory_space<hbm>> -> memref<80x128xf32, #tpu.memory_space<hbm>>
    %dma_wait3A_24 = arith.constant 0 : i32
    %dma_wait3A_25 = arith.constant 0 : i32
    %dma_wait3A_26 = tpu.memref_slice %arg2[%dma_wait3A_24, %dma_wait3A_25] : memref<10000x128xf32, #tpu.memory_space<hbm>> -> memref<80x128xf32, #tpu.memory_space<hbm>>
    tpu.wait_dma2 semaphore(%arg13 : memref<!tpu.dma_semaphore, #tpu.memory_space<semaphore_mem>>) src(%dma_wait3A_26 : memref<80x128xf32, #tpu.memory_space<hbm>>) dst(%arg10 : memref<80x128xf32, #tpu.memory_space<vmem>>)
    %scan3A_27 = arith.constant 0 : i32
    %scan3A_28 = arith.constant 0 : i32
    %scan3A_29 = arith.constant 5 : i32
    %scan3A_30 = arith.addi %scan3A_28, %scan3A_29 : i32
    %scan3A_31 = arith.constant 1 : i32
    %scan3A_32 = scf.for %scan3A_42 = %scan3A_28 to %scan3A_30 step %scan3A_31 iter_args(%scan3A_43 = %scan3A_27) -> (i32)  : i32 {
      %mul3A_44 = arith.constant 16 : i32
      %mul3A_45 = arith.muli %scan3A_42, %mul3A_44 : i32
      %add3A_46 = arith.constant 9920 : i32
      %add3A_47 = arith.addi %add3A_46, %mul3A_45 : i32
      %get3A = arith.index_cast %add3A_47 : i32 to index
      %get3A_48 = tpu.vector_load %arg7[%get3A] {strides = array<i32>} : memref<10000xi32, #tpu.memory_space<vmem>>, vector<16xi32>,
      %get3A_49 = vector.shape_cast %get3A_48 : vector<16xi32> to vector<16xi32>
      %mul3A_50 = arith.constant 16 : i32
      %mul3A_51 = arith.muli %scan3A_42, %mul3A_50 : i32
      %swap3A = arith.index_cast %mul3A_51 : i32 to index
      %swap3A_52 = tpu.vector_load %arg9[%swap3A] {strides = array<i32>} : memref<80xi32, #tpu.memory_space<vmem>>, vector<16xi32>,
      %swap3A_53 = vector.shape_cast %swap3A_52 : vector<16xi32> to vector<16xi32>
      %swap3A_54 = vector.shape_cast %get3A_49 : vector<16xi32> to vector<16xi32>
      tpu.vector_store %arg9[%swap3A], %swap3A_54 {strides = array<i32>} : memref<80xi32, #tpu.memory_space<vmem>>, vector<16xi32>,
      %scan3A_55 = arith.constant 0 : i32
      scf.yield %scan3A_55 : i32
    }
    %scan3A_33 = arith.constant 5 : i32
    "tpu.region"() ({
      %run_scoped3A = tpu.sem_alloc : memref<!tpu.dma_semaphore, #tpu.memory_space<semaphore_mem>>
      %dma_start3A_42 = arith.constant 0 : i32
      %dma_start3A_43 = arith.constant 0 : i32
      %dma_start3A_44 = tpu.memref_slice %arg12[%dma_start3A_42, %dma_start3A_43] : memref<10240x128xf32, #tpu.memory_space<vmem_shared>> -> memref<10240x128xf32, #tpu.memory_space<vmem_shared>>
      tpu.enqueue_indirect_dma source(%arg10 : memref<80x128xf32, #tpu.memory_space<vmem>>) target(%dma_start3A_44 : memref<10240x128xf32, #tpu.memory_space<vmem_shared>>) offsets(%arg9 : memref<80xi32, #tpu.memory_space<vmem>>) semaphore(%run_scoped3A : memref<!tpu.dma_semaphore, #tpu.memory_space<semaphore_mem>>) {add = true}
      %dma_wait3A_45 = arith.constant 0 : i32
      %dma_wait3A_46 = arith.constant 0 : i32
      %dma_wait3A_47 = tpu.memref_slice %arg12[%dma_wait3A_45, %dma_wait3A_46] : memref<10240x128xf32, #tpu.memory_space<vmem_shared>> -> memref<10240x128xf32, #tpu.memory_space<vmem_shared>>
      tpu.wait_indirect_dma semaphore(%run_scoped3A : memref<!tpu.dma_semaphore, #tpu.memory_space<semaphore_mem>>) src(%arg10 : memref<80x128xf32, #tpu.memory_space<vmem>>) dst(%dma_wait3A_47 : memref<10240x128xf32, #tpu.memory_space<vmem_shared>>)
      tpu.yield
    }) : () -> ()
    %barrier3A_34 = arith.constant 0 : index
    tpu.barrier barrier_id(%barrier3A_34)
    %scan3A_35 = arith.constant 0 : i32
    %scan3A_36 = arith.constant 0 : i32
    %scan3A_37 = arith.constant 8 : i32
    %scan3A_38 = arith.addi %scan3A_36, %scan3A_37 : i32
    %scan3A_39 = arith.constant 1 : i32
    %scan3A_40 = scf.for %scan3A_42 = %scan3A_36 to %scan3A_38 step %scan3A_39 iter_args(%scan3A_43 = %scan3A_35) -> (i32)  : i32 {
      %mul3A_44 = arith.constant 640 : i32
      %mul3A_45 = arith.muli %arg1, %mul3A_44 : i32
      %mul3A_46 = arith.constant 80 : i32
      %mul3A_47 = arith.muli %scan3A_42, %mul3A_46 : i32
      %add3A_48 = arith.addi %mul3A_45, %mul3A_47 : i32
      "tpu.region"() ({
        %run_scoped3A = tpu.sem_alloc : memref<!tpu.dma_semaphore, #tpu.memory_space<semaphore_mem>>
        %dma_start3A_50 = arith.constant 0 : i32
        %dma_start3A_51 = tpu.memref_slice %arg12[%add3A_48, %dma_start3A_50] : memref<10240x128xf32, #tpu.memory_space<vmem_shared>> -> memref<80x128xf32, #tpu.memory_space<vmem_shared>>
        %dma_start3A_52 = arith.constant 0 : i32
        %dma_start3A_53 = tpu.memref_slice %arg12[%add3A_48, %dma_start3A_52] : memref<10240x128xf32, #tpu.memory_space<vmem_shared>> -> memref<80x128xf32, #tpu.memory_space<vmem_shared>>
        tpu.enqueue_dma source(%dma_start3A_53 : memref<80x128xf32, #tpu.memory_space<vmem_shared>>) target(%arg10 : memref<80x128xf32, #tpu.memory_space<vmem>>) target_semaphore(%run_scoped3A : memref<!tpu.dma_semaphore, #tpu.memory_space<semaphore_mem>>)
        %dma_wait3A_54 = arith.constant 0 : i32
        %dma_wait3A_55 = tpu.memref_slice %arg12[%add3A_48, %dma_wait3A_54] : memref<10240x128xf32, #tpu.memory_space<vmem_shared>> -> memref<80x128xf32, #tpu.memory_space<vmem_shared>>
        %dma_wait3A_56 = arith.constant 0 : i32
        %dma_wait3A_57 = tpu.memref_slice %arg12[%add3A_48, %dma_wait3A_56] : memref<10240x128xf32, #tpu.memory_space<vmem_shared>> -> memref<80x128xf32, #tpu.memory_space<vmem_shared>>
        tpu.wait_dma2 semaphore(%run_scoped3A : memref<!tpu.dma_semaphore, #tpu.memory_space<semaphore_mem>>) src(%dma_wait3A_57 : memref<80x128xf32, #tpu.memory_space<vmem_shared>>) dst(%arg10 : memref<80x128xf32, #tpu.memory_space<vmem>>)
        tpu.yield
      }) : () -> ()
      "tpu.region"() ({
        %run_scoped3A = tpu.sem_alloc : memref<!tpu.dma_semaphore, #tpu.memory_space<semaphore_mem>>
        %dma_start3A_50 = arith.constant 0 : i32
        %dma_start3A_51 = tpu.memref_slice %arg6[%arg0, %add3A_48, %dma_start3A_50] : memref<2x10240x128xf32, #tpu.memory_space<hbm>> -> memref<1x80x128xf32, #tpu.memory_space<hbm>>
        %dma_start3A_52 = tpu.memref_squeeze %dma_start3A_51 : memref<1x80x128xf32, #tpu.memory_space<hbm>> -> memref<80x128xf32, #tpu.memory_space<hbm>>
        %dma_start3A_53 = arith.constant 0 : i32
        %dma_start3A_54 = tpu.memref_slice %arg6[%arg0, %add3A_48, %dma_start3A_53] : memref<2x10240x128xf32, #tpu.memory_space<hbm>> -> memref<1x80x128xf32, #tpu.memory_space<hbm>>
        %dma_start3A_55 = tpu.memref_squeeze %dma_start3A_54 : memref<1x80x128xf32, #tpu.memory_space<hbm>> -> memref<80x128xf32, #tpu.memory_space<hbm>>
        tpu.enqueue_dma source(%arg10 : memref<80x128xf32, #tpu.memory_space<vmem>>) target(%dma_start3A_55 : memref<80x128xf32, #tpu.memory_space<hbm>>) target_semaphore(%run_scoped3A : memref<!tpu.dma_semaphore, #tpu.memory_space<semaphore_mem>>)
        %dma_wait3A_56 = arith.constant 0 : i32
        %dma_wait3A_57 = tpu.memref_slice %arg6[%arg0, %add3A_48, %dma_wait3A_56] : memref<2x10240x128xf32, #tpu.memory_space<hbm>> -> memref<1x80x128xf32, #tpu.memory_space<hbm>>
        %dma_wait3A_58 = tpu.memref_squeeze %dma_wait3A_57 : memref<1x80x128xf32, #tpu.memory_space<hbm>> -> memref<80x128xf32, #tpu.memory_space<hbm>>
        %dma_wait3A_59 = arith.constant 0 : i32
        %dma_wait3A_60 = tpu.memref_slice %arg6[%arg0, %add3A_48, %dma_wait3A_59] : memref<2x10240x128xf32, #tpu.memory_space<hbm>> -> memref<1x80x128xf32, #tpu.memory_space<hbm>>
        %dma_wait3A_61 = tpu.memref_squeeze %dma_wait3A_60 : memref<1x80x128xf32, #tpu.memory_space<hbm>> -> memref<80x128xf32, #tpu.memory_space<hbm>>
        tpu.wait_dma2 semaphore(%run_scoped3A : memref<!tpu.dma_semaphore, #tpu.memory_space<semaphore_mem>>) src(%arg10 : memref<80x128xf32, #tpu.memory_space<vmem>>) dst(%dma_wait3A_61 : memref<80x128xf32, #tpu.memory_space<hbm>>)
        tpu.yield
      }) : () -> ()
      %scan3A_49 = arith.constant 0 : i32
      scf.yield %scan3A_49 : i32
    }
    %scan3A_41 = arith.constant 8 : i32
    return
  }
}

module attributes {stable_mosaic.version = 14 : i64} {
  func.func @_scale_body(%arg0: i32, %arg1: memref<400x2xf32, #tpu.memory_space<vmem>>, %arg2: memref<400x128xf32, #tpu.memory_space<vmem>>, %arg3: memref<400x128xf32, #tpu.memory_space<vmem>>) attributes {dimension_semantics = [#tpu.dimension_semantics<arbitrary>], iteration_bounds = array<i64: 25>, scalar_prefetch = 0 : i64, scratch_operands = 0 : i64, tpu.core_type = #tpu.core_type<tc>, window_params = [{transform_indices = @transform_0, window_bounds = array<i64: 400, 2>}, {transform_indices = @transform_1, window_bounds = array<i64: 400, 128>}, {transform_indices = @transform_2, window_bounds = array<i64: 400, 128>}]} {
    %get3A = arith.constant 0 : index
    %get3A_0 = arith.constant 0 : index
    %get3A_1 = vector.load %arg1[%get3A, %get3A_0] : memref<400x2xf32, #tpu.memory_space<vmem>>, vector<400x1xf32>
    %get3A_2 = arith.constant 0 : index
    %get3A_3 = arith.constant 1 : index
    %get3A_4 = vector.load %arg1[%get3A_2, %get3A_3] : memref<400x2xf32, #tpu.memory_space<vmem>>, vector<400x1xf32>
    %add3A = arith.addf %get3A_1, %get3A_4 : vector<400x1xf32>
    %rsqrt3A = math.rsqrt %add3A : vector<400x1xf32>
    %get3A_5 = arith.constant 0 : index
    %get3A_6 = arith.constant 0 : index
    %get3A_7 = vector.load %arg2[%get3A_5, %get3A_6] : memref<400x128xf32, #tpu.memory_space<vmem>>, vector<400x128xf32>
    %mul3A = vector.broadcast %rsqrt3A : vector<400x1xf32> to vector<400x128xf32>
    %mul3A_8 = arith.mulf %mul3A, %get3A_7 : vector<400x128xf32>
    %swap3A = arith.constant 0 : index
    %swap3A_9 = arith.constant 0 : index
    %swap3A_10 = vector.load %arg3[%swap3A, %swap3A_9] : memref<400x128xf32, #tpu.memory_space<vmem>>, vector<400x128xf32>
    tpu.vector_store %arg3[%swap3A, %swap3A_9], %mul3A_8 {strides = array<i32>} : memref<400x128xf32, #tpu.memory_space<vmem>>, vector<400x128xf32>,
    return
  }
  func.func @transform_0(%arg0: i32) -> (i32, i32) {
    %c0_i32 = arith.constant 0 : i32
    %c0_i32_0 = arith.constant 0 : i32
    return %arg0, %c0_i32 : i32, i32
  }
  func.func @transform_1(%arg0: i32) -> (i32, i32) {
    %c0_i32 = arith.constant 0 : i32
    %c0_i32_0 = arith.constant 0 : i32
    return %arg0, %c0_i32 : i32, i32
  }
  func.func @transform_2(%arg0: i32) -> (i32, i32) {
    %c0_i32 = arith.constant 0 : i32
    %c0_i32_0 = arith.constant 0 : i32
    return %arg0, %c0_i32 : i32, i32
  }
}

module attributes {stable_mosaic.version = 14 : i64} {
  func.func @_agg_body(%arg0: i32, %arg1: memref<2x512x128xf32, #tpu.memory_space<vmem>>, %arg2: memref<512x2xf32, #tpu.memory_space<vmem>>, %arg3: memref<512x128xf32, #tpu.memory_space<vmem>>, %arg4: memref<128x512xf32, #tpu.memory_space<vmem>>) attributes {dimension_semantics = [#tpu.dimension_semantics<arbitrary>], iteration_bounds = array<i64: 20>, scalar_prefetch = 0 : i64, scratch_operands = 0 : i64, tpu.core_type = #tpu.core_type<tc>, window_params = [{transform_indices = @transform_0, window_bounds = array<i64: 2, 512, 128>}, {transform_indices = @transform_1, window_bounds = array<i64: 512, 2>}, {transform_indices = @transform_2, window_bounds = array<i64: 512, 128>}, {transform_indices = @transform_3, window_bounds = array<i64: 128, 512>}]} {
    %get3A = arith.constant 0 : index
    %get3A_0 = arith.constant 0 : index
    %get3A_1 = vector.load %arg2[%get3A, %get3A_0] : memref<512x2xf32, #tpu.memory_space<vmem>>, vector<512x1xf32>
    %get3A_2 = arith.constant 0 : index
    %get3A_3 = arith.constant 1 : index
    %get3A_4 = vector.load %arg2[%get3A_2, %get3A_3] : memref<512x2xf32, #tpu.memory_space<vmem>>, vector<512x1xf32>
    %add3A = arith.addf %get3A_1, %get3A_4 : vector<512x1xf32>
    %get3A_5 = arith.constant 0 : index
    %get3A_6 = arith.constant 0 : index
    %get3A_7 = arith.constant 0 : index
    %get3A_8 = vector.load %arg1[%get3A_5, %get3A_6, %get3A_7] : memref<2x512x128xf32, #tpu.memory_space<vmem>>, vector<1x512x128xf32>
    %get3A_9 = vector.shape_cast %get3A_8 : vector<1x512x128xf32> to vector<512x128xf32>
    %get3A_10 = arith.constant 1 : index
    %get3A_11 = arith.constant 0 : index
    %get3A_12 = arith.constant 0 : index
    %get3A_13 = vector.load %arg1[%get3A_10, %get3A_11, %get3A_12] : memref<2x512x128xf32, #tpu.memory_space<vmem>>, vector<1x512x128xf32>
    %get3A_14 = vector.shape_cast %get3A_13 : vector<1x512x128xf32> to vector<512x128xf32>
    %add3A_15 = arith.addf %get3A_9, %get3A_14 : vector<512x128xf32>
    %rsqrt3A = math.rsqrt %add3A : vector<512x1xf32>
    %gt3A = arith.constant 0.000000e+00 : f32
    %gt3A_16 = vector.broadcast %gt3A : f32 to vector<512x1xf32>
    %gt3A_17 = arith.cmpf ogt, %add3A, %gt3A_16 : vector<512x1xf32>
    %get3A_18 = arith.constant 0 : index
    %get3A_19 = arith.constant 0 : index
    %get3A_20 = vector.load %arg3[%get3A_18, %get3A_19] : memref<512x128xf32, #tpu.memory_space<vmem>>, vector<512x128xf32>
    %mul3A = vector.broadcast %add3A : vector<512x1xf32> to vector<512x128xf32>
    %mul3A_21 = arith.mulf %mul3A, %get3A_20 : vector<512x128xf32>
    %jit3A = arith.constant 0.000000e+00 : f32
    %broadcast_in_dim3A = vector.shape_cast %gt3A_17 : vector<512x1xi1> to vector<512x1xi1>
    %broadcast_in_dim3A_22 = vector.broadcast %broadcast_in_dim3A : vector<512x1xi1> to vector<512x128xi1>
    %broadcast_in_dim3A_23 = vector.broadcast %jit3A : f32 to vector<512x128xf32>
    %select_n3A = arith.select %broadcast_in_dim3A_22, %mul3A_21, %broadcast_in_dim3A_23 : vector<512x128xi1>, vector<512x128xf32>
    %mul3A_24 = arith.constant 5.000000e-01 : f32
    %mul3A_25 = vector.broadcast %mul3A_24 : f32 to vector<512x1xf32>
    %mul3A_26 = arith.mulf %mul3A_25, %rsqrt3A : vector<512x1xf32>
    %mul3A_27 = vector.broadcast %mul3A_26 : vector<512x1xf32> to vector<512x128xf32>
    %mul3A_28 = arith.mulf %mul3A_27, %add3A_15 : vector<512x128xf32>
    %mul3A_29 = arith.constant 5.000000e-01 : f32
    %mul3A_30 = vector.broadcast %mul3A_29 : f32 to vector<512x128xf32>
    %mul3A_31 = arith.mulf %mul3A_30, %select_n3A : vector<512x128xf32>
    %add3A_32 = arith.addf %mul3A_28, %mul3A_31 : vector<512x128xf32>
    %mul3A_33 = arith.constant 512 : i32
    %mul3A_34 = arith.muli %arg0, %mul3A_33 : i32
    %iota3A = tpu.iota {dimensions = array<i32: 0>} : vector<512x1xi32>
    %add3A_35 = vector.broadcast %mul3A_34 : i32 to vector<512x1xi32>
    %add3A_36 = arith.addi %add3A_35, %iota3A : vector<512x1xi32>
    %lt3A = arith.constant 10000 : i32
    %lt3A_37 = vector.broadcast %lt3A : i32 to vector<512x1xi32>
    %lt3A_38 = arith.cmpi slt, %add3A_36, %lt3A_37 : vector<512x1xi32>
    %jit3A_39 = arith.constant 0.000000e+00 : f32
    %broadcast_in_dim3A_40 = vector.shape_cast %lt3A_38 : vector<512x1xi1> to vector<512x1xi1>
    %broadcast_in_dim3A_41 = vector.broadcast %broadcast_in_dim3A_40 : vector<512x1xi1> to vector<512x128xi1>
    %broadcast_in_dim3A_42 = vector.broadcast %jit3A_39 : f32 to vector<512x128xf32>
    %select_n3A_43 = arith.select %broadcast_in_dim3A_41, %add3A_32, %broadcast_in_dim3A_42 : vector<512x128xi1>, vector<512x128xf32>
    %transpose3A = tpu.transpose %select_n3A_43, [1, 0] : vector<512x128xf32> -> vector<128x512xf32>
    %swap3A = arith.constant 0 : index
    %swap3A_44 = arith.constant 0 : index
    %swap3A_45 = vector.load %arg4[%swap3A, %swap3A_44] : memref<128x512xf32, #tpu.memory_space<vmem>>, vector<128x512xf32>
    tpu.vector_store %arg4[%swap3A, %swap3A_44], %transpose3A {strides = array<i32>} : memref<128x512xf32, #tpu.memory_space<vmem>>, vector<128x512xf32>,
    return
  }
  func.func @transform_0(%arg0: i32) -> (i32, i32, i32) {
    %c0_i32 = arith.constant 0 : i32
    %c0_i32_0 = arith.constant 0 : i32
    %c0_i32_1 = arith.constant 0 : i32
    return %c0_i32, %arg0, %c0_i32_0 : i32, i32, i32
  }
  func.func @transform_1(%arg0: i32) -> (i32, i32) {
    %c0_i32 = arith.constant 0 : i32
    %c0_i32_0 = arith.constant 0 : i32
    return %arg0, %c0_i32 : i32, i32
  }
  func.func @transform_2(%arg0: i32) -> (i32, i32) {
    %c0_i32 = arith.constant 0 : i32
    %c0_i32_0 = arith.constant 0 : i32
    return %arg0, %c0_i32 : i32, i32
  }
  func.func @transform_3(%arg0: i32) -> (i32, i32) {
    %c0_i32 = arith.constant 0 : i32
    %c0_i32_0 = arith.constant 0 : i32
    return %c0_i32, %arg0 : i32, i32
  }
}

module attributes {stable_mosaic.version = 14 : i64} {
  func.func @_q_body(%arg0: i32, %arg1: i32, %arg2: memref<128x512xbf16, #tpu.memory_space<vmem>>, %arg3: memref<128x2048xbf16, #tpu.memory_space<vmem>>, %arg4: memref<512x2048xf32, #tpu.memory_space<vmem>>) attributes {dimension_semantics = [#tpu.dimension_semantics<arbitrary>, #tpu.dimension_semantics<arbitrary>], iteration_bounds = array<i64: 20, 5>, scalar_prefetch = 0 : i64, scratch_operands = 0 : i64, tpu.core_type = #tpu.core_type<tc>, window_params = [{transform_indices = @transform_0, window_bounds = array<i64: 128, 512>}, {transform_indices = @transform_1, window_bounds = array<i64: 128, 2048>}, {transform_indices = @transform_2, window_bounds = array<i64: 512, 2048>}]} {
    %get3A = arith.constant 0 : index
    %get3A_0 = arith.constant 0 : index
    %get3A_1 = vector.load %arg2[%get3A, %get3A_0] : memref<128x512xbf16, #tpu.memory_space<vmem>>, vector<128x512xbf16>
    %get3A_2 = arith.constant 0 : index
    %get3A_3 = arith.constant 0 : index
    %get3A_4 = vector.load %arg3[%get3A_2, %get3A_3] : memref<128x2048xbf16, #tpu.memory_space<vmem>>, vector<128x2048xbf16>
    %dot_general3A = arith.constant dense<0.000000e+00> : vector<512x2048xf32>
    %dot_general3A_5 = tpu.matmul %get3A_1, %get3A_4, %dot_general3A {dimension_numbers = #tpu.dot_dimension_numbers<[0], [0], [1], [1], [0, 1, 1, 1], [], []>, transpose_lhs_hint = false} : vector<128x512xbf16>, vector<128x2048xbf16>, vector<512x2048xf32> -> vector<512x2048xf32>
    %mul3A = arith.constant 512 : i32
    %mul3A_6 = arith.muli %arg0, %mul3A : i32
    %iota3A = tpu.iota {dimensions = array<i32: 0>} : vector<512x2048xi32>
    %add3A = vector.broadcast %mul3A_6 : i32 to vector<512x2048xi32>
    %add3A_7 = arith.addi %add3A, %iota3A : vector<512x2048xi32>
    %mul3A_8 = arith.constant 2048 : i32
    %mul3A_9 = arith.muli %arg1, %mul3A_8 : i32
    %iota3A_10 = tpu.iota {dimensions = array<i32: 1>} : vector<512x2048xi32>
    %add3A_11 = vector.broadcast %mul3A_9 : i32 to vector<512x2048xi32>
    %add3A_12 = arith.addi %add3A_11, %iota3A_10 : vector<512x2048xi32>
    %eq3A = arith.cmpi eq, %add3A_7, %add3A_12 : vector<512x2048xi32>
    %jit3A = arith.constant 1.000000e+00 : f32
    %jit3A_13 = arith.constant 0.000000e+00 : f32
    %broadcast_in_dim3A = vector.broadcast %jit3A : f32 to vector<512x2048xf32>
    %broadcast_in_dim3A_14 = vector.broadcast %jit3A_13 : f32 to vector<512x2048xf32>
    %select_n3A = arith.select %eq3A, %broadcast_in_dim3A, %broadcast_in_dim3A_14 : vector<512x2048xi1>, vector<512x2048xf32>
    %sub3A = arith.subf %select_n3A, %dot_general3A_5 : vector<512x2048xf32>
    %swap3A = arith.constant 0 : index
    %swap3A_15 = arith.constant 0 : index
    %swap3A_16 = vector.load %arg4[%swap3A, %swap3A_15] : memref<512x2048xf32, #tpu.memory_space<vmem>>, vector<512x2048xf32>
    tpu.vector_store %arg4[%swap3A, %swap3A_15], %sub3A {strides = array<i32>} : memref<512x2048xf32, #tpu.memory_space<vmem>>, vector<512x2048xf32>,
    return
  }
  func.func @transform_0(%arg0: i32, %arg1: i32) -> (i32, i32) {
    %c0_i32 = arith.constant 0 : i32
    %c0_i32_0 = arith.constant 0 : i32
    return %c0_i32, %arg0 : i32, i32
  }
  func.func @transform_1(%arg0: i32, %arg1: i32) -> (i32, i32) {
    %c0_i32 = arith.constant 0 : i32
    %c0_i32_0 = arith.constant 0 : i32
    return %c0_i32, %arg1 : i32, i32
  }
  func.func @transform_2(%arg0: i32, %arg1: i32) -> (i32, i32) {
    %c0_i32 = arith.constant 0 : i32
    return %arg0, %arg1 : i32, i32
  }
}

module attributes {stable_mosaic.version = 14 : i64} {
  func.func @_panel_body(%arg0: memref<128x10240xf32, #tpu.memory_space<vmem>>, %arg1: memref<128x10240xbf16, #tpu.memory_space<vmem>>, %arg2: memref<128x10240xbf16, #tpu.memory_space<vmem>>, %arg3: memref<128x10240xf32, #tpu.memory_space<vmem>>, %arg4: memref<128x16xf32, #tpu.memory_space<vmem>>, %arg5: memref<128x10240xf32, #tpu.memory_space<vmem>>, %arg6: memref<128x10240xf32, #tpu.memory_space<vmem>>) attributes {dimension_semantics = [], scalar_prefetch = 0 : i64, scratch_operands = 4 : i64, tpu.core_type = #tpu.core_type<tc>} {
    %iota3A = tpu.iota {dimensions = array<i32: 1>} : vector<1x10240xi32>
    %iota3A_0 = tpu.iota {dimensions = array<i32: 1>} : vector<1x16xi32>
    %get3A = arith.constant 0 : index
    %get3A_1 = arith.constant 0 : index
    %get3A_2 = vector.load %arg0[%get3A, %get3A_1] : memref<128x10240xf32, #tpu.memory_space<vmem>>, vector<128x10240xf32>
    %swap3A = arith.constant 0 : index
    %swap3A_3 = arith.constant 0 : index
    %swap3A_4 = vector.load %arg3[%swap3A, %swap3A_3] : memref<128x10240xf32, #tpu.memory_space<vmem>>, vector<128x10240xf32>
    tpu.vector_store %arg3[%swap3A, %swap3A_3], %get3A_2 {strides = array<i32>} : memref<128x10240xf32, #tpu.memory_space<vmem>>, vector<128x10240xf32>,
    %broadcast_in_dim3A = arith.constant 0.000000e+00 : f32
    %broadcast_in_dim3A_5 = vector.broadcast %broadcast_in_dim3A : f32 to vector<128x10240xf32>
    %swap3A_6 = arith.constant 0 : index
    %swap3A_7 = arith.constant 0 : index
    %swap3A_8 = vector.load %arg5[%swap3A_6, %swap3A_7] : memref<128x10240xf32, #tpu.memory_space<vmem>>, vector<128x10240xf32>
    tpu.vector_store %arg5[%swap3A_6, %swap3A_7], %broadcast_in_dim3A_5 {strides = array<i32>} : memref<128x10240xf32, #tpu.memory_space<vmem>>, vector<128x10240xf32>,
    %broadcast_in_dim3A_9 = arith.constant 0.000000e+00 : f32
    %broadcast_in_dim3A_10 = vector.broadcast %broadcast_in_dim3A_9 : f32 to vector<128x16xf32>
    %swap3A_11 = arith.constant 0 : index
    %swap3A_12 = arith.constant 0 : index
    %swap3A_13 = vector.load %arg4[%swap3A_11, %swap3A_12] : memref<128x16xf32, #tpu.memory_space<vmem>>, vector<128x16xf32>
    tpu.vector_store %arg4[%swap3A_11, %swap3A_12], %broadcast_in_dim3A_10 {strides = array<i32>} : memref<128x16xf32, #tpu.memory_space<vmem>>, vector<128x16xf32>,
    %scan3A = arith.constant 0 : i32
    %scan3A_14 = arith.constant 16 : i32
    %scan3A_15 = arith.addi %scan3A, %scan3A_14 : i32
    %scan3A_16 = arith.constant 1 : i32
    scf.for %scan3A_593 = %scan3A to %scan3A_15 step %scan3A_16  : i32 {
      %add3A = arith.constant 0 : i32
      %add3A_594 = arith.addi %add3A, %scan3A_593 : i32
      %get3A_595 = arith.index_cast %add3A_594 : i32 to index
      %get3A_596 = arith.constant 0 : index
      %get3A_597 = vector.load %arg3[%get3A_595, %get3A_596] : memref<128x10240xf32, #tpu.memory_space<vmem>>, vector<1x10240xf32>
      %eq3A = vector.broadcast %add3A_594 : i32 to vector<1x10240xi32>
      %eq3A_598 = arith.cmpi eq, %iota3A, %eq3A : vector<1x10240xi32>
      %ge3A = vector.broadcast %add3A_594 : i32 to vector<1x10240xi32>
      %ge3A_599 = arith.cmpi sge, %iota3A, %ge3A : vector<1x10240xi32>
      %jit3A = arith.constant 0.000000e+00 : f32
      %broadcast_in_dim3A_600 = vector.broadcast %jit3A : f32 to vector<1x10240xf32>
      %select_n3A = arith.select %ge3A_599, %get3A_597, %broadcast_in_dim3A_600 : vector<1x10240xi1>, vector<1x10240xf32>
      %jit3A_601 = arith.constant 0.000000e+00 : f32
      %broadcast_in_dim3A_602 = vector.broadcast %jit3A_601 : f32 to vector<1x10240xf32>
      %select_n3A_603 = arith.select %eq3A_598, %get3A_597, %broadcast_in_dim3A_602 : vector<1x10240xi1>, vector<1x10240xf32>
      %reduce_sum3A = vector.shape_cast %select_n3A_603 : vector<1x10240xf32> to vector<1x1x10240xf32>
      %reduce_sum3A_604 = arith.constant dense<0.000000e+00> : vector<1xf32>
      %reduce_sum3A_605 = vector.multi_reduction <add>, %reduce_sum3A, %reduce_sum3A_604 [1, 2] : vector<1x1x10240xf32> to vector<1xf32>
      %reduce_sum3A_606 = vector.shape_cast %reduce_sum3A_605 : vector<1xf32> to vector<1x1x1xf32>
      %reduce_sum3A_607 = vector.extract %reduce_sum3A_606[0, 0, 0] : f32 from vector<1x1x1xf32>
      %mul3A = arith.mulf %select_n3A, %select_n3A : vector<1x10240xf32>
      %reduce_sum3A_608 = vector.shape_cast %mul3A : vector<1x10240xf32> to vector<1x1x10240xf32>
      %reduce_sum3A_609 = arith.constant dense<0.000000e+00> : vector<1xf32>
      %reduce_sum3A_610 = vector.multi_reduction <add>, %reduce_sum3A_608, %reduce_sum3A_609 [1, 2] : vector<1x1x10240xf32> to vector<1xf32>
      %reduce_sum3A_611 = vector.shape_cast %reduce_sum3A_610 : vector<1xf32> to vector<1x1x1xf32>
      %reduce_sum3A_612 = vector.extract %reduce_sum3A_611[0, 0, 0] : f32 from vector<1x1x1xf32>
      %sqrt3A = math.sqrt %reduce_sum3A_612 : f32
      %ge3A_613 = arith.constant 0.000000e+00 : f32
      %ge3A_614 = arith.cmpf oge, %reduce_sum3A_607, %ge3A_613 : f32
      %neg3A = arith.constant 0.000000e+00 : f32
      %neg3A_615 = arith.subf %neg3A, %sqrt3A : f32
      %select_n3A_616 = arith.select %ge3A_614, %neg3A_615, %sqrt3A : f32
      %sub3A_617 = arith.subf %reduce_sum3A_607, %select_n3A_616 : f32
      %eq3A_618 = arith.constant 0.000000e+00 : f32
      %eq3A_619 = arith.cmpf oeq, %sub3A_617, %eq3A_618 : f32
      %jit3A_620 = arith.constant 1.000000e+00 : f32
      %select_n3A_621 = arith.select %eq3A_619, %jit3A_620, %sub3A_617 : f32
      %eq3A_622 = arith.constant 0.000000e+00 : f32
      %eq3A_623 = arith.cmpf oeq, %select_n3A_616, %eq3A_622 : f32
      %jit3A_624 = arith.constant 1.000000e+00 : f32
      %select_n3A_625 = arith.select %eq3A_623, %jit3A_624, %select_n3A_616 : f32
      %gt3A = arith.constant 0.000000e+00 : f32
      %gt3A_626 = arith.cmpf ogt, %reduce_sum3A_612, %gt3A : f32
      %sub3A_627 = arith.subf %select_n3A_616, %reduce_sum3A_607 : f32
      %div3A = arith.divf %sub3A_627, %select_n3A_625 : f32
      %jit3A_628 = arith.constant 0.000000e+00 : f32
      %select_n3A_629 = arith.select %gt3A_626, %div3A, %jit3A_628 : f32
      %div3A_630 = arith.constant 1.000000e+00 : f32
      %div3A_631 = arith.divf %div3A_630, %select_n3A_621 : f32
      %mul3A_632 = vector.broadcast %div3A_631 : f32 to vector<1x10240xf32>
      %mul3A_633 = arith.mulf %select_n3A, %mul3A_632 : vector<1x10240xf32>
      %jit3A_634 = arith.constant 1.000000e+00 : f32
      %broadcast_in_dim3A_635 = vector.broadcast %jit3A_634 : f32 to vector<1x10240xf32>
      %select_n3A_636 = arith.select %eq3A_598, %broadcast_in_dim3A_635, %mul3A_633 : vector<1x10240xi1>, vector<1x10240xf32>
      %swap3A_637 = arith.index_cast %add3A_594 : i32 to index
      %swap3A_638 = arith.constant 0 : index
      %swap3A_639 = vector.load %arg5[%swap3A_637, %swap3A_638] : memref<128x10240xf32, #tpu.memory_space<vmem>>, vector<1x10240xf32>
      tpu.vector_store %arg5[%swap3A_637, %swap3A_638], %select_n3A_636 {strides = array<i32>} : memref<128x10240xf32, #tpu.memory_space<vmem>>, vector<1x10240xf32>,
      %get3A_640 = arith.constant 0 : index
      %get3A_641 = arith.constant 0 : index
      %get3A_642 = vector.load %arg3[%get3A_640, %get3A_641] : memref<128x10240xf32, #tpu.memory_space<vmem>>, vector<16x10240xf32>
      %dot_general3A_643 = arith.constant dense<0.000000e+00> : vector<16x1xf32>
      %dot_general3A_644 = tpu.matmul %get3A_642, %select_n3A_636, %dot_general3A_643 {dimension_numbers = #tpu.dot_dimension_numbers<[1], [1], [0], [0], [0, 0, 1, 0], [], []>, transpose_lhs_hint = false} : vector<16x10240xf32>, vector<1x10240xf32>, vector<16x1xf32> -> vector<16x1xf32>
      %iota3A_645 = tpu.iota {dimensions = array<i32: 0>} : vector<16x1xi32>
      %add3A_646 = arith.constant 0 : i32
      %add3A_647 = vector.broadcast %add3A_646 : i32 to vector<16x1xi32>
      %add3A_648 = arith.addi %add3A_647, %iota3A_645 : vector<16x1xi32>
      %gt3A_649 = vector.broadcast %add3A_594 : i32 to vector<16x1xi32>
      %gt3A_650 = arith.cmpi sgt, %add3A_648, %gt3A_649 : vector<16x1xi32>
      %jit3A_651 = arith.constant 0.000000e+00 : f32
      %broadcast_in_dim3A_652 = vector.broadcast %jit3A_651 : f32 to vector<16x1xf32>
      %select_n3A_653 = arith.select %gt3A_650, %dot_general3A_644, %broadcast_in_dim3A_652 : vector<16x1xi1>, vector<16x1xf32>
      %mul3A_654 = vector.broadcast %select_n3A_629 : f32 to vector<16x1xf32>
      %mul3A_655 = arith.mulf %mul3A_654, %select_n3A_653 : vector<16x1xf32>
      %mul3A_656 = vector.broadcast %mul3A_655 : vector<16x1xf32> to vector<16x10240xf32>
      %mul3A_657 = vector.broadcast %select_n3A_636 : vector<1x10240xf32> to vector<16x10240xf32>
      %mul3A_658 = arith.mulf %mul3A_656, %mul3A_657 : vector<16x10240xf32>
      %sub3A_659 = arith.subf %get3A_642, %mul3A_658 : vector<16x10240xf32>
      %swap3A_660 = arith.constant 0 : index
      %swap3A_661 = arith.constant 0 : index
      %swap3A_662 = vector.load %arg3[%swap3A_660, %swap3A_661] : memref<128x10240xf32, #tpu.memory_space<vmem>>, vector<16x10240xf32>
      tpu.vector_store %arg3[%swap3A_660, %swap3A_661], %sub3A_659 {strides = array<i32>} : memref<128x10240xf32, #tpu.memory_space<vmem>>, vector<16x10240xf32>,
      %get3A_663 = arith.constant 0 : index
      %get3A_664 = arith.constant 0 : index
      %get3A_665 = vector.load %arg5[%get3A_663, %get3A_664] : memref<128x10240xf32, #tpu.memory_space<vmem>>, vector<16x10240xf32>
      %dot_general3A_666 = arith.constant dense<0.000000e+00> : vector<1x16xf32>
      %dot_general3A_667 = tpu.matmul %select_n3A_636, %get3A_665, %dot_general3A_666 {dimension_numbers = #tpu.dot_dimension_numbers<[1], [1], [0], [0], [0, 0, 1, 0], [], []>, transpose_lhs_hint = false} : vector<1x10240xf32>, vector<16x10240xf32>, vector<1x16xf32> -> vector<1x16xf32>
      %lt3A = vector.broadcast %scan3A_593 : i32 to vector<1x16xi32>
      %lt3A_668 = arith.cmpi slt, %iota3A_0, %lt3A : vector<1x16xi32>
      %jit3A_669 = arith.constant 0.000000e+00 : f32
      %broadcast_in_dim3A_670 = vector.broadcast %jit3A_669 : f32 to vector<1x16xf32>
      %select_n3A_671 = arith.select %lt3A_668, %dot_general3A_667, %broadcast_in_dim3A_670 : vector<1x16xi1>, vector<1x16xf32>
      %get3A_672 = arith.constant 0 : index
      %get3A_673 = arith.constant 0 : index
      %get3A_674 = vector.load %arg4[%get3A_672, %get3A_673] : memref<128x16xf32, #tpu.memory_space<vmem>>, vector<16x16xf32>
      %neg3A_675 = arith.constant 0.000000e+00 : f32
      %neg3A_676 = arith.subf %neg3A_675, %select_n3A_629 : f32
      %dot_general3A_677 = arith.constant dense<0.000000e+00> : vector<1x16xf32>
      %dot_general3A_678 = tpu.matmul %select_n3A_671, %get3A_674, %dot_general3A_677 {dimension_numbers = #tpu.dot_dimension_numbers<[1], [0], [0], [1], [0, 0, 1, 1], [], []>, transpose_lhs_hint = false} : vector<1x16xf32>, vector<16x16xf32>, vector<1x16xf32> -> vector<1x16xf32>
      %mul3A_679 = vector.broadcast %neg3A_676 : f32 to vector<1x16xf32>
      %mul3A_680 = arith.mulf %mul3A_679, %dot_general3A_678 : vector<1x16xf32>
      %eq3A_681 = vector.broadcast %scan3A_593 : i32 to vector<1x16xi32>
      %eq3A_682 = arith.cmpi eq, %iota3A_0, %eq3A_681 : vector<1x16xi32>
      %jit3A_683 = arith.constant 0.000000e+00 : f32
      %broadcast_in_dim3A_684 = vector.broadcast %select_n3A_629 : f32 to vector<1x16xf32>
      %broadcast_in_dim3A_685 = vector.broadcast %jit3A_683 : f32 to vector<1x16xf32>
      %select_n3A_686 = arith.select %eq3A_682, %broadcast_in_dim3A_684, %broadcast_in_dim3A_685 : vector<1x16xi1>, vector<1x16xf32>
      %add3A_687 = arith.addf %mul3A_680, %select_n3A_686 : vector<1x16xf32>
      %swap3A_688 = arith.index_cast %add3A_594 : i32 to index
      %swap3A_689 = arith.constant 0 : index
      %swap3A_690 = vector.load %arg4[%swap3A_688, %swap3A_689] : memref<128x16xf32, #tpu.memory_space<vmem>>, vector<1x16xf32>
      tpu.vector_store %arg4[%swap3A_688, %swap3A_689], %add3A_687 {strides = array<i32>} : memref<128x16xf32, #tpu.memory_space<vmem>>, vector<1x16xf32>,
    }
    %scan3A_17 = arith.constant 16 : i32
    %get3A_18 = arith.constant 16 : index
    %get3A_19 = arith.constant 0 : index
    %get3A_20 = vector.load %arg3[%get3A_18, %get3A_19] : memref<128x10240xf32, #tpu.memory_space<vmem>>, vector<112x10240xf32>
    %get3A_21 = arith.constant 0 : index
    %get3A_22 = arith.constant 0 : index
    %get3A_23 = vector.load %arg5[%get3A_21, %get3A_22] : memref<128x10240xf32, #tpu.memory_space<vmem>>, vector<16x10240xf32>
    %get3A_24 = arith.constant 0 : index
    %get3A_25 = arith.constant 0 : index
    %get3A_26 = vector.load %arg4[%get3A_24, %get3A_25] : memref<128x16xf32, #tpu.memory_space<vmem>>, vector<16x16xf32>
    %dot_general3A = arith.constant dense<0.000000e+00> : vector<112x16xf32>
    %dot_general3A_27 = tpu.matmul %get3A_20, %get3A_23, %dot_general3A {dimension_numbers = #tpu.dot_dimension_numbers<[1], [1], [0], [0], [0, 0, 1, 0], [], []>, transpose_lhs_hint = false} : vector<112x10240xf32>, vector<16x10240xf32>, vector<112x16xf32> -> vector<112x16xf32>
    %dot_general3A_28 = arith.constant dense<0.000000e+00> : vector<112x16xf32>
    %dot_general3A_29 = tpu.matmul %dot_general3A_27, %get3A_26, %dot_general3A_28 {dimension_numbers = #tpu.dot_dimension_numbers<[1], [1], [0], [0], [0, 0, 1, 0], [], []>, transpose_lhs_hint = false} : vector<112x16xf32>, vector<16x16xf32>, vector<112x16xf32> -> vector<112x16xf32>
    %dot_general3A_30 = arith.constant dense<0.000000e+00> : vector<112x10240xf32>
    %dot_general3A_31 = tpu.matmul %dot_general3A_29, %get3A_23, %dot_general3A_30 {dimension_numbers = #tpu.dot_dimension_numbers<[1], [0], [0], [1], [0, 0, 1, 1], [], []>, transpose_lhs_hint = false} : vector<112x16xf32>, vector<16x10240xf32>, vector<112x10240xf32> -> vector<112x10240xf32>
    %sub3A = arith.subf %get3A_20, %dot_general3A_31 : vector<112x10240xf32>
    %swap3A_32 = arith.constant 16 : index
    %swap3A_33 = arith.constant 0 : index
    %swap3A_34 = vector.load %arg3[%swap3A_32, %swap3A_33] : memref<128x10240xf32, #tpu.memory_space<vmem>>, vector<112x10240xf32>
    tpu.vector_store %arg3[%swap3A_32, %swap3A_33], %sub3A {strides = array<i32>} : memref<128x10240xf32, #tpu.memory_space<vmem>>, vector<112x10240xf32>,
    %scan3A_35 = arith.constant 0 : i32
    %scan3A_36 = arith.constant 16 : i32
    %scan3A_37 = arith.addi %scan3A_35, %scan3A_36 : i32
    %scan3A_38 = arith.constant 1 : i32
    scf.for %scan3A_593 = %scan3A_35 to %scan3A_37 step %scan3A_38  : i32 {
      %add3A = arith.constant 16 : i32
      %add3A_594 = arith.addi %add3A, %scan3A_593 : i32
      %get3A_595 = arith.index_cast %add3A_594 : i32 to index
      %get3A_596 = arith.constant 0 : index
      %get3A_597 = vector.load %arg3[%get3A_595, %get3A_596] : memref<128x10240xf32, #tpu.memory_space<vmem>>, vector<1x10240xf32>
      %eq3A = vector.broadcast %add3A_594 : i32 to vector<1x10240xi32>
      %eq3A_598 = arith.cmpi eq, %iota3A, %eq3A : vector<1x10240xi32>
      %ge3A = vector.broadcast %add3A_594 : i32 to vector<1x10240xi32>
      %ge3A_599 = arith.cmpi sge, %iota3A, %ge3A : vector<1x10240xi32>
      %jit3A = arith.constant 0.000000e+00 : f32
      %broadcast_in_dim3A_600 = vector.broadcast %jit3A : f32 to vector<1x10240xf32>
      %select_n3A = arith.select %ge3A_599, %get3A_597, %broadcast_in_dim3A_600 : vector<1x10240xi1>, vector<1x10240xf32>
      %jit3A_601 = arith.constant 0.000000e+00 : f32
      %broadcast_in_dim3A_602 = vector.broadcast %jit3A_601 : f32 to vector<1x10240xf32>
      %select_n3A_603 = arith.select %eq3A_598, %get3A_597, %broadcast_in_dim3A_602 : vector<1x10240xi1>, vector<1x10240xf32>
      %reduce_sum3A = vector.shape_cast %select_n3A_603 : vector<1x10240xf32> to vector<1x1x10240xf32>
      %reduce_sum3A_604 = arith.constant dense<0.000000e+00> : vector<1xf32>
      %reduce_sum3A_605 = vector.multi_reduction <add>, %reduce_sum3A, %reduce_sum3A_604 [1, 2] : vector<1x1x10240xf32> to vector<1xf32>
      %reduce_sum3A_606 = vector.shape_cast %reduce_sum3A_605 : vector<1xf32> to vector<1x1x1xf32>
      %reduce_sum3A_607 = vector.extract %reduce_sum3A_606[0, 0, 0] : f32 from vector<1x1x1xf32>
      %mul3A = arith.mulf %select_n3A, %select_n3A : vector<1x10240xf32>
      %reduce_sum3A_608 = vector.shape_cast %mul3A : vector<1x10240xf32> to vector<1x1x10240xf32>
      %reduce_sum3A_609 = arith.constant dense<0.000000e+00> : vector<1xf32>
      %reduce_sum3A_610 = vector.multi_reduction <add>, %reduce_sum3A_608, %reduce_sum3A_609 [1, 2] : vector<1x1x10240xf32> to vector<1xf32>
      %reduce_sum3A_611 = vector.shape_cast %reduce_sum3A_610 : vector<1xf32> to vector<1x1x1xf32>
      %reduce_sum3A_612 = vector.extract %reduce_sum3A_611[0, 0, 0] : f32 from vector<1x1x1xf32>
      %sqrt3A = math.sqrt %reduce_sum3A_612 : f32
      %ge3A_613 = arith.constant 0.000000e+00 : f32
      %ge3A_614 = arith.cmpf oge, %reduce_sum3A_607, %ge3A_613 : f32
      %neg3A = arith.constant 0.000000e+00 : f32
      %neg3A_615 = arith.subf %neg3A, %sqrt3A : f32
      %select_n3A_616 = arith.select %ge3A_614, %neg3A_615, %sqrt3A : f32
      %sub3A_617 = arith.subf %reduce_sum3A_607, %select_n3A_616 : f32
      %eq3A_618 = arith.constant 0.000000e+00 : f32
      %eq3A_619 = arith.cmpf oeq, %sub3A_617, %eq3A_618 : f32
      %jit3A_620 = arith.constant 1.000000e+00 : f32
      %select_n3A_621 = arith.select %eq3A_619, %jit3A_620, %sub3A_617 : f32
      %eq3A_622 = arith.constant 0.000000e+00 : f32
      %eq3A_623 = arith.cmpf oeq, %select_n3A_616, %eq3A_622 : f32
      %jit3A_624 = arith.constant 1.000000e+00 : f32
      %select_n3A_625 = arith.select %eq3A_623, %jit3A_624, %select_n3A_616 : f32
      %gt3A = arith.constant 0.000000e+00 : f32
      %gt3A_626 = arith.cmpf ogt, %reduce_sum3A_612, %gt3A : f32
      %sub3A_627 = arith.subf %select_n3A_616, %reduce_sum3A_607 : f32
      %div3A = arith.divf %sub3A_627, %select_n3A_625 : f32
      %jit3A_628 = arith.constant 0.000000e+00 : f32
      %select_n3A_629 = arith.select %gt3A_626, %div3A, %jit3A_628 : f32
      %div3A_630 = arith.constant 1.000000e+00 : f32
      %div3A_631 = arith.divf %div3A_630, %select_n3A_621 : f32
      %mul3A_632 = vector.broadcast %div3A_631 : f32 to vector<1x10240xf32>
      %mul3A_633 = arith.mulf %select_n3A, %mul3A_632 : vector<1x10240xf32>
      %jit3A_634 = arith.constant 1.000000e+00 : f32
      %broadcast_in_dim3A_635 = vector.broadcast %jit3A_634 : f32 to vector<1x10240xf32>
      %select_n3A_636 = arith.select %eq3A_598, %broadcast_in_dim3A_635, %mul3A_633 : vector<1x10240xi1>, vector<1x10240xf32>
      %swap3A_637 = arith.index_cast %add3A_594 : i32 to index
      %swap3A_638 = arith.constant 0 : index
      %swap3A_639 = vector.load %arg5[%swap3A_637, %swap3A_638] : memref<128x10240xf32, #tpu.memory_space<vmem>>, vector<1x10240xf32>
      tpu.vector_store %arg5[%swap3A_637, %swap3A_638], %select_n3A_636 {strides = array<i32>} : memref<128x10240xf32, #tpu.memory_space<vmem>>, vector<1x10240xf32>,
      %get3A_640 = arith.constant 16 : index
      %get3A_641 = arith.constant 0 : index
      %get3A_642 = vector.load %arg3[%get3A_640, %get3A_641] : memref<128x10240xf32, #tpu.memory_space<vmem>>, vector<16x10240xf32>
      %dot_general3A_643 = arith.constant dense<0.000000e+00> : vector<16x1xf32>
      %dot_general3A_644 = tpu.matmul %get3A_642, %select_n3A_636, %dot_general3A_643 {dimension_numbers = #tpu.dot_dimension_numbers<[1], [1], [0], [0], [0, 0, 1, 0], [], []>, transpose_lhs_hint = false} : vector<16x10240xf32>, vector<1x10240xf32>, vector<16x1xf32> -> vector<16x1xf32>
      %iota3A_645 = tpu.iota {dimensions = array<i32: 0>} : vector<16x1xi32>
      %add3A_646 = arith.constant 16 : i32
      %add3A_647 = vector.broadcast %add3A_646 : i32 to vector<16x1xi32>
      %add3A_648 = arith.addi %add3A_647, %iota3A_645 : vector<16x1xi32>
      %gt3A_649 = vector.broadcast %add3A_594 : i32 to vector<16x1xi32>
      %gt3A_650 = arith.cmpi sgt, %add3A_648, %gt3A_649 : vector<16x1xi32>
      %jit3A_651 = arith.constant 0.000000e+00 : f32
      %broadcast_in_dim3A_652 = vector.broadcast %jit3A_651 : f32 to vector<16x1xf32>
      %select_n3A_653 = arith.select %gt3A_650, %dot_general3A_644, %broadcast_in_dim3A_652 : vector<16x1xi1>, vector<16x1xf32>
      %mul3A_654 = vector.broadcast %select_n3A_629 : f32 to vector<16x1xf32>
      %mul3A_655 = arith.mulf %mul3A_654, %select_n3A_653 : vector<16x1xf32>
      %mul3A_656 = vector.broadcast %mul3A_655 : vector<16x1xf32> to vector<16x10240xf32>
      %mul3A_657 = vector.broadcast %select_n3A_636 : vector<1x10240xf32> to vector<16x10240xf32>
      %mul3A_658 = arith.mulf %mul3A_656, %mul3A_657 : vector<16x10240xf32>
      %sub3A_659 = arith.subf %get3A_642, %mul3A_658 : vector<16x10240xf32>
      %swap3A_660 = arith.constant 16 : index
      %swap3A_661 = arith.constant 0 : index
      %swap3A_662 = vector.load %arg3[%swap3A_660, %swap3A_661] : memref<128x10240xf32, #tpu.memory_space<vmem>>, vector<16x10240xf32>
      tpu.vector_store %arg3[%swap3A_660, %swap3A_661], %sub3A_659 {strides = array<i32>} : memref<128x10240xf32, #tpu.memory_space<vmem>>, vector<16x10240xf32>,
      %get3A_663 = arith.constant 16 : index
      %get3A_664 = arith.constant 0 : index
      %get3A_665 = vector.load %arg5[%get3A_663, %get3A_664] : memref<128x10240xf32, #tpu.memory_space<vmem>>, vector<16x10240xf32>
      %dot_general3A_666 = arith.constant dense<0.000000e+00> : vector<1x16xf32>
      %dot_general3A_667 = tpu.matmul %select_n3A_636, %get3A_665, %dot_general3A_666 {dimension_numbers = #tpu.dot_dimension_numbers<[1], [1], [0], [0], [0, 0, 1, 0], [], []>, transpose_lhs_hint = false} : vector<1x10240xf32>, vector<16x10240xf32>, vector<1x16xf32> -> vector<1x16xf32>
      %lt3A = vector.broadcast %scan3A_593 : i32 to vector<1x16xi32>
      %lt3A_668 = arith.cmpi slt, %iota3A_0, %lt3A : vector<1x16xi32>
      %jit3A_669 = arith.constant 0.000000e+00 : f32
      %broadcast_in_dim3A_670 = vector.broadcast %jit3A_669 : f32 to vector<1x16xf32>
      %select_n3A_671 = arith.select %lt3A_668, %dot_general3A_667, %broadcast_in_dim3A_670 : vector<1x16xi1>, vector<1x16xf32>
      %get3A_672 = arith.constant 16 : index
      %get3A_673 = arith.constant 0 : index
      %get3A_674 = vector.load %arg4[%get3A_672, %get3A_673] : memref<128x16xf32, #tpu.memory_space<vmem>>, vector<16x16xf32>
      %neg3A_675 = arith.constant 0.000000e+00 : f32
      %neg3A_676 = arith.subf %neg3A_675, %select_n3A_629 : f32
      %dot_general3A_677 = arith.constant dense<0.000000e+00> : vector<1x16xf32>
      %dot_general3A_678 = tpu.matmul %select_n3A_671, %get3A_674, %dot_general3A_677 {dimension_numbers = #tpu.dot_dimension_numbers<[1], [0], [0], [1], [0, 0, 1, 1], [], []>, transpose_lhs_hint = false} : vector<1x16xf32>, vector<16x16xf32>, vector<1x16xf32> -> vector<1x16xf32>
      %mul3A_679 = vector.broadcast %neg3A_676 : f32 to vector<1x16xf32>
      %mul3A_680 = arith.mulf %mul3A_679, %dot_general3A_678 : vector<1x16xf32>
      %eq3A_681 = vector.broadcast %scan3A_593 : i32 to vector<1x16xi32>
      %eq3A_682 = arith.cmpi eq, %iota3A_0, %eq3A_681 : vector<1x16xi32>
      %jit3A_683 = arith.constant 0.000000e+00 : f32
      %broadcast_in_dim3A_684 = vector.broadcast %select_n3A_629 : f32 to vector<1x16xf32>
      %broadcast_in_dim3A_685 = vector.broadcast %jit3A_683 : f32 to vector<1x16xf32>
      %select_n3A_686 = arith.select %eq3A_682, %broadcast_in_dim3A_684, %broadcast_in_dim3A_685 : vector<1x16xi1>, vector<1x16xf32>
      %add3A_687 = arith.addf %mul3A_680, %select_n3A_686 : vector<1x16xf32>
      %swap3A_688 = arith.index_cast %add3A_594 : i32 to index
      %swap3A_689 = arith.constant 0 : index
      %swap3A_690 = vector.load %arg4[%swap3A_688, %swap3A_689] : memref<128x16xf32, #tpu.memory_space<vmem>>, vector<1x16xf32>
      tpu.vector_store %arg4[%swap3A_688, %swap3A_689], %add3A_687 {strides = array<i32>} : memref<128x16xf32, #tpu.memory_space<vmem>>, vector<1x16xf32>,
    }
    %scan3A_39 = arith.constant 16 : i32
    %get3A_40 = arith.constant 32 : index
    %get3A_41 = arith.constant 0 : index
    %get3A_42 = vector.load %arg3[%get3A_40, %get3A_41] : memref<128x10240xf32, #tpu.memory_space<vmem>>, vector<96x10240xf32>
    %get3A_43 = arith.constant 16 : index
    %get3A_44 = arith.constant 0 : index
    %get3A_45 = vector.load %arg5[%get3A_43, %get3A_44] : memref<128x10240xf32, #tpu.memory_space<vmem>>, vector<16x10240xf32>
    %get3A_46 = arith.constant 16 : index
    %get3A_47 = arith.constant 0 : index
    %get3A_48 = vector.load %arg4[%get3A_46, %get3A_47] : memref<128x16xf32, #tpu.memory_space<vmem>>, vector<16x16xf32>
    %dot_general3A_49 = arith.constant dense<0.000000e+00> : vector<96x16xf32>
    %dot_general3A_50 = tpu.matmul %get3A_42, %get3A_45, %dot_general3A_49 {dimension_numbers = #tpu.dot_dimension_numbers<[1], [1], [0], [0], [0, 0, 1, 0], [], []>, transpose_lhs_hint = false} : vector<96x10240xf32>, vector<16x10240xf32>, vector<96x16xf32> -> vector<96x16xf32>
    %dot_general3A_51 = arith.constant dense<0.000000e+00> : vector<96x16xf32>
    %dot_general3A_52 = tpu.matmul %dot_general3A_50, %get3A_48, %dot_general3A_51 {dimension_numbers = #tpu.dot_dimension_numbers<[1], [1], [0], [0], [0, 0, 1, 0], [], []>, transpose_lhs_hint = false} : vector<96x16xf32>, vector<16x16xf32>, vector<96x16xf32> -> vector<96x16xf32>
    %dot_general3A_53 = arith.constant dense<0.000000e+00> : vector<96x10240xf32>
    %dot_general3A_54 = tpu.matmul %dot_general3A_52, %get3A_45, %dot_general3A_53 {dimension_numbers = #tpu.dot_dimension_numbers<[1], [0], [0], [1], [0, 0, 1, 1], [], []>, transpose_lhs_hint = false} : vector<96x16xf32>, vector<16x10240xf32>, vector<96x10240xf32> -> vector<96x10240xf32>
    %sub3A_55 = arith.subf %get3A_42, %dot_general3A_54 : vector<96x10240xf32>
    %swap3A_56 = arith.constant 32 : index
    %swap3A_57 = arith.constant 0 : index
    %swap3A_58 = vector.load %arg3[%swap3A_56, %swap3A_57] : memref<128x10240xf32, #tpu.memory_space<vmem>>, vector<96x10240xf32>
    tpu.vector_store %arg3[%swap3A_56, %swap3A_57], %sub3A_55 {strides = array<i32>} : memref<128x10240xf32, #tpu.memory_space<vmem>>, vector<96x10240xf32>,
    %scan3A_59 = arith.constant 0 : i32
    %scan3A_60 = arith.constant 16 : i32
    %scan3A_61 = arith.addi %scan3A_59, %scan3A_60 : i32
    %scan3A_62 = arith.constant 1 : i32
    scf.for %scan3A_593 = %scan3A_59 to %scan3A_61 step %scan3A_62  : i32 {
      %add3A = arith.constant 32 : i32
      %add3A_594 = arith.addi %add3A, %scan3A_593 : i32
      %get3A_595 = arith.index_cast %add3A_594 : i32 to index
      %get3A_596 = arith.constant 0 : index
      %get3A_597 = vector.load %arg3[%get3A_595, %get3A_596] : memref<128x10240xf32, #tpu.memory_space<vmem>>, vector<1x10240xf32>
      %eq3A = vector.broadcast %add3A_594 : i32 to vector<1x10240xi32>
      %eq3A_598 = arith.cmpi eq, %iota3A, %eq3A : vector<1x10240xi32>
      %ge3A = vector.broadcast %add3A_594 : i32 to vector<1x10240xi32>
      %ge3A_599 = arith.cmpi sge, %iota3A, %ge3A : vector<1x10240xi32>
      %jit3A = arith.constant 0.000000e+00 : f32
      %broadcast_in_dim3A_600 = vector.broadcast %jit3A : f32 to vector<1x10240xf32>
      %select_n3A = arith.select %ge3A_599, %get3A_597, %broadcast_in_dim3A_600 : vector<1x10240xi1>, vector<1x10240xf32>
      %jit3A_601 = arith.constant 0.000000e+00 : f32
      %broadcast_in_dim3A_602 = vector.broadcast %jit3A_601 : f32 to vector<1x10240xf32>
      %select_n3A_603 = arith.select %eq3A_598, %get3A_597, %broadcast_in_dim3A_602 : vector<1x10240xi1>, vector<1x10240xf32>
      %reduce_sum3A = vector.shape_cast %select_n3A_603 : vector<1x10240xf32> to vector<1x1x10240xf32>
      %reduce_sum3A_604 = arith.constant dense<0.000000e+00> : vector<1xf32>
      %reduce_sum3A_605 = vector.multi_reduction <add>, %reduce_sum3A, %reduce_sum3A_604 [1, 2] : vector<1x1x10240xf32> to vector<1xf32>
      %reduce_sum3A_606 = vector.shape_cast %reduce_sum3A_605 : vector<1xf32> to vector<1x1x1xf32>
      %reduce_sum3A_607 = vector.extract %reduce_sum3A_606[0, 0, 0] : f32 from vector<1x1x1xf32>
      %mul3A = arith.mulf %select_n3A, %select_n3A : vector<1x10240xf32>
      %reduce_sum3A_608 = vector.shape_cast %mul3A : vector<1x10240xf32> to vector<1x1x10240xf32>
      %reduce_sum3A_609 = arith.constant dense<0.000000e+00> : vector<1xf32>
      %reduce_sum3A_610 = vector.multi_reduction <add>, %reduce_sum3A_608, %reduce_sum3A_609 [1, 2] : vector<1x1x10240xf32> to vector<1xf32>
      %reduce_sum3A_611 = vector.shape_cast %reduce_sum3A_610 : vector<1xf32> to vector<1x1x1xf32>
      %reduce_sum3A_612 = vector.extract %reduce_sum3A_611[0, 0, 0] : f32 from vector<1x1x1xf32>
      %sqrt3A = math.sqrt %reduce_sum3A_612 : f32
      %ge3A_613 = arith.constant 0.000000e+00 : f32
      %ge3A_614 = arith.cmpf oge, %reduce_sum3A_607, %ge3A_613 : f32
      %neg3A = arith.constant 0.000000e+00 : f32
      %neg3A_615 = arith.subf %neg3A, %sqrt3A : f32
      %select_n3A_616 = arith.select %ge3A_614, %neg3A_615, %sqrt3A : f32
      %sub3A_617 = arith.subf %reduce_sum3A_607, %select_n3A_616 : f32
      %eq3A_618 = arith.constant 0.000000e+00 : f32
      %eq3A_619 = arith.cmpf oeq, %sub3A_617, %eq3A_618 : f32
      %jit3A_620 = arith.constant 1.000000e+00 : f32
      %select_n3A_621 = arith.select %eq3A_619, %jit3A_620, %sub3A_617 : f32
      %eq3A_622 = arith.constant 0.000000e+00 : f32
      %eq3A_623 = arith.cmpf oeq, %select_n3A_616, %eq3A_622 : f32
      %jit3A_624 = arith.constant 1.000000e+00 : f32
      %select_n3A_625 = arith.select %eq3A_623, %jit3A_624, %select_n3A_616 : f32
      %gt3A = arith.constant 0.000000e+00 : f32
      %gt3A_626 = arith.cmpf ogt, %reduce_sum3A_612, %gt3A : f32
      %sub3A_627 = arith.subf %select_n3A_616, %reduce_sum3A_607 : f32
      %div3A = arith.divf %sub3A_627, %select_n3A_625 : f32
      %jit3A_628 = arith.constant 0.000000e+00 : f32
      %select_n3A_629 = arith.select %gt3A_626, %div3A, %jit3A_628 : f32
      %div3A_630 = arith.constant 1.000000e+00 : f32
      %div3A_631 = arith.divf %div3A_630, %select_n3A_621 : f32
      %mul3A_632 = vector.broadcast %div3A_631 : f32 to vector<1x10240xf32>
      %mul3A_633 = arith.mulf %select_n3A, %mul3A_632 : vector<1x10240xf32>
      %jit3A_634 = arith.constant 1.000000e+00 : f32
      %broadcast_in_dim3A_635 = vector.broadcast %jit3A_634 : f32 to vector<1x10240xf32>
      %select_n3A_636 = arith.select %eq3A_598, %broadcast_in_dim3A_635, %mul3A_633 : vector<1x10240xi1>, vector<1x10240xf32>
      %swap3A_637 = arith.index_cast %add3A_594 : i32 to index
      %swap3A_638 = arith.constant 0 : index
      %swap3A_639 = vector.load %arg5[%swap3A_637, %swap3A_638] : memref<128x10240xf32, #tpu.memory_space<vmem>>, vector<1x10240xf32>
      tpu.vector_store %arg5[%swap3A_637, %swap3A_638], %select_n3A_636 {strides = array<i32>} : memref<128x10240xf32, #tpu.memory_space<vmem>>, vector<1x10240xf32>,
      %get3A_640 = arith.constant 32 : index
      %get3A_641 = arith.constant 0 : index
      %get3A_642 = vector.load %arg3[%get3A_640, %get3A_641] : memref<128x10240xf32, #tpu.memory_space<vmem>>, vector<16x10240xf32>
      %dot_general3A_643 = arith.constant dense<0.000000e+00> : vector<16x1xf32>
      %dot_general3A_644 = tpu.matmul %get3A_642, %select_n3A_636, %dot_general3A_643 {dimension_numbers = #tpu.dot_dimension_numbers<[1], [1], [0], [0], [0, 0, 1, 0], [], []>, transpose_lhs_hint = false} : vector<16x10240xf32>, vector<1x10240xf32>, vector<16x1xf32> -> vector<16x1xf32>
      %iota3A_645 = tpu.iota {dimensions = array<i32: 0>} : vector<16x1xi32>
      %add3A_646 = arith.constant 32 : i32
      %add3A_647 = vector.broadcast %add3A_646 : i32 to vector<16x1xi32>
      %add3A_648 = arith.addi %add3A_647, %iota3A_645 : vector<16x1xi32>
      %gt3A_649 = vector.broadcast %add3A_594 : i32 to vector<16x1xi32>
      %gt3A_650 = arith.cmpi sgt, %add3A_648, %gt3A_649 : vector<16x1xi32>
      %jit3A_651 = arith.constant 0.000000e+00 : f32
      %broadcast_in_dim3A_652 = vector.broadcast %jit3A_651 : f32 to vector<16x1xf32>
      %select_n3A_653 = arith.select %gt3A_650, %dot_general3A_644, %broadcast_in_dim3A_652 : vector<16x1xi1>, vector<16x1xf32>
      %mul3A_654 = vector.broadcast %select_n3A_629 : f32 to vector<16x1xf32>
      %mul3A_655 = arith.mulf %mul3A_654, %select_n3A_653 : vector<16x1xf32>
      %mul3A_656 = vector.broadcast %mul3A_655 : vector<16x1xf32> to vector<16x10240xf32>
      %mul3A_657 = vector.broadcast %select_n3A_636 : vector<1x10240xf32> to vector<16x10240xf32>
      %mul3A_658 = arith.mulf %mul3A_656, %mul3A_657 : vector<16x10240xf32>
      %sub3A_659 = arith.subf %get3A_642, %mul3A_658 : vector<16x10240xf32>
      %swap3A_660 = arith.constant 32 : index
      %swap3A_661 = arith.constant 0 : index
      %swap3A_662 = vector.load %arg3[%swap3A_660, %swap3A_661] : memref<128x10240xf32, #tpu.memory_space<vmem>>, vector<16x10240xf32>
      tpu.vector_store %arg3[%swap3A_660, %swap3A_661], %sub3A_659 {strides = array<i32>} : memref<128x10240xf32, #tpu.memory_space<vmem>>, vector<16x10240xf32>,
      %get3A_663 = arith.constant 32 : index
      %get3A_664 = arith.constant 0 : index
      %get3A_665 = vector.load %arg5[%get3A_663, %get3A_664] : memref<128x10240xf32, #tpu.memory_space<vmem>>, vector<16x10240xf32>
      %dot_general3A_666 = arith.constant dense<0.000000e+00> : vector<1x16xf32>
      %dot_general3A_667 = tpu.matmul %select_n3A_636, %get3A_665, %dot_general3A_666 {dimension_numbers = #tpu.dot_dimension_numbers<[1], [1], [0], [0], [0, 0, 1, 0], [], []>, transpose_lhs_hint = false} : vector<1x10240xf32>, vector<16x10240xf32>, vector<1x16xf32> -> vector<1x16xf32>
      %lt3A = vector.broadcast %scan3A_593 : i32 to vector<1x16xi32>
      %lt3A_668 = arith.cmpi slt, %iota3A_0, %lt3A : vector<1x16xi32>
      %jit3A_669 = arith.constant 0.000000e+00 : f32
      %broadcast_in_dim3A_670 = vector.broadcast %jit3A_669 : f32 to vector<1x16xf32>
      %select_n3A_671 = arith.select %lt3A_668, %dot_general3A_667, %broadcast_in_dim3A_670 : vector<1x16xi1>, vector<1x16xf32>
      %get3A_672 = arith.constant 32 : index
      %get3A_673 = arith.constant 0 : index
      %get3A_674 = vector.load %arg4[%get3A_672, %get3A_673] : memref<128x16xf32, #tpu.memory_space<vmem>>, vector<16x16xf32>
      %neg3A_675 = arith.constant 0.000000e+00 : f32
      %neg3A_676 = arith.subf %neg3A_675, %select_n3A_629 : f32
      %dot_general3A_677 = arith.constant dense<0.000000e+00> : vector<1x16xf32>
      %dot_general3A_678 = tpu.matmul %select_n3A_671, %get3A_674, %dot_general3A_677 {dimension_numbers = #tpu.dot_dimension_numbers<[1], [0], [0], [1], [0, 0, 1, 1], [], []>, transpose_lhs_hint = false} : vector<1x16xf32>, vector<16x16xf32>, vector<1x16xf32> -> vector<1x16xf32>
      %mul3A_679 = vector.broadcast %neg3A_676 : f32 to vector<1x16xf32>
      %mul3A_680 = arith.mulf %mul3A_679, %dot_general3A_678 : vector<1x16xf32>
      %eq3A_681 = vector.broadcast %scan3A_593 : i32 to vector<1x16xi32>
      %eq3A_682 = arith.cmpi eq, %iota3A_0, %eq3A_681 : vector<1x16xi32>
      %jit3A_683 = arith.constant 0.000000e+00 : f32
      %broadcast_in_dim3A_684 = vector.broadcast %select_n3A_629 : f32 to vector<1x16xf32>
      %broadcast_in_dim3A_685 = vector.broadcast %jit3A_683 : f32 to vector<1x16xf32>
      %select_n3A_686 = arith.select %eq3A_682, %broadcast_in_dim3A_684, %broadcast_in_dim3A_685 : vector<1x16xi1>, vector<1x16xf32>
      %add3A_687 = arith.addf %mul3A_680, %select_n3A_686 : vector<1x16xf32>
      %swap3A_688 = arith.index_cast %add3A_594 : i32 to index
      %swap3A_689 = arith.constant 0 : index
      %swap3A_690 = vector.load %arg4[%swap3A_688, %swap3A_689] : memref<128x16xf32, #tpu.memory_space<vmem>>, vector<1x16xf32>
      tpu.vector_store %arg4[%swap3A_688, %swap3A_689], %add3A_687 {strides = array<i32>} : memref<128x16xf32, #tpu.memory_space<vmem>>, vector<1x16xf32>,
    }
    %scan3A_63 = arith.constant 16 : i32
    %get3A_64 = arith.constant 48 : index
    %get3A_65 = arith.constant 0 : index
    %get3A_66 = vector.load %arg3[%get3A_64, %get3A_65] : memref<128x10240xf32, #tpu.memory_space<vmem>>, vector<80x10240xf32>
    %get3A_67 = arith.constant 32 : index
    %get3A_68 = arith.constant 0 : index
    %get3A_69 = vector.load %arg5[%get3A_67, %get3A_68] : memref<128x10240xf32, #tpu.memory_space<vmem>>, vector<16x10240xf32>
    %get3A_70 = arith.constant 32 : index
    %get3A_71 = arith.constant 0 : index
    %get3A_72 = vector.load %arg4[%get3A_70, %get3A_71] : memref<128x16xf32, #tpu.memory_space<vmem>>, vector<16x16xf32>
    %dot_general3A_73 = arith.constant dense<0.000000e+00> : vector<80x16xf32>
    %dot_general3A_74 = tpu.matmul %get3A_66, %get3A_69, %dot_general3A_73 {dimension_numbers = #tpu.dot_dimension_numbers<[1], [1], [0], [0], [0, 0, 1, 0], [], []>, transpose_lhs_hint = false} : vector<80x10240xf32>, vector<16x10240xf32>, vector<80x16xf32> -> vector<80x16xf32>
    %dot_general3A_75 = arith.constant dense<0.000000e+00> : vector<80x16xf32>
    %dot_general3A_76 = tpu.matmul %dot_general3A_74, %get3A_72, %dot_general3A_75 {dimension_numbers = #tpu.dot_dimension_numbers<[1], [1], [0], [0], [0, 0, 1, 0], [], []>, transpose_lhs_hint = false} : vector<80x16xf32>, vector<16x16xf32>, vector<80x16xf32> -> vector<80x16xf32>
    %dot_general3A_77 = arith.constant dense<0.000000e+00> : vector<80x10240xf32>
    %dot_general3A_78 = tpu.matmul %dot_general3A_76, %get3A_69, %dot_general3A_77 {dimension_numbers = #tpu.dot_dimension_numbers<[1], [0], [0], [1], [0, 0, 1, 1], [], []>, transpose_lhs_hint = false} : vector<80x16xf32>, vector<16x10240xf32>, vector<80x10240xf32> -> vector<80x10240xf32>
    %sub3A_79 = arith.subf %get3A_66, %dot_general3A_78 : vector<80x10240xf32>
    %swap3A_80 = arith.constant 48 : index
    %swap3A_81 = arith.constant 0 : index
    %swap3A_82 = vector.load %arg3[%swap3A_80, %swap3A_81] : memref<128x10240xf32, #tpu.memory_space<vmem>>, vector<80x10240xf32>
    tpu.vector_store %arg3[%swap3A_80, %swap3A_81], %sub3A_79 {strides = array<i32>} : memref<128x10240xf32, #tpu.memory_space<vmem>>, vector<80x10240xf32>,
    %scan3A_83 = arith.constant 0 : i32
    %scan3A_84 = arith.constant 16 : i32
    %scan3A_85 = arith.addi %scan3A_83, %scan3A_84 : i32
    %scan3A_86 = arith.constant 1 : i32
    scf.for %scan3A_593 = %scan3A_83 to %scan3A_85 step %scan3A_86  : i32 {
      %add3A = arith.constant 48 : i32
      %add3A_594 = arith.addi %add3A, %scan3A_593 : i32
      %get3A_595 = arith.index_cast %add3A_594 : i32 to index
      %get3A_596 = arith.constant 0 : index
      %get3A_597 = vector.load %arg3[%get3A_595, %get3A_596] : memref<128x10240xf32, #tpu.memory_space<vmem>>, vector<1x10240xf32>
      %eq3A = vector.broadcast %add3A_594 : i32 to vector<1x10240xi32>
      %eq3A_598 = arith.cmpi eq, %iota3A, %eq3A : vector<1x10240xi32>
      %ge3A = vector.broadcast %add3A_594 : i32 to vector<1x10240xi32>
      %ge3A_599 = arith.cmpi sge, %iota3A, %ge3A : vector<1x10240xi32>
      %jit3A = arith.constant 0.000000e+00 : f32
      %broadcast_in_dim3A_600 = vector.broadcast %jit3A : f32 to vector<1x10240xf32>
      %select_n3A = arith.select %ge3A_599, %get3A_597, %broadcast_in_dim3A_600 : vector<1x10240xi1>, vector<1x10240xf32>
      %jit3A_601 = arith.constant 0.000000e+00 : f32
      %broadcast_in_dim3A_602 = vector.broadcast %jit3A_601 : f32 to vector<1x10240xf32>
      %select_n3A_603 = arith.select %eq3A_598, %get3A_597, %broadcast_in_dim3A_602 : vector<1x10240xi1>, vector<1x10240xf32>
      %reduce_sum3A = vector.shape_cast %select_n3A_603 : vector<1x10240xf32> to vector<1x1x10240xf32>
      %reduce_sum3A_604 = arith.constant dense<0.000000e+00> : vector<1xf32>
      %reduce_sum3A_605 = vector.multi_reduction <add>, %reduce_sum3A, %reduce_sum3A_604 [1, 2] : vector<1x1x10240xf32> to vector<1xf32>
      %reduce_sum3A_606 = vector.shape_cast %reduce_sum3A_605 : vector<1xf32> to vector<1x1x1xf32>
      %reduce_sum3A_607 = vector.extract %reduce_sum3A_606[0, 0, 0] : f32 from vector<1x1x1xf32>
      %mul3A = arith.mulf %select_n3A, %select_n3A : vector<1x10240xf32>
      %reduce_sum3A_608 = vector.shape_cast %mul3A : vector<1x10240xf32> to vector<1x1x10240xf32>
      %reduce_sum3A_609 = arith.constant dense<0.000000e+00> : vector<1xf32>
      %reduce_sum3A_610 = vector.multi_reduction <add>, %reduce_sum3A_608, %reduce_sum3A_609 [1, 2] : vector<1x1x10240xf32> to vector<1xf32>
      %reduce_sum3A_611 = vector.shape_cast %reduce_sum3A_610 : vector<1xf32> to vector<1x1x1xf32>
      %reduce_sum3A_612 = vector.extract %reduce_sum3A_611[0, 0, 0] : f32 from vector<1x1x1xf32>
      %sqrt3A = math.sqrt %reduce_sum3A_612 : f32
      %ge3A_613 = arith.constant 0.000000e+00 : f32
      %ge3A_614 = arith.cmpf oge, %reduce_sum3A_607, %ge3A_613 : f32
      %neg3A = arith.constant 0.000000e+00 : f32
      %neg3A_615 = arith.subf %neg3A, %sqrt3A : f32
      %select_n3A_616 = arith.select %ge3A_614, %neg3A_615, %sqrt3A : f32
      %sub3A_617 = arith.subf %reduce_sum3A_607, %select_n3A_616 : f32
      %eq3A_618 = arith.constant 0.000000e+00 : f32
      %eq3A_619 = arith.cmpf oeq, %sub3A_617, %eq3A_618 : f32
      %jit3A_620 = arith.constant 1.000000e+00 : f32
      %select_n3A_621 = arith.select %eq3A_619, %jit3A_620, %sub3A_617 : f32
      %eq3A_622 = arith.constant 0.000000e+00 : f32
      %eq3A_623 = arith.cmpf oeq, %select_n3A_616, %eq3A_622 : f32
      %jit3A_624 = arith.constant 1.000000e+00 : f32
      %select_n3A_625 = arith.select %eq3A_623, %jit3A_624, %select_n3A_616 : f32
      %gt3A = arith.constant 0.000000e+00 : f32
      %gt3A_626 = arith.cmpf ogt, %reduce_sum3A_612, %gt3A : f32
      %sub3A_627 = arith.subf %select_n3A_616, %reduce_sum3A_607 : f32
      %div3A = arith.divf %sub3A_627, %select_n3A_625 : f32
      %jit3A_628 = arith.constant 0.000000e+00 : f32
      %select_n3A_629 = arith.select %gt3A_626, %div3A, %jit3A_628 : f32
      %div3A_630 = arith.constant 1.000000e+00 : f32
      %div3A_631 = arith.divf %div3A_630, %select_n3A_621 : f32
      %mul3A_632 = vector.broadcast %div3A_631 : f32 to vector<1x10240xf32>
      %mul3A_633 = arith.mulf %select_n3A, %mul3A_632 : vector<1x10240xf32>
      %jit3A_634 = arith.constant 1.000000e+00 : f32
      %broadcast_in_dim3A_635 = vector.broadcast %jit3A_634 : f32 to vector<1x10240xf32>
      %select_n3A_636 = arith.select %eq3A_598, %broadcast_in_dim3A_635, %mul3A_633 : vector<1x10240xi1>, vector<1x10240xf32>
      %swap3A_637 = arith.index_cast %add3A_594 : i32 to index
      %swap3A_638 = arith.constant 0 : index
      %swap3A_639 = vector.load %arg5[%swap3A_637, %swap3A_638] : memref<128x10240xf32, #tpu.memory_space<vmem>>, vector<1x10240xf32>
      tpu.vector_store %arg5[%swap3A_637, %swap3A_638], %select_n3A_636 {strides = array<i32>} : memref<128x10240xf32, #tpu.memory_space<vmem>>, vector<1x10240xf32>,
      %get3A_640 = arith.constant 48 : index
      %get3A_641 = arith.constant 0 : index
      %get3A_642 = vector.load %arg3[%get3A_640, %get3A_641] : memref<128x10240xf32, #tpu.memory_space<vmem>>, vector<16x10240xf32>
      %dot_general3A_643 = arith.constant dense<0.000000e+00> : vector<16x1xf32>
      %dot_general3A_644 = tpu.matmul %get3A_642, %select_n3A_636, %dot_general3A_643 {dimension_numbers = #tpu.dot_dimension_numbers<[1], [1], [0], [0], [0, 0, 1, 0], [], []>, transpose_lhs_hint = false} : vector<16x10240xf32>, vector<1x10240xf32>, vector<16x1xf32> -> vector<16x1xf32>
      %iota3A_645 = tpu.iota {dimensions = array<i32: 0>} : vector<16x1xi32>
      %add3A_646 = arith.constant 48 : i32
      %add3A_647 = vector.broadcast %add3A_646 : i32 to vector<16x1xi32>
      %add3A_648 = arith.addi %add3A_647, %iota3A_645 : vector<16x1xi32>
      %gt3A_649 = vector.broadcast %add3A_594 : i32 to vector<16x1xi32>
      %gt3A_650 = arith.cmpi sgt, %add3A_648, %gt3A_649 : vector<16x1xi32>
      %jit3A_651 = arith.constant 0.000000e+00 : f32
      %broadcast_in_dim3A_652 = vector.broadcast %jit3A_651 : f32 to vector<16x1xf32>
      %select_n3A_653 = arith.select %gt3A_650, %dot_general3A_644, %broadcast_in_dim3A_652 : vector<16x1xi1>, vector<16x1xf32>
      %mul3A_654 = vector.broadcast %select_n3A_629 : f32 to vector<16x1xf32>
      %mul3A_655 = arith.mulf %mul3A_654, %select_n3A_653 : vector<16x1xf32>
      %mul3A_656 = vector.broadcast %mul3A_655 : vector<16x1xf32> to vector<16x10240xf32>
      %mul3A_657 = vector.broadcast %select_n3A_636 : vector<1x10240xf32> to vector<16x10240xf32>
      %mul3A_658 = arith.mulf %mul3A_656, %mul3A_657 : vector<16x10240xf32>
      %sub3A_659 = arith.subf %get3A_642, %mul3A_658 : vector<16x10240xf32>
      %swap3A_660 = arith.constant 48 : index
      %swap3A_661 = arith.constant 0 : index
      %swap3A_662 = vector.load %arg3[%swap3A_660, %swap3A_661] : memref<128x10240xf32, #tpu.memory_space<vmem>>, vector<16x10240xf32>
      tpu.vector_store %arg3[%swap3A_660, %swap3A_661], %sub3A_659 {strides = array<i32>} : memref<128x10240xf32, #tpu.memory_space<vmem>>, vector<16x10240xf32>,
      %get3A_663 = arith.constant 48 : index
      %get3A_664 = arith.constant 0 : index
      %get3A_665 = vector.load %arg5[%get3A_663, %get3A_664] : memref<128x10240xf32, #tpu.memory_space<vmem>>, vector<16x10240xf32>
      %dot_general3A_666 = arith.constant dense<0.000000e+00> : vector<1x16xf32>
      %dot_general3A_667 = tpu.matmul %select_n3A_636, %get3A_665, %dot_general3A_666 {dimension_numbers = #tpu.dot_dimension_numbers<[1], [1], [0], [0], [0, 0, 1, 0], [], []>, transpose_lhs_hint = false} : vector<1x10240xf32>, vector<16x10240xf32>, vector<1x16xf32> -> vector<1x16xf32>
      %lt3A = vector.broadcast %scan3A_593 : i32 to vector<1x16xi32>
      %lt3A_668 = arith.cmpi slt, %iota3A_0, %lt3A : vector<1x16xi32>
      %jit3A_669 = arith.constant 0.000000e+00 : f32
      %broadcast_in_dim3A_670 = vector.broadcast %jit3A_669 : f32 to vector<1x16xf32>
      %select_n3A_671 = arith.select %lt3A_668, %dot_general3A_667, %broadcast_in_dim3A_670 : vector<1x16xi1>, vector<1x16xf32>
      %get3A_672 = arith.constant 48 : index
      %get3A_673 = arith.constant 0 : index
      %get3A_674 = vector.load %arg4[%get3A_672, %get3A_673] : memref<128x16xf32, #tpu.memory_space<vmem>>, vector<16x16xf32>
      %neg3A_675 = arith.constant 0.000000e+00 : f32
      %neg3A_676 = arith.subf %neg3A_675, %select_n3A_629 : f32
      %dot_general3A_677 = arith.constant dense<0.000000e+00> : vector<1x16xf32>
      %dot_general3A_678 = tpu.matmul %select_n3A_671, %get3A_674, %dot_general3A_677 {dimension_numbers = #tpu.dot_dimension_numbers<[1], [0], [0], [1], [0, 0, 1, 1], [], []>, transpose_lhs_hint = false} : vector<1x16xf32>, vector<16x16xf32>, vector<1x16xf32> -> vector<1x16xf32>
      %mul3A_679 = vector.broadcast %neg3A_676 : f32 to vector<1x16xf32>
      %mul3A_680 = arith.mulf %mul3A_679, %dot_general3A_678 : vector<1x16xf32>
      %eq3A_681 = vector.broadcast %scan3A_593 : i32 to vector<1x16xi32>
      %eq3A_682 = arith.cmpi eq, %iota3A_0, %eq3A_681 : vector<1x16xi32>
      %jit3A_683 = arith.constant 0.000000e+00 : f32
      %broadcast_in_dim3A_684 = vector.broadcast %select_n3A_629 : f32 to vector<1x16xf32>
      %broadcast_in_dim3A_685 = vector.broadcast %jit3A_683 : f32 to vector<1x16xf32>
      %select_n3A_686 = arith.select %eq3A_682, %broadcast_in_dim3A_684, %broadcast_in_dim3A_685 : vector<1x16xi1>, vector<1x16xf32>
      %add3A_687 = arith.addf %mul3A_680, %select_n3A_686 : vector<1x16xf32>
      %swap3A_688 = arith.index_cast %add3A_594 : i32 to index
      %swap3A_689 = arith.constant 0 : index
      %swap3A_690 = vector.load %arg4[%swap3A_688, %swap3A_689] : memref<128x16xf32, #tpu.memory_space<vmem>>, vector<1x16xf32>
      tpu.vector_store %arg4[%swap3A_688, %swap3A_689], %add3A_687 {strides = array<i32>} : memref<128x16xf32, #tpu.memory_space<vmem>>, vector<1x16xf32>,
    }
    %scan3A_87 = arith.constant 16 : i32
    %get3A_88 = arith.constant 64 : index
    %get3A_89 = arith.constant 0 : index
    %get3A_90 = vector.load %arg3[%get3A_88, %get3A_89] : memref<128x10240xf32, #tpu.memory_space<vmem>>, vector<64x10240xf32>
    %get3A_91 = arith.constant 48 : index
    %get3A_92 = arith.constant 0 : index
    %get3A_93 = vector.load %arg5[%get3A_91, %get3A_92] : memref<128x10240xf32, #tpu.memory_space<vmem>>, vector<16x10240xf32>
    %get3A_94 = arith.constant 48 : index
    %get3A_95 = arith.constant 0 : index
    %get3A_96 = vector.load %arg4[%get3A_94, %get3A_95] : memref<128x16xf32, #tpu.memory_space<vmem>>, vector<16x16xf32>
    %dot_general3A_97 = arith.constant dense<0.000000e+00> : vector<64x16xf32>
    %dot_general3A_98 = tpu.matmul %get3A_90, %get3A_93, %dot_general3A_97 {dimension_numbers = #tpu.dot_dimension_numbers<[1], [1], [0], [0], [0, 0, 1, 0], [], []>, transpose_lhs_hint = false} : vector<64x10240xf32>, vector<16x10240xf32>, vector<64x16xf32> -> vector<64x16xf32>
    %dot_general3A_99 = arith.constant dense<0.000000e+00> : vector<64x16xf32>
    %dot_general3A_100 = tpu.matmul %dot_general3A_98, %get3A_96, %dot_general3A_99 {dimension_numbers = #tpu.dot_dimension_numbers<[1], [1], [0], [0], [0, 0, 1, 0], [], []>, transpose_lhs_hint = false} : vector<64x16xf32>, vector<16x16xf32>, vector<64x16xf32> -> vector<64x16xf32>
    %dot_general3A_101 = arith.constant dense<0.000000e+00> : vector<64x10240xf32>
    %dot_general3A_102 = tpu.matmul %dot_general3A_100, %get3A_93, %dot_general3A_101 {dimension_numbers = #tpu.dot_dimension_numbers<[1], [0], [0], [1], [0, 0, 1, 1], [], []>, transpose_lhs_hint = false} : vector<64x16xf32>, vector<16x10240xf32>, vector<64x10240xf32> -> vector<64x10240xf32>
    %sub3A_103 = arith.subf %get3A_90, %dot_general3A_102 : vector<64x10240xf32>
    %swap3A_104 = arith.constant 64 : index
    %swap3A_105 = arith.constant 0 : index
    %swap3A_106 = vector.load %arg3[%swap3A_104, %swap3A_105] : memref<128x10240xf32, #tpu.memory_space<vmem>>, vector<64x10240xf32>
    tpu.vector_store %arg3[%swap3A_104, %swap3A_105], %sub3A_103 {strides = array<i32>} : memref<128x10240xf32, #tpu.memory_space<vmem>>, vector<64x10240xf32>,
    %scan3A_107 = arith.constant 0 : i32
    %scan3A_108 = arith.constant 16 : i32
    %scan3A_109 = arith.addi %scan3A_107, %scan3A_108 : i32
    %scan3A_110 = arith.constant 1 : i32
    scf.for %scan3A_593 = %scan3A_107 to %scan3A_109 step %scan3A_110  : i32 {
      %add3A = arith.constant 64 : i32
      %add3A_594 = arith.addi %add3A, %scan3A_593 : i32
      %get3A_595 = arith.index_cast %add3A_594 : i32 to index
      %get3A_596 = arith.constant 0 : index
      %get3A_597 = vector.load %arg3[%get3A_595, %get3A_596] : memref<128x10240xf32, #tpu.memory_space<vmem>>, vector<1x10240xf32>
      %eq3A = vector.broadcast %add3A_594 : i32 to vector<1x10240xi32>
      %eq3A_598 = arith.cmpi eq, %iota3A, %eq3A : vector<1x10240xi32>
      %ge3A = vector.broadcast %add3A_594 : i32 to vector<1x10240xi32>
      %ge3A_599 = arith.cmpi sge, %iota3A, %ge3A : vector<1x10240xi32>
      %jit3A = arith.constant 0.000000e+00 : f32
      %broadcast_in_dim3A_600 = vector.broadcast %jit3A : f32 to vector<1x10240xf32>
      %select_n3A = arith.select %ge3A_599, %get3A_597, %broadcast_in_dim3A_600 : vector<1x10240xi1>, vector<1x10240xf32>
      %jit3A_601 = arith.constant 0.000000e+00 : f32
      %broadcast_in_dim3A_602 = vector.broadcast %jit3A_601 : f32 to vector<1x10240xf32>
      %select_n3A_603 = arith.select %eq3A_598, %get3A_597, %broadcast_in_dim3A_602 : vector<1x10240xi1>, vector<1x10240xf32>
      %reduce_sum3A = vector.shape_cast %select_n3A_603 : vector<1x10240xf32> to vector<1x1x10240xf32>
      %reduce_sum3A_604 = arith.constant dense<0.000000e+00> : vector<1xf32>
      %reduce_sum3A_605 = vector.multi_reduction <add>, %reduce_sum3A, %reduce_sum3A_604 [1, 2] : vector<1x1x10240xf32> to vector<1xf32>
      %reduce_sum3A_606 = vector.shape_cast %reduce_sum3A_605 : vector<1xf32> to vector<1x1x1xf32>
      %reduce_sum3A_607 = vector.extract %reduce_sum3A_606[0, 0, 0] : f32 from vector<1x1x1xf32>
      %mul3A = arith.mulf %select_n3A, %select_n3A : vector<1x10240xf32>
      %reduce_sum3A_608 = vector.shape_cast %mul3A : vector<1x10240xf32> to vector<1x1x10240xf32>
      %reduce_sum3A_609 = arith.constant dense<0.000000e+00> : vector<1xf32>
      %reduce_sum3A_610 = vector.multi_reduction <add>, %reduce_sum3A_608, %reduce_sum3A_609 [1, 2] : vector<1x1x10240xf32> to vector<1xf32>
      %reduce_sum3A_611 = vector.shape_cast %reduce_sum3A_610 : vector<1xf32> to vector<1x1x1xf32>
      %reduce_sum3A_612 = vector.extract %reduce_sum3A_611[0, 0, 0] : f32 from vector<1x1x1xf32>
      %sqrt3A = math.sqrt %reduce_sum3A_612 : f32
      %ge3A_613 = arith.constant 0.000000e+00 : f32
      %ge3A_614 = arith.cmpf oge, %reduce_sum3A_607, %ge3A_613 : f32
      %neg3A = arith.constant 0.000000e+00 : f32
      %neg3A_615 = arith.subf %neg3A, %sqrt3A : f32
      %select_n3A_616 = arith.select %ge3A_614, %neg3A_615, %sqrt3A : f32
      %sub3A_617 = arith.subf %reduce_sum3A_607, %select_n3A_616 : f32
      %eq3A_618 = arith.constant 0.000000e+00 : f32
      %eq3A_619 = arith.cmpf oeq, %sub3A_617, %eq3A_618 : f32
      %jit3A_620 = arith.constant 1.000000e+00 : f32
      %select_n3A_621 = arith.select %eq3A_619, %jit3A_620, %sub3A_617 : f32
      %eq3A_622 = arith.constant 0.000000e+00 : f32
      %eq3A_623 = arith.cmpf oeq, %select_n3A_616, %eq3A_622 : f32
      %jit3A_624 = arith.constant 1.000000e+00 : f32
      %select_n3A_625 = arith.select %eq3A_623, %jit3A_624, %select_n3A_616 : f32
      %gt3A = arith.constant 0.000000e+00 : f32
      %gt3A_626 = arith.cmpf ogt, %reduce_sum3A_612, %gt3A : f32
      %sub3A_627 = arith.subf %select_n3A_616, %reduce_sum3A_607 : f32
      %div3A = arith.divf %sub3A_627, %select_n3A_625 : f32
      %jit3A_628 = arith.constant 0.000000e+00 : f32
      %select_n3A_629 = arith.select %gt3A_626, %div3A, %jit3A_628 : f32
      %div3A_630 = arith.constant 1.000000e+00 : f32
      %div3A_631 = arith.divf %div3A_630, %select_n3A_621 : f32
      %mul3A_632 = vector.broadcast %div3A_631 : f32 to vector<1x10240xf32>
      %mul3A_633 = arith.mulf %select_n3A, %mul3A_632 : vector<1x10240xf32>
      %jit3A_634 = arith.constant 1.000000e+00 : f32
      %broadcast_in_dim3A_635 = vector.broadcast %jit3A_634 : f32 to vector<1x10240xf32>
      %select_n3A_636 = arith.select %eq3A_598, %broadcast_in_dim3A_635, %mul3A_633 : vector<1x10240xi1>, vector<1x10240xf32>
      %swap3A_637 = arith.index_cast %add3A_594 : i32 to index
      %swap3A_638 = arith.constant 0 : index
      %swap3A_639 = vector.load %arg5[%swap3A_637, %swap3A_638] : memref<128x10240xf32, #tpu.memory_space<vmem>>, vector<1x10240xf32>
      tpu.vector_store %arg5[%swap3A_637, %swap3A_638], %select_n3A_636 {strides = array<i32>} : memref<128x10240xf32, #tpu.memory_space<vmem>>, vector<1x10240xf32>,
      %get3A_640 = arith.constant 64 : index
      %get3A_641 = arith.constant 0 : index
      %get3A_642 = vector.load %arg3[%get3A_640, %get3A_641] : memref<128x10240xf32, #tpu.memory_space<vmem>>, vector<16x10240xf32>
      %dot_general3A_643 = arith.constant dense<0.000000e+00> : vector<16x1xf32>
      %dot_general3A_644 = tpu.matmul %get3A_642, %select_n3A_636, %dot_general3A_643 {dimension_numbers = #tpu.dot_dimension_numbers<[1], [1], [0], [0], [0, 0, 1, 0], [], []>, transpose_lhs_hint = false} : vector<16x10240xf32>, vector<1x10240xf32>, vector<16x1xf32> -> vector<16x1xf32>
      %iota3A_645 = tpu.iota {dimensions = array<i32: 0>} : vector<16x1xi32>
      %add3A_646 = arith.constant 64 : i32
      %add3A_647 = vector.broadcast %add3A_646 : i32 to vector<16x1xi32>
      %add3A_648 = arith.addi %add3A_647, %iota3A_645 : vector<16x1xi32>
      %gt3A_649 = vector.broadcast %add3A_594 : i32 to vector<16x1xi32>
      %gt3A_650 = arith.cmpi sgt, %add3A_648, %gt3A_649 : vector<16x1xi32>
      %jit3A_651 = arith.constant 0.000000e+00 : f32
      %broadcast_in_dim3A_652 = vector.broadcast %jit3A_651 : f32 to vector<16x1xf32>
      %select_n3A_653 = arith.select %gt3A_650, %dot_general3A_644, %broadcast_in_dim3A_652 : vector<16x1xi1>, vector<16x1xf32>
      %mul3A_654 = vector.broadcast %select_n3A_629 : f32 to vector<16x1xf32>
      %mul3A_655 = arith.mulf %mul3A_654, %select_n3A_653 : vector<16x1xf32>
      %mul3A_656 = vector.broadcast %mul3A_655 : vector<16x1xf32> to vector<16x10240xf32>
      %mul3A_657 = vector.broadcast %select_n3A_636 : vector<1x10240xf32> to vector<16x10240xf32>
      %mul3A_658 = arith.mulf %mul3A_656, %mul3A_657 : vector<16x10240xf32>
      %sub3A_659 = arith.subf %get3A_642, %mul3A_658 : vector<16x10240xf32>
      %swap3A_660 = arith.constant 64 : index
      %swap3A_661 = arith.constant 0 : index
      %swap3A_662 = vector.load %arg3[%swap3A_660, %swap3A_661] : memref<128x10240xf32, #tpu.memory_space<vmem>>, vector<16x10240xf32>
      tpu.vector_store %arg3[%swap3A_660, %swap3A_661], %sub3A_659 {strides = array<i32>} : memref<128x10240xf32, #tpu.memory_space<vmem>>, vector<16x10240xf32>,
      %get3A_663 = arith.constant 64 : index
      %get3A_664 = arith.constant 0 : index
      %get3A_665 = vector.load %arg5[%get3A_663, %get3A_664] : memref<128x10240xf32, #tpu.memory_space<vmem>>, vector<16x10240xf32>
      %dot_general3A_666 = arith.constant dense<0.000000e+00> : vector<1x16xf32>
      %dot_general3A_667 = tpu.matmul %select_n3A_636, %get3A_665, %dot_general3A_666 {dimension_numbers = #tpu.dot_dimension_numbers<[1], [1], [0], [0], [0, 0, 1, 0], [], []>, transpose_lhs_hint = false} : vector<1x10240xf32>, vector<16x10240xf32>, vector<1x16xf32> -> vector<1x16xf32>
      %lt3A = vector.broadcast %scan3A_593 : i32 to vector<1x16xi32>
      %lt3A_668 = arith.cmpi slt, %iota3A_0, %lt3A : vector<1x16xi32>
      %jit3A_669 = arith.constant 0.000000e+00 : f32
      %broadcast_in_dim3A_670 = vector.broadcast %jit3A_669 : f32 to vector<1x16xf32>
      %select_n3A_671 = arith.select %lt3A_668, %dot_general3A_667, %broadcast_in_dim3A_670 : vector<1x16xi1>, vector<1x16xf32>
      %get3A_672 = arith.constant 64 : index
      %get3A_673 = arith.constant 0 : index
      %get3A_674 = vector.load %arg4[%get3A_672, %get3A_673] : memref<128x16xf32, #tpu.memory_space<vmem>>, vector<16x16xf32>
      %neg3A_675 = arith.constant 0.000000e+00 : f32
      %neg3A_676 = arith.subf %neg3A_675, %select_n3A_629 : f32
      %dot_general3A_677 = arith.constant dense<0.000000e+00> : vector<1x16xf32>
      %dot_general3A_678 = tpu.matmul %select_n3A_671, %get3A_674, %dot_general3A_677 {dimension_numbers = #tpu.dot_dimension_numbers<[1], [0], [0], [1], [0, 0, 1, 1], [], []>, transpose_lhs_hint = false} : vector<1x16xf32>, vector<16x16xf32>, vector<1x16xf32> -> vector<1x16xf32>
      %mul3A_679 = vector.broadcast %neg3A_676 : f32 to vector<1x16xf32>
      %mul3A_680 = arith.mulf %mul3A_679, %dot_general3A_678 : vector<1x16xf32>
      %eq3A_681 = vector.broadcast %scan3A_593 : i32 to vector<1x16xi32>
      %eq3A_682 = arith.cmpi eq, %iota3A_0, %eq3A_681 : vector<1x16xi32>
      %jit3A_683 = arith.constant 0.000000e+00 : f32
      %broadcast_in_dim3A_684 = vector.broadcast %select_n3A_629 : f32 to vector<1x16xf32>
      %broadcast_in_dim3A_685 = vector.broadcast %jit3A_683 : f32 to vector<1x16xf32>
      %select_n3A_686 = arith.select %eq3A_682, %broadcast_in_dim3A_684, %broadcast_in_dim3A_685 : vector<1x16xi1>, vector<1x16xf32>
      %add3A_687 = arith.addf %mul3A_680, %select_n3A_686 : vector<1x16xf32>
      %swap3A_688 = arith.index_cast %add3A_594 : i32 to index
      %swap3A_689 = arith.constant 0 : index
      %swap3A_690 = vector.load %arg4[%swap3A_688, %swap3A_689] : memref<128x16xf32, #tpu.memory_space<vmem>>, vector<1x16xf32>
      tpu.vector_store %arg4[%swap3A_688, %swap3A_689], %add3A_687 {strides = array<i32>} : memref<128x16xf32, #tpu.memory_space<vmem>>, vector<1x16xf32>,
    }
    %scan3A_111 = arith.constant 16 : i32
    %get3A_112 = arith.constant 80 : index
    %get3A_113 = arith.constant 0 : index
    %get3A_114 = vector.load %arg3[%get3A_112, %get3A_113] : memref<128x10240xf32, #tpu.memory_space<vmem>>, vector<48x10240xf32>
    %get3A_115 = arith.constant 64 : index
    %get3A_116 = arith.constant 0 : index
    %get3A_117 = vector.load %arg5[%get3A_115, %get3A_116] : memref<128x10240xf32, #tpu.memory_space<vmem>>, vector<16x10240xf32>
    %get3A_118 = arith.constant 64 : index
    %get3A_119 = arith.constant 0 : index
    %get3A_120 = vector.load %arg4[%get3A_118, %get3A_119] : memref<128x16xf32, #tpu.memory_space<vmem>>, vector<16x16xf32>
    %dot_general3A_121 = arith.constant dense<0.000000e+00> : vector<48x16xf32>
    %dot_general3A_122 = tpu.matmul %get3A_114, %get3A_117, %dot_general3A_121 {dimension_numbers = #tpu.dot_dimension_numbers<[1], [1], [0], [0], [0, 0, 1, 0], [], []>, transpose_lhs_hint = false} : vector<48x10240xf32>, vector<16x10240xf32>, vector<48x16xf32> -> vector<48x16xf32>
    %dot_general3A_123 = arith.constant dense<0.000000e+00> : vector<48x16xf32>
    %dot_general3A_124 = tpu.matmul %dot_general3A_122, %get3A_120, %dot_general3A_123 {dimension_numbers = #tpu.dot_dimension_numbers<[1], [1], [0], [0], [0, 0, 1, 0], [], []>, transpose_lhs_hint = false} : vector<48x16xf32>, vector<16x16xf32>, vector<48x16xf32> -> vector<48x16xf32>
    %dot_general3A_125 = arith.constant dense<0.000000e+00> : vector<48x10240xf32>
    %dot_general3A_126 = tpu.matmul %dot_general3A_124, %get3A_117, %dot_general3A_125 {dimension_numbers = #tpu.dot_dimension_numbers<[1], [0], [0], [1], [0, 0, 1, 1], [], []>, transpose_lhs_hint = false} : vector<48x16xf32>, vector<16x10240xf32>, vector<48x10240xf32> -> vector<48x10240xf32>
    %sub3A_127 = arith.subf %get3A_114, %dot_general3A_126 : vector<48x10240xf32>
    %swap3A_128 = arith.constant 80 : index
    %swap3A_129 = arith.constant 0 : index
    %swap3A_130 = vector.load %arg3[%swap3A_128, %swap3A_129] : memref<128x10240xf32, #tpu.memory_space<vmem>>, vector<48x10240xf32>
    tpu.vector_store %arg3[%swap3A_128, %swap3A_129], %sub3A_127 {strides = array<i32>} : memref<128x10240xf32, #tpu.memory_space<vmem>>, vector<48x10240xf32>,
    %scan3A_131 = arith.constant 0 : i32
    %scan3A_132 = arith.constant 16 : i32
    %scan3A_133 = arith.addi %scan3A_131, %scan3A_132 : i32
    %scan3A_134 = arith.constant 1 : i32
    scf.for %scan3A_593 = %scan3A_131 to %scan3A_133 step %scan3A_134  : i32 {
      %add3A = arith.constant 80 : i32
      %add3A_594 = arith.addi %add3A, %scan3A_593 : i32
      %get3A_595 = arith.index_cast %add3A_594 : i32 to index
      %get3A_596 = arith.constant 0 : index
      %get3A_597 = vector.load %arg3[%get3A_595, %get3A_596] : memref<128x10240xf32, #tpu.memory_space<vmem>>, vector<1x10240xf32>
      %eq3A = vector.broadcast %add3A_594 : i32 to vector<1x10240xi32>
      %eq3A_598 = arith.cmpi eq, %iota3A, %eq3A : vector<1x10240xi32>
      %ge3A = vector.broadcast %add3A_594 : i32 to vector<1x10240xi32>
      %ge3A_599 = arith.cmpi sge, %iota3A, %ge3A : vector<1x10240xi32>
      %jit3A = arith.constant 0.000000e+00 : f32
      %broadcast_in_dim3A_600 = vector.broadcast %jit3A : f32 to vector<1x10240xf32>
      %select_n3A = arith.select %ge3A_599, %get3A_597, %broadcast_in_dim3A_600 : vector<1x10240xi1>, vector<1x10240xf32>
      %jit3A_601 = arith.constant 0.000000e+00 : f32
      %broadcast_in_dim3A_602 = vector.broadcast %jit3A_601 : f32 to vector<1x10240xf32>
      %select_n3A_603 = arith.select %eq3A_598, %get3A_597, %broadcast_in_dim3A_602 : vector<1x10240xi1>, vector<1x10240xf32>
      %reduce_sum3A = vector.shape_cast %select_n3A_603 : vector<1x10240xf32> to vector<1x1x10240xf32>
      %reduce_sum3A_604 = arith.constant dense<0.000000e+00> : vector<1xf32>
      %reduce_sum3A_605 = vector.multi_reduction <add>, %reduce_sum3A, %reduce_sum3A_604 [1, 2] : vector<1x1x10240xf32> to vector<1xf32>
      %reduce_sum3A_606 = vector.shape_cast %reduce_sum3A_605 : vector<1xf32> to vector<1x1x1xf32>
      %reduce_sum3A_607 = vector.extract %reduce_sum3A_606[0, 0, 0] : f32 from vector<1x1x1xf32>
      %mul3A = arith.mulf %select_n3A, %select_n3A : vector<1x10240xf32>
      %reduce_sum3A_608 = vector.shape_cast %mul3A : vector<1x10240xf32> to vector<1x1x10240xf32>
      %reduce_sum3A_609 = arith.constant dense<0.000000e+00> : vector<1xf32>
      %reduce_sum3A_610 = vector.multi_reduction <add>, %reduce_sum3A_608, %reduce_sum3A_609 [1, 2] : vector<1x1x10240xf32> to vector<1xf32>
      %reduce_sum3A_611 = vector.shape_cast %reduce_sum3A_610 : vector<1xf32> to vector<1x1x1xf32>
      %reduce_sum3A_612 = vector.extract %reduce_sum3A_611[0, 0, 0] : f32 from vector<1x1x1xf32>
      %sqrt3A = math.sqrt %reduce_sum3A_612 : f32
      %ge3A_613 = arith.constant 0.000000e+00 : f32
      %ge3A_614 = arith.cmpf oge, %reduce_sum3A_607, %ge3A_613 : f32
      %neg3A = arith.constant 0.000000e+00 : f32
      %neg3A_615 = arith.subf %neg3A, %sqrt3A : f32
      %select_n3A_616 = arith.select %ge3A_614, %neg3A_615, %sqrt3A : f32
      %sub3A_617 = arith.subf %reduce_sum3A_607, %select_n3A_616 : f32
      %eq3A_618 = arith.constant 0.000000e+00 : f32
      %eq3A_619 = arith.cmpf oeq, %sub3A_617, %eq3A_618 : f32
      %jit3A_620 = arith.constant 1.000000e+00 : f32
      %select_n3A_621 = arith.select %eq3A_619, %jit3A_620, %sub3A_617 : f32
      %eq3A_622 = arith.constant 0.000000e+00 : f32
      %eq3A_623 = arith.cmpf oeq, %select_n3A_616, %eq3A_622 : f32
      %jit3A_624 = arith.constant 1.000000e+00 : f32
      %select_n3A_625 = arith.select %eq3A_623, %jit3A_624, %select_n3A_616 : f32
      %gt3A = arith.constant 0.000000e+00 : f32
      %gt3A_626 = arith.cmpf ogt, %reduce_sum3A_612, %gt3A : f32
      %sub3A_627 = arith.subf %select_n3A_616, %reduce_sum3A_607 : f32
      %div3A = arith.divf %sub3A_627, %select_n3A_625 : f32
      %jit3A_628 = arith.constant 0.000000e+00 : f32
      %select_n3A_629 = arith.select %gt3A_626, %div3A, %jit3A_628 : f32
      %div3A_630 = arith.constant 1.000000e+00 : f32
      %div3A_631 = arith.divf %div3A_630, %select_n3A_621 : f32
      %mul3A_632 = vector.broadcast %div3A_631 : f32 to vector<1x10240xf32>
      %mul3A_633 = arith.mulf %select_n3A, %mul3A_632 : vector<1x10240xf32>
      %jit3A_634 = arith.constant 1.000000e+00 : f32
      %broadcast_in_dim3A_635 = vector.broadcast %jit3A_634 : f32 to vector<1x10240xf32>
      %select_n3A_636 = arith.select %eq3A_598, %broadcast_in_dim3A_635, %mul3A_633 : vector<1x10240xi1>, vector<1x10240xf32>
      %swap3A_637 = arith.index_cast %add3A_594 : i32 to index
      %swap3A_638 = arith.constant 0 : index
      %swap3A_639 = vector.load %arg5[%swap3A_637, %swap3A_638] : memref<128x10240xf32, #tpu.memory_space<vmem>>, vector<1x10240xf32>
      tpu.vector_store %arg5[%swap3A_637, %swap3A_638], %select_n3A_636 {strides = array<i32>} : memref<128x10240xf32, #tpu.memory_space<vmem>>, vector<1x10240xf32>,
      %get3A_640 = arith.constant 80 : index
      %get3A_641 = arith.constant 0 : index
      %get3A_642 = vector.load %arg3[%get3A_640, %get3A_641] : memref<128x10240xf32, #tpu.memory_space<vmem>>, vector<16x10240xf32>
      %dot_general3A_643 = arith.constant dense<0.000000e+00> : vector<16x1xf32>
      %dot_general3A_644 = tpu.matmul %get3A_642, %select_n3A_636, %dot_general3A_643 {dimension_numbers = #tpu.dot_dimension_numbers<[1], [1], [0], [0], [0, 0, 1, 0], [], []>, transpose_lhs_hint = false} : vector<16x10240xf32>, vector<1x10240xf32>, vector<16x1xf32> -> vector<16x1xf32>
      %iota3A_645 = tpu.iota {dimensions = array<i32: 0>} : vector<16x1xi32>
      %add3A_646 = arith.constant 80 : i32
      %add3A_647 = vector.broadcast %add3A_646 : i32 to vector<16x1xi32>
      %add3A_648 = arith.addi %add3A_647, %iota3A_645 : vector<16x1xi32>
      %gt3A_649 = vector.broadcast %add3A_594 : i32 to vector<16x1xi32>
      %gt3A_650 = arith.cmpi sgt, %add3A_648, %gt3A_649 : vector<16x1xi32>
      %jit3A_651 = arith.constant 0.000000e+00 : f32
      %broadcast_in_dim3A_652 = vector.broadcast %jit3A_651 : f32 to vector<16x1xf32>
      %select_n3A_653 = arith.select %gt3A_650, %dot_general3A_644, %broadcast_in_dim3A_652 : vector<16x1xi1>, vector<16x1xf32>
      %mul3A_654 = vector.broadcast %select_n3A_629 : f32 to vector<16x1xf32>
      %mul3A_655 = arith.mulf %mul3A_654, %select_n3A_653 : vector<16x1xf32>
      %mul3A_656 = vector.broadcast %mul3A_655 : vector<16x1xf32> to vector<16x10240xf32>
      %mul3A_657 = vector.broadcast %select_n3A_636 : vector<1x10240xf32> to vector<16x10240xf32>
      %mul3A_658 = arith.mulf %mul3A_656, %mul3A_657 : vector<16x10240xf32>
      %sub3A_659 = arith.subf %get3A_642, %mul3A_658 : vector<16x10240xf32>
      %swap3A_660 = arith.constant 80 : index
      %swap3A_661 = arith.constant 0 : index
      %swap3A_662 = vector.load %arg3[%swap3A_660, %swap3A_661] : memref<128x10240xf32, #tpu.memory_space<vmem>>, vector<16x10240xf32>
      tpu.vector_store %arg3[%swap3A_660, %swap3A_661], %sub3A_659 {strides = array<i32>} : memref<128x10240xf32, #tpu.memory_space<vmem>>, vector<16x10240xf32>,
      %get3A_663 = arith.constant 80 : index
      %get3A_664 = arith.constant 0 : index
      %get3A_665 = vector.load %arg5[%get3A_663, %get3A_664] : memref<128x10240xf32, #tpu.memory_space<vmem>>, vector<16x10240xf32>
      %dot_general3A_666 = arith.constant dense<0.000000e+00> : vector<1x16xf32>
      %dot_general3A_667 = tpu.matmul %select_n3A_636, %get3A_665, %dot_general3A_666 {dimension_numbers = #tpu.dot_dimension_numbers<[1], [1], [0], [0], [0, 0, 1, 0], [], []>, transpose_lhs_hint = false} : vector<1x10240xf32>, vector<16x10240xf32>, vector<1x16xf32> -> vector<1x16xf32>
      %lt3A = vector.broadcast %scan3A_593 : i32 to vector<1x16xi32>
      %lt3A_668 = arith.cmpi slt, %iota3A_0, %lt3A : vector<1x16xi32>
      %jit3A_669 = arith.constant 0.000000e+00 : f32
      %broadcast_in_dim3A_670 = vector.broadcast %jit3A_669 : f32 to vector<1x16xf32>
      %select_n3A_671 = arith.select %lt3A_668, %dot_general3A_667, %broadcast_in_dim3A_670 : vector<1x16xi1>, vector<1x16xf32>
      %get3A_672 = arith.constant 80 : index
      %get3A_673 = arith.constant 0 : index
      %get3A_674 = vector.load %arg4[%get3A_672, %get3A_673] : memref<128x16xf32, #tpu.memory_space<vmem>>, vector<16x16xf32>
      %neg3A_675 = arith.constant 0.000000e+00 : f32
      %neg3A_676 = arith.subf %neg3A_675, %select_n3A_629 : f32
      %dot_general3A_677 = arith.constant dense<0.000000e+00> : vector<1x16xf32>
      %dot_general3A_678 = tpu.matmul %select_n3A_671, %get3A_674, %dot_general3A_677 {dimension_numbers = #tpu.dot_dimension_numbers<[1], [0], [0], [1], [0, 0, 1, 1], [], []>, transpose_lhs_hint = false} : vector<1x16xf32>, vector<16x16xf32>, vector<1x16xf32> -> vector<1x16xf32>
      %mul3A_679 = vector.broadcast %neg3A_676 : f32 to vector<1x16xf32>
      %mul3A_680 = arith.mulf %mul3A_679, %dot_general3A_678 : vector<1x16xf32>
      %eq3A_681 = vector.broadcast %scan3A_593 : i32 to vector<1x16xi32>
      %eq3A_682 = arith.cmpi eq, %iota3A_0, %eq3A_681 : vector<1x16xi32>
      %jit3A_683 = arith.constant 0.000000e+00 : f32
      %broadcast_in_dim3A_684 = vector.broadcast %select_n3A_629 : f32 to vector<1x16xf32>
      %broadcast_in_dim3A_685 = vector.broadcast %jit3A_683 : f32 to vector<1x16xf32>
      %select_n3A_686 = arith.select %eq3A_682, %broadcast_in_dim3A_684, %broadcast_in_dim3A_685 : vector<1x16xi1>, vector<1x16xf32>
      %add3A_687 = arith.addf %mul3A_680, %select_n3A_686 : vector<1x16xf32>
      %swap3A_688 = arith.index_cast %add3A_594 : i32 to index
      %swap3A_689 = arith.constant 0 : index
      %swap3A_690 = vector.load %arg4[%swap3A_688, %swap3A_689] : memref<128x16xf32, #tpu.memory_space<vmem>>, vector<1x16xf32>
      tpu.vector_store %arg4[%swap3A_688, %swap3A_689], %add3A_687 {strides = array<i32>} : memref<128x16xf32, #tpu.memory_space<vmem>>, vector<1x16xf32>,
    }
    %scan3A_135 = arith.constant 16 : i32
    %get3A_136 = arith.constant 96 : index
    %get3A_137 = arith.constant 0 : index
    %get3A_138 = vector.load %arg3[%get3A_136, %get3A_137] : memref<128x10240xf32, #tpu.memory_space<vmem>>, vector<32x10240xf32>
    %get3A_139 = arith.constant 80 : index
    %get3A_140 = arith.constant 0 : index
    %get3A_141 = vector.load %arg5[%get3A_139, %get3A_140] : memref<128x10240xf32, #tpu.memory_space<vmem>>, vector<16x10240xf32>
    %get3A_142 = arith.constant 80 : index
    %get3A_143 = arith.constant 0 : index
    %get3A_144 = vector.load %arg4[%get3A_142, %get3A_143] : memref<128x16xf32, #tpu.memory_space<vmem>>, vector<16x16xf32>
    %dot_general3A_145 = arith.constant dense<0.000000e+00> : vector<32x16xf32>
    %dot_general3A_146 = tpu.matmul %get3A_138, %get3A_141, %dot_general3A_145 {dimension_numbers = #tpu.dot_dimension_numbers<[1], [1], [0], [0], [0, 0, 1, 0], [], []>, transpose_lhs_hint = false} : vector<32x10240xf32>, vector<16x10240xf32>, vector<32x16xf32> -> vector<32x16xf32>
    %dot_general3A_147 = arith.constant dense<0.000000e+00> : vector<32x16xf32>
    %dot_general3A_148 = tpu.matmul %dot_general3A_146, %get3A_144, %dot_general3A_147 {dimension_numbers = #tpu.dot_dimension_numbers<[1], [1], [0], [0], [0, 0, 1, 0], [], []>, transpose_lhs_hint = false} : vector<32x16xf32>, vector<16x16xf32>, vector<32x16xf32> -> vector<32x16xf32>
    %dot_general3A_149 = arith.constant dense<0.000000e+00> : vector<32x10240xf32>
    %dot_general3A_150 = tpu.matmul %dot_general3A_148, %get3A_141, %dot_general3A_149 {dimension_numbers = #tpu.dot_dimension_numbers<[1], [0], [0], [1], [0, 0, 1, 1], [], []>, transpose_lhs_hint = false} : vector<32x16xf32>, vector<16x10240xf32>, vector<32x10240xf32> -> vector<32x10240xf32>
    %sub3A_151 = arith.subf %get3A_138, %dot_general3A_150 : vector<32x10240xf32>
    %swap3A_152 = arith.constant 96 : index
    %swap3A_153 = arith.constant 0 : index
    %swap3A_154 = vector.load %arg3[%swap3A_152, %swap3A_153] : memref<128x10240xf32, #tpu.memory_space<vmem>>, vector<32x10240xf32>
    tpu.vector_store %arg3[%swap3A_152, %swap3A_153], %sub3A_151 {strides = array<i32>} : memref<128x10240xf32, #tpu.memory_space<vmem>>, vector<32x10240xf32>,
    %scan3A_155 = arith.constant 0 : i32
    %scan3A_156 = arith.constant 16 : i32
    %scan3A_157 = arith.addi %scan3A_155, %scan3A_156 : i32
    %scan3A_158 = arith.constant 1 : i32
    scf.for %scan3A_593 = %scan3A_155 to %scan3A_157 step %scan3A_158  : i32 {
      %add3A = arith.constant 96 : i32
      %add3A_594 = arith.addi %add3A, %scan3A_593 : i32
      %get3A_595 = arith.index_cast %add3A_594 : i32 to index
      %get3A_596 = arith.constant 0 : index
      %get3A_597 = vector.load %arg3[%get3A_595, %get3A_596] : memref<128x10240xf32, #tpu.memory_space<vmem>>, vector<1x10240xf32>
      %eq3A = vector.broadcast %add3A_594 : i32 to vector<1x10240xi32>
      %eq3A_598 = arith.cmpi eq, %iota3A, %eq3A : vector<1x10240xi32>
      %ge3A = vector.broadcast %add3A_594 : i32 to vector<1x10240xi32>
      %ge3A_599 = arith.cmpi sge, %iota3A, %ge3A : vector<1x10240xi32>
      %jit3A = arith.constant 0.000000e+00 : f32
      %broadcast_in_dim3A_600 = vector.broadcast %jit3A : f32 to vector<1x10240xf32>
      %select_n3A = arith.select %ge3A_599, %get3A_597, %broadcast_in_dim3A_600 : vector<1x10240xi1>, vector<1x10240xf32>
      %jit3A_601 = arith.constant 0.000000e+00 : f32
      %broadcast_in_dim3A_602 = vector.broadcast %jit3A_601 : f32 to vector<1x10240xf32>
      %select_n3A_603 = arith.select %eq3A_598, %get3A_597, %broadcast_in_dim3A_602 : vector<1x10240xi1>, vector<1x10240xf32>
      %reduce_sum3A = vector.shape_cast %select_n3A_603 : vector<1x10240xf32> to vector<1x1x10240xf32>
      %reduce_sum3A_604 = arith.constant dense<0.000000e+00> : vector<1xf32>
      %reduce_sum3A_605 = vector.multi_reduction <add>, %reduce_sum3A, %reduce_sum3A_604 [1, 2] : vector<1x1x10240xf32> to vector<1xf32>
      %reduce_sum3A_606 = vector.shape_cast %reduce_sum3A_605 : vector<1xf32> to vector<1x1x1xf32>
      %reduce_sum3A_607 = vector.extract %reduce_sum3A_606[0, 0, 0] : f32 from vector<1x1x1xf32>
      %mul3A = arith.mulf %select_n3A, %select_n3A : vector<1x10240xf32>
      %reduce_sum3A_608 = vector.shape_cast %mul3A : vector<1x10240xf32> to vector<1x1x10240xf32>
      %reduce_sum3A_609 = arith.constant dense<0.000000e+00> : vector<1xf32>
      %reduce_sum3A_610 = vector.multi_reduction <add>, %reduce_sum3A_608, %reduce_sum3A_609 [1, 2] : vector<1x1x10240xf32> to vector<1xf32>
      %reduce_sum3A_611 = vector.shape_cast %reduce_sum3A_610 : vector<1xf32> to vector<1x1x1xf32>
      %reduce_sum3A_612 = vector.extract %reduce_sum3A_611[0, 0, 0] : f32 from vector<1x1x1xf32>
      %sqrt3A = math.sqrt %reduce_sum3A_612 : f32
      %ge3A_613 = arith.constant 0.000000e+00 : f32
      %ge3A_614 = arith.cmpf oge, %reduce_sum3A_607, %ge3A_613 : f32
      %neg3A = arith.constant 0.000000e+00 : f32
      %neg3A_615 = arith.subf %neg3A, %sqrt3A : f32
      %select_n3A_616 = arith.select %ge3A_614, %neg3A_615, %sqrt3A : f32
      %sub3A_617 = arith.subf %reduce_sum3A_607, %select_n3A_616 : f32
      %eq3A_618 = arith.constant 0.000000e+00 : f32
      %eq3A_619 = arith.cmpf oeq, %sub3A_617, %eq3A_618 : f32
      %jit3A_620 = arith.constant 1.000000e+00 : f32
      %select_n3A_621 = arith.select %eq3A_619, %jit3A_620, %sub3A_617 : f32
      %eq3A_622 = arith.constant 0.000000e+00 : f32
      %eq3A_623 = arith.cmpf oeq, %select_n3A_616, %eq3A_622 : f32
      %jit3A_624 = arith.constant 1.000000e+00 : f32
      %select_n3A_625 = arith.select %eq3A_623, %jit3A_624, %select_n3A_616 : f32
      %gt3A = arith.constant 0.000000e+00 : f32
      %gt3A_626 = arith.cmpf ogt, %reduce_sum3A_612, %gt3A : f32
      %sub3A_627 = arith.subf %select_n3A_616, %reduce_sum3A_607 : f32
      %div3A = arith.divf %sub3A_627, %select_n3A_625 : f32
      %jit3A_628 = arith.constant 0.000000e+00 : f32
      %select_n3A_629 = arith.select %gt3A_626, %div3A, %jit3A_628 : f32
      %div3A_630 = arith.constant 1.000000e+00 : f32
      %div3A_631 = arith.divf %div3A_630, %select_n3A_621 : f32
      %mul3A_632 = vector.broadcast %div3A_631 : f32 to vector<1x10240xf32>
      %mul3A_633 = arith.mulf %select_n3A, %mul3A_632 : vector<1x10240xf32>
      %jit3A_634 = arith.constant 1.000000e+00 : f32
      %broadcast_in_dim3A_635 = vector.broadcast %jit3A_634 : f32 to vector<1x10240xf32>
      %select_n3A_636 = arith.select %eq3A_598, %broadcast_in_dim3A_635, %mul3A_633 : vector<1x10240xi1>, vector<1x10240xf32>
      %swap3A_637 = arith.index_cast %add3A_594 : i32 to index
      %swap3A_638 = arith.constant 0 : index
      %swap3A_639 = vector.load %arg5[%swap3A_637, %swap3A_638] : memref<128x10240xf32, #tpu.memory_space<vmem>>, vector<1x10240xf32>
      tpu.vector_store %arg5[%swap3A_637, %swap3A_638], %select_n3A_636 {strides = array<i32>} : memref<128x10240xf32, #tpu.memory_space<vmem>>, vector<1x10240xf32>,
      %get3A_640 = arith.constant 96 : index
      %get3A_641 = arith.constant 0 : index
      %get3A_642 = vector.load %arg3[%get3A_640, %get3A_641] : memref<128x10240xf32, #tpu.memory_space<vmem>>, vector<16x10240xf32>
      %dot_general3A_643 = arith.constant dense<0.000000e+00> : vector<16x1xf32>
      %dot_general3A_644 = tpu.matmul %get3A_642, %select_n3A_636, %dot_general3A_643 {dimension_numbers = #tpu.dot_dimension_numbers<[1], [1], [0], [0], [0, 0, 1, 0], [], []>, transpose_lhs_hint = false} : vector<16x10240xf32>, vector<1x10240xf32>, vector<16x1xf32> -> vector<16x1xf32>
      %iota3A_645 = tpu.iota {dimensions = array<i32: 0>} : vector<16x1xi32>
      %add3A_646 = arith.constant 96 : i32
      %add3A_647 = vector.broadcast %add3A_646 : i32 to vector<16x1xi32>
      %add3A_648 = arith.addi %add3A_647, %iota3A_645 : vector<16x1xi32>
      %gt3A_649 = vector.broadcast %add3A_594 : i32 to vector<16x1xi32>
      %gt3A_650 = arith.cmpi sgt, %add3A_648, %gt3A_649 : vector<16x1xi32>
      %jit3A_651 = arith.constant 0.000000e+00 : f32
      %broadcast_in_dim3A_652 = vector.broadcast %jit3A_651 : f32 to vector<16x1xf32>
      %select_n3A_653 = arith.select %gt3A_650, %dot_general3A_644, %broadcast_in_dim3A_652 : vector<16x1xi1>, vector<16x1xf32>
      %mul3A_654 = vector.broadcast %select_n3A_629 : f32 to vector<16x1xf32>
      %mul3A_655 = arith.mulf %mul3A_654, %select_n3A_653 : vector<16x1xf32>
      %mul3A_656 = vector.broadcast %mul3A_655 : vector<16x1xf32> to vector<16x10240xf32>
      %mul3A_657 = vector.broadcast %select_n3A_636 : vector<1x10240xf32> to vector<16x10240xf32>
      %mul3A_658 = arith.mulf %mul3A_656, %mul3A_657 : vector<16x10240xf32>
      %sub3A_659 = arith.subf %get3A_642, %mul3A_658 : vector<16x10240xf32>
      %swap3A_660 = arith.constant 96 : index
      %swap3A_661 = arith.constant 0 : index
      %swap3A_662 = vector.load %arg3[%swap3A_660, %swap3A_661] : memref<128x10240xf32, #tpu.memory_space<vmem>>, vector<16x10240xf32>
      tpu.vector_store %arg3[%swap3A_660, %swap3A_661], %sub3A_659 {strides = array<i32>} : memref<128x10240xf32, #tpu.memory_space<vmem>>, vector<16x10240xf32>,
      %get3A_663 = arith.constant 96 : index
      %get3A_664 = arith.constant 0 : index
      %get3A_665 = vector.load %arg5[%get3A_663, %get3A_664] : memref<128x10240xf32, #tpu.memory_space<vmem>>, vector<16x10240xf32>
      %dot_general3A_666 = arith.constant dense<0.000000e+00> : vector<1x16xf32>
      %dot_general3A_667 = tpu.matmul %select_n3A_636, %get3A_665, %dot_general3A_666 {dimension_numbers = #tpu.dot_dimension_numbers<[1], [1], [0], [0], [0, 0, 1, 0], [], []>, transpose_lhs_hint = false} : vector<1x10240xf32>, vector<16x10240xf32>, vector<1x16xf32> -> vector<1x16xf32>
      %lt3A = vector.broadcast %scan3A_593 : i32 to vector<1x16xi32>
      %lt3A_668 = arith.cmpi slt, %iota3A_0, %lt3A : vector<1x16xi32>
      %jit3A_669 = arith.constant 0.000000e+00 : f32
      %broadcast_in_dim3A_670 = vector.broadcast %jit3A_669 : f32 to vector<1x16xf32>
      %select_n3A_671 = arith.select %lt3A_668, %dot_general3A_667, %broadcast_in_dim3A_670 : vector<1x16xi1>, vector<1x16xf32>
      %get3A_672 = arith.constant 96 : index
      %get3A_673 = arith.constant 0 : index
      %get3A_674 = vector.load %arg4[%get3A_672, %get3A_673] : memref<128x16xf32, #tpu.memory_space<vmem>>, vector<16x16xf32>
      %neg3A_675 = arith.constant 0.000000e+00 : f32
      %neg3A_676 = arith.subf %neg3A_675, %select_n3A_629 : f32
      %dot_general3A_677 = arith.constant dense<0.000000e+00> : vector<1x16xf32>
      %dot_general3A_678 = tpu.matmul %select_n3A_671, %get3A_674, %dot_general3A_677 {dimension_numbers = #tpu.dot_dimension_numbers<[1], [0], [0], [1], [0, 0, 1, 1], [], []>, transpose_lhs_hint = false} : vector<1x16xf32>, vector<16x16xf32>, vector<1x16xf32> -> vector<1x16xf32>
      %mul3A_679 = vector.broadcast %neg3A_676 : f32 to vector<1x16xf32>
      %mul3A_680 = arith.mulf %mul3A_679, %dot_general3A_678 : vector<1x16xf32>
      %eq3A_681 = vector.broadcast %scan3A_593 : i32 to vector<1x16xi32>
      %eq3A_682 = arith.cmpi eq, %iota3A_0, %eq3A_681 : vector<1x16xi32>
      %jit3A_683 = arith.constant 0.000000e+00 : f32
      %broadcast_in_dim3A_684 = vector.broadcast %select_n3A_629 : f32 to vector<1x16xf32>
      %broadcast_in_dim3A_685 = vector.broadcast %jit3A_683 : f32 to vector<1x16xf32>
      %select_n3A_686 = arith.select %eq3A_682, %broadcast_in_dim3A_684, %broadcast_in_dim3A_685 : vector<1x16xi1>, vector<1x16xf32>
      %add3A_687 = arith.addf %mul3A_680, %select_n3A_686 : vector<1x16xf32>
      %swap3A_688 = arith.index_cast %add3A_594 : i32 to index
      %swap3A_689 = arith.constant 0 : index
      %swap3A_690 = vector.load %arg4[%swap3A_688, %swap3A_689] : memref<128x16xf32, #tpu.memory_space<vmem>>, vector<1x16xf32>
      tpu.vector_store %arg4[%swap3A_688, %swap3A_689], %add3A_687 {strides = array<i32>} : memref<128x16xf32, #tpu.memory_space<vmem>>, vector<1x16xf32>,
    }
    %scan3A_159 = arith.constant 16 : i32
    %get3A_160 = arith.constant 112 : index
    %get3A_161 = arith.constant 0 : index
    %get3A_162 = vector.load %arg3[%get3A_160, %get3A_161] : memref<128x10240xf32, #tpu.memory_space<vmem>>, vector<16x10240xf32>
    %get3A_163 = arith.constant 96 : index
    %get3A_164 = arith.constant 0 : index
    %get3A_165 = vector.load %arg5[%get3A_163, %get3A_164] : memref<128x10240xf32, #tpu.memory_space<vmem>>, vector<16x10240xf32>
    %get3A_166 = arith.constant 96 : index
    %get3A_167 = arith.constant 0 : index
    %get3A_168 = vector.load %arg4[%get3A_166, %get3A_167] : memref<128x16xf32, #tpu.memory_space<vmem>>, vector<16x16xf32>
    %dot_general3A_169 = arith.constant dense<0.000000e+00> : vector<16x16xf32>
    %dot_general3A_170 = tpu.matmul %get3A_162, %get3A_165, %dot_general3A_169 {dimension_numbers = #tpu.dot_dimension_numbers<[1], [1], [0], [0], [0, 0, 1, 0], [], []>, transpose_lhs_hint = false} : vector<16x10240xf32>, vector<16x10240xf32>, vector<16x16xf32> -> vector<16x16xf32>
    %dot_general3A_171 = arith.constant dense<0.000000e+00> : vector<16x16xf32>
    %dot_general3A_172 = tpu.matmul %dot_general3A_170, %get3A_168, %dot_general3A_171 {dimension_numbers = #tpu.dot_dimension_numbers<[1], [1], [0], [0], [0, 0, 1, 0], [], []>, transpose_lhs_hint = false} : vector<16x16xf32>, vector<16x16xf32>, vector<16x16xf32> -> vector<16x16xf32>
    %dot_general3A_173 = arith.constant dense<0.000000e+00> : vector<16x10240xf32>
    %dot_general3A_174 = tpu.matmul %dot_general3A_172, %get3A_165, %dot_general3A_173 {dimension_numbers = #tpu.dot_dimension_numbers<[1], [0], [0], [1], [0, 0, 1, 1], [], []>, transpose_lhs_hint = false} : vector<16x16xf32>, vector<16x10240xf32>, vector<16x10240xf32> -> vector<16x10240xf32>
    %sub3A_175 = arith.subf %get3A_162, %dot_general3A_174 : vector<16x10240xf32>
    %swap3A_176 = arith.constant 112 : index
    %swap3A_177 = arith.constant 0 : index
    %swap3A_178 = vector.load %arg3[%swap3A_176, %swap3A_177] : memref<128x10240xf32, #tpu.memory_space<vmem>>, vector<16x10240xf32>
    tpu.vector_store %arg3[%swap3A_176, %swap3A_177], %sub3A_175 {strides = array<i32>} : memref<128x10240xf32, #tpu.memory_space<vmem>>, vector<16x10240xf32>,
    %scan3A_179 = arith.constant 0 : i32
    %scan3A_180 = arith.constant 16 : i32
    %scan3A_181 = arith.addi %scan3A_179, %scan3A_180 : i32
    %scan3A_182 = arith.constant 1 : i32
    scf.for %scan3A_593 = %scan3A_179 to %scan3A_181 step %scan3A_182  : i32 {
      %add3A = arith.constant 112 : i32
      %add3A_594 = arith.addi %add3A, %scan3A_593 : i32
      %get3A_595 = arith.index_cast %add3A_594 : i32 to index
      %get3A_596 = arith.constant 0 : index
      %get3A_597 = vector.load %arg3[%get3A_595, %get3A_596] : memref<128x10240xf32, #tpu.memory_space<vmem>>, vector<1x10240xf32>
      %eq3A = vector.broadcast %add3A_594 : i32 to vector<1x10240xi32>
      %eq3A_598 = arith.cmpi eq, %iota3A, %eq3A : vector<1x10240xi32>
      %ge3A = vector.broadcast %add3A_594 : i32 to vector<1x10240xi32>
      %ge3A_599 = arith.cmpi sge, %iota3A, %ge3A : vector<1x10240xi32>
      %jit3A = arith.constant 0.000000e+00 : f32
      %broadcast_in_dim3A_600 = vector.broadcast %jit3A : f32 to vector<1x10240xf32>
      %select_n3A = arith.select %ge3A_599, %get3A_597, %broadcast_in_dim3A_600 : vector<1x10240xi1>, vector<1x10240xf32>
      %jit3A_601 = arith.constant 0.000000e+00 : f32
      %broadcast_in_dim3A_602 = vector.broadcast %jit3A_601 : f32 to vector<1x10240xf32>
      %select_n3A_603 = arith.select %eq3A_598, %get3A_597, %broadcast_in_dim3A_602 : vector<1x10240xi1>, vector<1x10240xf32>
      %reduce_sum3A = vector.shape_cast %select_n3A_603 : vector<1x10240xf32> to vector<1x1x10240xf32>
      %reduce_sum3A_604 = arith.constant dense<0.000000e+00> : vector<1xf32>
      %reduce_sum3A_605 = vector.multi_reduction <add>, %reduce_sum3A, %reduce_sum3A_604 [1, 2] : vector<1x1x10240xf32> to vector<1xf32>
      %reduce_sum3A_606 = vector.shape_cast %reduce_sum3A_605 : vector<1xf32> to vector<1x1x1xf32>
      %reduce_sum3A_607 = vector.extract %reduce_sum3A_606[0, 0, 0] : f32 from vector<1x1x1xf32>
      %mul3A = arith.mulf %select_n3A, %select_n3A : vector<1x10240xf32>
      %reduce_sum3A_608 = vector.shape_cast %mul3A : vector<1x10240xf32> to vector<1x1x10240xf32>
      %reduce_sum3A_609 = arith.constant dense<0.000000e+00> : vector<1xf32>
      %reduce_sum3A_610 = vector.multi_reduction <add>, %reduce_sum3A_608, %reduce_sum3A_609 [1, 2] : vector<1x1x10240xf32> to vector<1xf32>
      %reduce_sum3A_611 = vector.shape_cast %reduce_sum3A_610 : vector<1xf32> to vector<1x1x1xf32>
      %reduce_sum3A_612 = vector.extract %reduce_sum3A_611[0, 0, 0] : f32 from vector<1x1x1xf32>
      %sqrt3A = math.sqrt %reduce_sum3A_612 : f32
      %ge3A_613 = arith.constant 0.000000e+00 : f32
      %ge3A_614 = arith.cmpf oge, %reduce_sum3A_607, %ge3A_613 : f32
      %neg3A = arith.constant 0.000000e+00 : f32
      %neg3A_615 = arith.subf %neg3A, %sqrt3A : f32
      %select_n3A_616 = arith.select %ge3A_614, %neg3A_615, %sqrt3A : f32
      %sub3A_617 = arith.subf %reduce_sum3A_607, %select_n3A_616 : f32
      %eq3A_618 = arith.constant 0.000000e+00 : f32
      %eq3A_619 = arith.cmpf oeq, %sub3A_617, %eq3A_618 : f32
      %jit3A_620 = arith.constant 1.000000e+00 : f32
      %select_n3A_621 = arith.select %eq3A_619, %jit3A_620, %sub3A_617 : f32
      %eq3A_622 = arith.constant 0.000000e+00 : f32
      %eq3A_623 = arith.cmpf oeq, %select_n3A_616, %eq3A_622 : f32
      %jit3A_624 = arith.constant 1.000000e+00 : f32
      %select_n3A_625 = arith.select %eq3A_623, %jit3A_624, %select_n3A_616 : f32
      %gt3A = arith.constant 0.000000e+00 : f32
      %gt3A_626 = arith.cmpf ogt, %reduce_sum3A_612, %gt3A : f32
      %sub3A_627 = arith.subf %select_n3A_616, %reduce_sum3A_607 : f32
      %div3A = arith.divf %sub3A_627, %select_n3A_625 : f32
      %jit3A_628 = arith.constant 0.000000e+00 : f32
      %select_n3A_629 = arith.select %gt3A_626, %div3A, %jit3A_628 : f32
      %div3A_630 = arith.constant 1.000000e+00 : f32
      %div3A_631 = arith.divf %div3A_630, %select_n3A_621 : f32
      %mul3A_632 = vector.broadcast %div3A_631 : f32 to vector<1x10240xf32>
      %mul3A_633 = arith.mulf %select_n3A, %mul3A_632 : vector<1x10240xf32>
      %jit3A_634 = arith.constant 1.000000e+00 : f32
      %broadcast_in_dim3A_635 = vector.broadcast %jit3A_634 : f32 to vector<1x10240xf32>
      %select_n3A_636 = arith.select %eq3A_598, %broadcast_in_dim3A_635, %mul3A_633 : vector<1x10240xi1>, vector<1x10240xf32>
      %swap3A_637 = arith.index_cast %add3A_594 : i32 to index
      %swap3A_638 = arith.constant 0 : index
      %swap3A_639 = vector.load %arg5[%swap3A_637, %swap3A_638] : memref<128x10240xf32, #tpu.memory_space<vmem>>, vector<1x10240xf32>
      tpu.vector_store %arg5[%swap3A_637, %swap3A_638], %select_n3A_636 {strides = array<i32>} : memref<128x10240xf32, #tpu.memory_space<vmem>>, vector<1x10240xf32>,
      %get3A_640 = arith.constant 112 : index
      %get3A_641 = arith.constant 0 : index
      %get3A_642 = vector.load %arg3[%get3A_640, %get3A_641] : memref<128x10240xf32, #tpu.memory_space<vmem>>, vector<16x10240xf32>
      %dot_general3A_643 = arith.constant dense<0.000000e+00> : vector<16x1xf32>
      %dot_general3A_644 = tpu.matmul %get3A_642, %select_n3A_636, %dot_general3A_643 {dimension_numbers = #tpu.dot_dimension_numbers<[1], [1], [0], [0], [0, 0, 1, 0], [], []>, transpose_lhs_hint = false} : vector<16x10240xf32>, vector<1x10240xf32>, vector<16x1xf32> -> vector<16x1xf32>
      %iota3A_645 = tpu.iota {dimensions = array<i32: 0>} : vector<16x1xi32>
      %add3A_646 = arith.constant 112 : i32
      %add3A_647 = vector.broadcast %add3A_646 : i32 to vector<16x1xi32>
      %add3A_648 = arith.addi %add3A_647, %iota3A_645 : vector<16x1xi32>
      %gt3A_649 = vector.broadcast %add3A_594 : i32 to vector<16x1xi32>
      %gt3A_650 = arith.cmpi sgt, %add3A_648, %gt3A_649 : vector<16x1xi32>
      %jit3A_651 = arith.constant 0.000000e+00 : f32
      %broadcast_in_dim3A_652 = vector.broadcast %jit3A_651 : f32 to vector<16x1xf32>
      %select_n3A_653 = arith.select %gt3A_650, %dot_general3A_644, %broadcast_in_dim3A_652 : vector<16x1xi1>, vector<16x1xf32>
      %mul3A_654 = vector.broadcast %select_n3A_629 : f32 to vector<16x1xf32>
      %mul3A_655 = arith.mulf %mul3A_654, %select_n3A_653 : vector<16x1xf32>
      %mul3A_656 = vector.broadcast %mul3A_655 : vector<16x1xf32> to vector<16x10240xf32>
      %mul3A_657 = vector.broadcast %select_n3A_636 : vector<1x10240xf32> to vector<16x10240xf32>
      %mul3A_658 = arith.mulf %mul3A_656, %mul3A_657 : vector<16x10240xf32>
      %sub3A_659 = arith.subf %get3A_642, %mul3A_658 : vector<16x10240xf32>
      %swap3A_660 = arith.constant 112 : index
      %swap3A_661 = arith.constant 0 : index
      %swap3A_662 = vector.load %arg3[%swap3A_660, %swap3A_661] : memref<128x10240xf32, #tpu.memory_space<vmem>>, vector<16x10240xf32>
      tpu.vector_store %arg3[%swap3A_660, %swap3A_661], %sub3A_659 {strides = array<i32>} : memref<128x10240xf32, #tpu.memory_space<vmem>>, vector<16x10240xf32>,
      %get3A_663 = arith.constant 112 : index
      %get3A_664 = arith.constant 0 : index
      %get3A_665 = vector.load %arg5[%get3A_663, %get3A_664] : memref<128x10240xf32, #tpu.memory_space<vmem>>, vector<16x10240xf32>
      %dot_general3A_666 = arith.constant dense<0.000000e+00> : vector<1x16xf32>
      %dot_general3A_667 = tpu.matmul %select_n3A_636, %get3A_665, %dot_general3A_666 {dimension_numbers = #tpu.dot_dimension_numbers<[1], [1], [0], [0], [0, 0, 1, 0], [], []>, transpose_lhs_hint = false} : vector<1x10240xf32>, vector<16x10240xf32>, vector<1x16xf32> -> vector<1x16xf32>
      %lt3A = vector.broadcast %scan3A_593 : i32 to vector<1x16xi32>
      %lt3A_668 = arith.cmpi slt, %iota3A_0, %lt3A : vector<1x16xi32>
      %jit3A_669 = arith.constant 0.000000e+00 : f32
      %broadcast_in_dim3A_670 = vector.broadcast %jit3A_669 : f32 to vector<1x16xf32>
      %select_n3A_671 = arith.select %lt3A_668, %dot_general3A_667, %broadcast_in_dim3A_670 : vector<1x16xi1>, vector<1x16xf32>
      %get3A_672 = arith.constant 112 : index
      %get3A_673 = arith.constant 0 : index
      %get3A_674 = vector.load %arg4[%get3A_672, %get3A_673] : memref<128x16xf32, #tpu.memory_space<vmem>>, vector<16x16xf32>
      %neg3A_675 = arith.constant 0.000000e+00 : f32
      %neg3A_676 = arith.subf %neg3A_675, %select_n3A_629 : f32
      %dot_general3A_677 = arith.constant dense<0.000000e+00> : vector<1x16xf32>
      %dot_general3A_678 = tpu.matmul %select_n3A_671, %get3A_674, %dot_general3A_677 {dimension_numbers = #tpu.dot_dimension_numbers<[1], [0], [0], [1], [0, 0, 1, 1], [], []>, transpose_lhs_hint = false} : vector<1x16xf32>, vector<16x16xf32>, vector<1x16xf32> -> vector<1x16xf32>
      %mul3A_679 = vector.broadcast %neg3A_676 : f32 to vector<1x16xf32>
      %mul3A_680 = arith.mulf %mul3A_679, %dot_general3A_678 : vector<1x16xf32>
      %eq3A_681 = vector.broadcast %scan3A_593 : i32 to vector<1x16xi32>
      %eq3A_682 = arith.cmpi eq, %iota3A_0, %eq3A_681 : vector<1x16xi32>
      %jit3A_683 = arith.constant 0.000000e+00 : f32
      %broadcast_in_dim3A_684 = vector.broadcast %select_n3A_629 : f32 to vector<1x16xf32>
      %broadcast_in_dim3A_685 = vector.broadcast %jit3A_683 : f32 to vector<1x16xf32>
      %select_n3A_686 = arith.select %eq3A_682, %broadcast_in_dim3A_684, %broadcast_in_dim3A_685 : vector<1x16xi1>, vector<1x16xf32>
      %add3A_687 = arith.addf %mul3A_680, %select_n3A_686 : vector<1x16xf32>
      %swap3A_688 = arith.index_cast %add3A_594 : i32 to index
      %swap3A_689 = arith.constant 0 : index
      %swap3A_690 = vector.load %arg4[%swap3A_688, %swap3A_689] : memref<128x16xf32, #tpu.memory_space<vmem>>, vector<1x16xf32>
      tpu.vector_store %arg4[%swap3A_688, %swap3A_689], %add3A_687 {strides = array<i32>} : memref<128x16xf32, #tpu.memory_space<vmem>>, vector<1x16xf32>,
    }
    %scan3A_183 = arith.constant 16 : i32
    %get3A_184 = arith.constant 0 : index
    %get3A_185 = arith.constant 0 : index
    %get3A_186 = vector.load %arg5[%get3A_184, %get3A_185] : memref<128x10240xf32, #tpu.memory_space<vmem>>, vector<16x10240xf32>
    %get3A_187 = arith.constant 0 : index
    %get3A_188 = arith.constant 0 : index
    %get3A_189 = vector.load %arg4[%get3A_187, %get3A_188] : memref<128x16xf32, #tpu.memory_space<vmem>>, vector<16x16xf32>
    %dot_general3A_190 = arith.constant dense<0.000000e+00> : vector<16x10240xf32>
    %dot_general3A_191 = tpu.matmul %get3A_189, %get3A_186, %dot_general3A_190 {dimension_numbers = #tpu.dot_dimension_numbers<[1], [0], [0], [1], [0, 0, 1, 1], [], []>, transpose_lhs_hint = false} : vector<16x16xf32>, vector<16x10240xf32>, vector<16x10240xf32> -> vector<16x10240xf32>
    %swap3A_192 = arith.constant 0 : index
    %swap3A_193 = arith.constant 0 : index
    %swap3A_194 = vector.load %arg6[%swap3A_192, %swap3A_193] : memref<128x10240xf32, #tpu.memory_space<vmem>>, vector<16x10240xf32>
    tpu.vector_store %arg6[%swap3A_192, %swap3A_193], %dot_general3A_191 {strides = array<i32>} : memref<128x10240xf32, #tpu.memory_space<vmem>>, vector<16x10240xf32>,
    %get3A_195 = arith.constant 16 : index
    %get3A_196 = arith.constant 0 : index
    %get3A_197 = vector.load %arg5[%get3A_195, %get3A_196] : memref<128x10240xf32, #tpu.memory_space<vmem>>, vector<16x10240xf32>
    %get3A_198 = arith.constant 0 : index
    %get3A_199 = arith.constant 0 : index
    %get3A_200 = vector.load %arg5[%get3A_198, %get3A_199] : memref<128x10240xf32, #tpu.memory_space<vmem>>, vector<16x10240xf32>
    %dot_general3A_201 = arith.constant dense<0.000000e+00> : vector<16x16xf32>
    %dot_general3A_202 = tpu.matmul %get3A_200, %get3A_197, %dot_general3A_201 {dimension_numbers = #tpu.dot_dimension_numbers<[1], [1], [0], [0], [0, 0, 1, 0], [], []>, transpose_lhs_hint = false} : vector<16x10240xf32>, vector<16x10240xf32>, vector<16x16xf32> -> vector<16x16xf32>
    %get3A_203 = arith.constant 0 : index
    %get3A_204 = arith.constant 0 : index
    %get3A_205 = vector.load %arg6[%get3A_203, %get3A_204] : memref<128x10240xf32, #tpu.memory_space<vmem>>, vector<16x10240xf32>
    %dot_general3A_206 = arith.constant dense<0.000000e+00> : vector<16x10240xf32>
    %dot_general3A_207 = tpu.matmul %dot_general3A_202, %get3A_205, %dot_general3A_206 {dimension_numbers = #tpu.dot_dimension_numbers<[0], [0], [1], [1], [0, 1, 1, 1], [], []>, transpose_lhs_hint = false} : vector<16x16xf32>, vector<16x10240xf32>, vector<16x10240xf32> -> vector<16x10240xf32>
    %sub3A_208 = arith.subf %get3A_197, %dot_general3A_207 : vector<16x10240xf32>
    %get3A_209 = arith.constant 16 : index
    %get3A_210 = arith.constant 0 : index
    %get3A_211 = vector.load %arg4[%get3A_209, %get3A_210] : memref<128x16xf32, #tpu.memory_space<vmem>>, vector<16x16xf32>
    %dot_general3A_212 = arith.constant dense<0.000000e+00> : vector<16x10240xf32>
    %dot_general3A_213 = tpu.matmul %get3A_211, %sub3A_208, %dot_general3A_212 {dimension_numbers = #tpu.dot_dimension_numbers<[1], [0], [0], [1], [0, 0, 1, 1], [], []>, transpose_lhs_hint = false} : vector<16x16xf32>, vector<16x10240xf32>, vector<16x10240xf32> -> vector<16x10240xf32>
    %swap3A_214 = arith.constant 16 : index
    %swap3A_215 = arith.constant 0 : index
    %swap3A_216 = vector.load %arg6[%swap3A_214, %swap3A_215] : memref<128x10240xf32, #tpu.memory_space<vmem>>, vector<16x10240xf32>
    tpu.vector_store %arg6[%swap3A_214, %swap3A_215], %dot_general3A_213 {strides = array<i32>} : memref<128x10240xf32, #tpu.memory_space<vmem>>, vector<16x10240xf32>,
    %get3A_217 = arith.constant 32 : index
    %get3A_218 = arith.constant 0 : index
    %get3A_219 = vector.load %arg5[%get3A_217, %get3A_218] : memref<128x10240xf32, #tpu.memory_space<vmem>>, vector<16x10240xf32>
    %get3A_220 = arith.constant 0 : index
    %get3A_221 = arith.constant 0 : index
    %get3A_222 = vector.load %arg5[%get3A_220, %get3A_221] : memref<128x10240xf32, #tpu.memory_space<vmem>>, vector<16x10240xf32>
    %dot_general3A_223 = arith.constant dense<0.000000e+00> : vector<16x16xf32>
    %dot_general3A_224 = tpu.matmul %get3A_222, %get3A_219, %dot_general3A_223 {dimension_numbers = #tpu.dot_dimension_numbers<[1], [1], [0], [0], [0, 0, 1, 0], [], []>, transpose_lhs_hint = false} : vector<16x10240xf32>, vector<16x10240xf32>, vector<16x16xf32> -> vector<16x16xf32>
    %get3A_225 = arith.constant 0 : index
    %get3A_226 = arith.constant 0 : index
    %get3A_227 = vector.load %arg6[%get3A_225, %get3A_226] : memref<128x10240xf32, #tpu.memory_space<vmem>>, vector<16x10240xf32>
    %dot_general3A_228 = arith.constant dense<0.000000e+00> : vector<16x10240xf32>
    %dot_general3A_229 = tpu.matmul %dot_general3A_224, %get3A_227, %dot_general3A_228 {dimension_numbers = #tpu.dot_dimension_numbers<[0], [0], [1], [1], [0, 1, 1, 1], [], []>, transpose_lhs_hint = false} : vector<16x16xf32>, vector<16x10240xf32>, vector<16x10240xf32> -> vector<16x10240xf32>
    %sub3A_230 = arith.subf %get3A_219, %dot_general3A_229 : vector<16x10240xf32>
    %get3A_231 = arith.constant 16 : index
    %get3A_232 = arith.constant 0 : index
    %get3A_233 = vector.load %arg5[%get3A_231, %get3A_232] : memref<128x10240xf32, #tpu.memory_space<vmem>>, vector<16x10240xf32>
    %dot_general3A_234 = arith.constant dense<0.000000e+00> : vector<16x16xf32>
    %dot_general3A_235 = tpu.matmul %get3A_233, %get3A_219, %dot_general3A_234 {dimension_numbers = #tpu.dot_dimension_numbers<[1], [1], [0], [0], [0, 0, 1, 0], [], []>, transpose_lhs_hint = false} : vector<16x10240xf32>, vector<16x10240xf32>, vector<16x16xf32> -> vector<16x16xf32>
    %get3A_236 = arith.constant 16 : index
    %get3A_237 = arith.constant 0 : index
    %get3A_238 = vector.load %arg6[%get3A_236, %get3A_237] : memref<128x10240xf32, #tpu.memory_space<vmem>>, vector<16x10240xf32>
    %dot_general3A_239 = arith.constant dense<0.000000e+00> : vector<16x10240xf32>
    %dot_general3A_240 = tpu.matmul %dot_general3A_235, %get3A_238, %dot_general3A_239 {dimension_numbers = #tpu.dot_dimension_numbers<[0], [0], [1], [1], [0, 1, 1, 1], [], []>, transpose_lhs_hint = false} : vector<16x16xf32>, vector<16x10240xf32>, vector<16x10240xf32> -> vector<16x10240xf32>
    %sub3A_241 = arith.subf %sub3A_230, %dot_general3A_240 : vector<16x10240xf32>
    %get3A_242 = arith.constant 32 : index
    %get3A_243 = arith.constant 0 : index
    %get3A_244 = vector.load %arg4[%get3A_242, %get3A_243] : memref<128x16xf32, #tpu.memory_space<vmem>>, vector<16x16xf32>
    %dot_general3A_245 = arith.constant dense<0.000000e+00> : vector<16x10240xf32>
    %dot_general3A_246 = tpu.matmul %get3A_244, %sub3A_241, %dot_general3A_245 {dimension_numbers = #tpu.dot_dimension_numbers<[1], [0], [0], [1], [0, 0, 1, 1], [], []>, transpose_lhs_hint = false} : vector<16x16xf32>, vector<16x10240xf32>, vector<16x10240xf32> -> vector<16x10240xf32>
    %swap3A_247 = arith.constant 32 : index
    %swap3A_248 = arith.constant 0 : index
    %swap3A_249 = vector.load %arg6[%swap3A_247, %swap3A_248] : memref<128x10240xf32, #tpu.memory_space<vmem>>, vector<16x10240xf32>
    tpu.vector_store %arg6[%swap3A_247, %swap3A_248], %dot_general3A_246 {strides = array<i32>} : memref<128x10240xf32, #tpu.memory_space<vmem>>, vector<16x10240xf32>,
    %get3A_250 = arith.constant 48 : index
    %get3A_251 = arith.constant 0 : index
    %get3A_252 = vector.load %arg5[%get3A_250, %get3A_251] : memref<128x10240xf32, #tpu.memory_space<vmem>>, vector<16x10240xf32>
    %get3A_253 = arith.constant 0 : index
    %get3A_254 = arith.constant 0 : index
    %get3A_255 = vector.load %arg5[%get3A_253, %get3A_254] : memref<128x10240xf32, #tpu.memory_space<vmem>>, vector<16x10240xf32>
    %dot_general3A_256 = arith.constant dense<0.000000e+00> : vector<16x16xf32>
    %dot_general3A_257 = tpu.matmul %get3A_255, %get3A_252, %dot_general3A_256 {dimension_numbers = #tpu.dot_dimension_numbers<[1], [1], [0], [0], [0, 0, 1, 0], [], []>, transpose_lhs_hint = false} : vector<16x10240xf32>, vector<16x10240xf32>, vector<16x16xf32> -> vector<16x16xf32>
    %get3A_258 = arith.constant 0 : index
    %get3A_259 = arith.constant 0 : index
    %get3A_260 = vector.load %arg6[%get3A_258, %get3A_259] : memref<128x10240xf32, #tpu.memory_space<vmem>>, vector<16x10240xf32>
    %dot_general3A_261 = arith.constant dense<0.000000e+00> : vector<16x10240xf32>
    %dot_general3A_262 = tpu.matmul %dot_general3A_257, %get3A_260, %dot_general3A_261 {dimension_numbers = #tpu.dot_dimension_numbers<[0], [0], [1], [1], [0, 1, 1, 1], [], []>, transpose_lhs_hint = false} : vector<16x16xf32>, vector<16x10240xf32>, vector<16x10240xf32> -> vector<16x10240xf32>
    %sub3A_263 = arith.subf %get3A_252, %dot_general3A_262 : vector<16x10240xf32>
    %get3A_264 = arith.constant 16 : index
    %get3A_265 = arith.constant 0 : index
    %get3A_266 = vector.load %arg5[%get3A_264, %get3A_265] : memref<128x10240xf32, #tpu.memory_space<vmem>>, vector<16x10240xf32>
    %dot_general3A_267 = arith.constant dense<0.000000e+00> : vector<16x16xf32>
    %dot_general3A_268 = tpu.matmul %get3A_266, %get3A_252, %dot_general3A_267 {dimension_numbers = #tpu.dot_dimension_numbers<[1], [1], [0], [0], [0, 0, 1, 0], [], []>, transpose_lhs_hint = false} : vector<16x10240xf32>, vector<16x10240xf32>, vector<16x16xf32> -> vector<16x16xf32>
    %get3A_269 = arith.constant 16 : index
    %get3A_270 = arith.constant 0 : index
    %get3A_271 = vector.load %arg6[%get3A_269, %get3A_270] : memref<128x10240xf32, #tpu.memory_space<vmem>>, vector<16x10240xf32>
    %dot_general3A_272 = arith.constant dense<0.000000e+00> : vector<16x10240xf32>
    %dot_general3A_273 = tpu.matmul %dot_general3A_268, %get3A_271, %dot_general3A_272 {dimension_numbers = #tpu.dot_dimension_numbers<[0], [0], [1], [1], [0, 1, 1, 1], [], []>, transpose_lhs_hint = false} : vector<16x16xf32>, vector<16x10240xf32>, vector<16x10240xf32> -> vector<16x10240xf32>
    %sub3A_274 = arith.subf %sub3A_263, %dot_general3A_273 : vector<16x10240xf32>
    %get3A_275 = arith.constant 32 : index
    %get3A_276 = arith.constant 0 : index
    %get3A_277 = vector.load %arg5[%get3A_275, %get3A_276] : memref<128x10240xf32, #tpu.memory_space<vmem>>, vector<16x10240xf32>
    %dot_general3A_278 = arith.constant dense<0.000000e+00> : vector<16x16xf32>
    %dot_general3A_279 = tpu.matmul %get3A_277, %get3A_252, %dot_general3A_278 {dimension_numbers = #tpu.dot_dimension_numbers<[1], [1], [0], [0], [0, 0, 1, 0], [], []>, transpose_lhs_hint = false} : vector<16x10240xf32>, vector<16x10240xf32>, vector<16x16xf32> -> vector<16x16xf32>
    %get3A_280 = arith.constant 32 : index
    %get3A_281 = arith.constant 0 : index
    %get3A_282 = vector.load %arg6[%get3A_280, %get3A_281] : memref<128x10240xf32, #tpu.memory_space<vmem>>, vector<16x10240xf32>
    %dot_general3A_283 = arith.constant dense<0.000000e+00> : vector<16x10240xf32>
    %dot_general3A_284 = tpu.matmul %dot_general3A_279, %get3A_282, %dot_general3A_283 {dimension_numbers = #tpu.dot_dimension_numbers<[0], [0], [1], [1], [0, 1, 1, 1], [], []>, transpose_lhs_hint = false} : vector<16x16xf32>, vector<16x10240xf32>, vector<16x10240xf32> -> vector<16x10240xf32>
    %sub3A_285 = arith.subf %sub3A_274, %dot_general3A_284 : vector<16x10240xf32>
    %get3A_286 = arith.constant 48 : index
    %get3A_287 = arith.constant 0 : index
    %get3A_288 = vector.load %arg4[%get3A_286, %get3A_287] : memref<128x16xf32, #tpu.memory_space<vmem>>, vector<16x16xf32>
    %dot_general3A_289 = arith.constant dense<0.000000e+00> : vector<16x10240xf32>
    %dot_general3A_290 = tpu.matmul %get3A_288, %sub3A_285, %dot_general3A_289 {dimension_numbers = #tpu.dot_dimension_numbers<[1], [0], [0], [1], [0, 0, 1, 1], [], []>, transpose_lhs_hint = false} : vector<16x16xf32>, vector<16x10240xf32>, vector<16x10240xf32> -> vector<16x10240xf32>
    %swap3A_291 = arith.constant 48 : index
    %swap3A_292 = arith.constant 0 : index
    %swap3A_293 = vector.load %arg6[%swap3A_291, %swap3A_292] : memref<128x10240xf32, #tpu.memory_space<vmem>>, vector<16x10240xf32>
    tpu.vector_store %arg6[%swap3A_291, %swap3A_292], %dot_general3A_290 {strides = array<i32>} : memref<128x10240xf32, #tpu.memory_space<vmem>>, vector<16x10240xf32>,
    %get3A_294 = arith.constant 64 : index
    %get3A_295 = arith.constant 0 : index
    %get3A_296 = vector.load %arg5[%get3A_294, %get3A_295] : memref<128x10240xf32, #tpu.memory_space<vmem>>, vector<16x10240xf32>
    %get3A_297 = arith.constant 0 : index
    %get3A_298 = arith.constant 0 : index
    %get3A_299 = vector.load %arg5[%get3A_297, %get3A_298] : memref<128x10240xf32, #tpu.memory_space<vmem>>, vector<16x10240xf32>
    %dot_general3A_300 = arith.constant dense<0.000000e+00> : vector<16x16xf32>
    %dot_general3A_301 = tpu.matmul %get3A_299, %get3A_296, %dot_general3A_300 {dimension_numbers = #tpu.dot_dimension_numbers<[1], [1], [0], [0], [0, 0, 1, 0], [], []>, transpose_lhs_hint = false} : vector<16x10240xf32>, vector<16x10240xf32>, vector<16x16xf32> -> vector<16x16xf32>
    %get3A_302 = arith.constant 0 : index
    %get3A_303 = arith.constant 0 : index
    %get3A_304 = vector.load %arg6[%get3A_302, %get3A_303] : memref<128x10240xf32, #tpu.memory_space<vmem>>, vector<16x10240xf32>
    %dot_general3A_305 = arith.constant dense<0.000000e+00> : vector<16x10240xf32>
    %dot_general3A_306 = tpu.matmul %dot_general3A_301, %get3A_304, %dot_general3A_305 {dimension_numbers = #tpu.dot_dimension_numbers<[0], [0], [1], [1], [0, 1, 1, 1], [], []>, transpose_lhs_hint = false} : vector<16x16xf32>, vector<16x10240xf32>, vector<16x10240xf32> -> vector<16x10240xf32>
    %sub3A_307 = arith.subf %get3A_296, %dot_general3A_306 : vector<16x10240xf32>
    %get3A_308 = arith.constant 16 : index
    %get3A_309 = arith.constant 0 : index
    %get3A_310 = vector.load %arg5[%get3A_308, %get3A_309] : memref<128x10240xf32, #tpu.memory_space<vmem>>, vector<16x10240xf32>
    %dot_general3A_311 = arith.constant dense<0.000000e+00> : vector<16x16xf32>
    %dot_general3A_312 = tpu.matmul %get3A_310, %get3A_296, %dot_general3A_311 {dimension_numbers = #tpu.dot_dimension_numbers<[1], [1], [0], [0], [0, 0, 1, 0], [], []>, transpose_lhs_hint = false} : vector<16x10240xf32>, vector<16x10240xf32>, vector<16x16xf32> -> vector<16x16xf32>
    %get3A_313 = arith.constant 16 : index
    %get3A_314 = arith.constant 0 : index
    %get3A_315 = vector.load %arg6[%get3A_313, %get3A_314] : memref<128x10240xf32, #tpu.memory_space<vmem>>, vector<16x10240xf32>
    %dot_general3A_316 = arith.constant dense<0.000000e+00> : vector<16x10240xf32>
    %dot_general3A_317 = tpu.matmul %dot_general3A_312, %get3A_315, %dot_general3A_316 {dimension_numbers = #tpu.dot_dimension_numbers<[0], [0], [1], [1], [0, 1, 1, 1], [], []>, transpose_lhs_hint = false} : vector<16x16xf32>, vector<16x10240xf32>, vector<16x10240xf32> -> vector<16x10240xf32>
    %sub3A_318 = arith.subf %sub3A_307, %dot_general3A_317 : vector<16x10240xf32>
    %get3A_319 = arith.constant 32 : index
    %get3A_320 = arith.constant 0 : index
    %get3A_321 = vector.load %arg5[%get3A_319, %get3A_320] : memref<128x10240xf32, #tpu.memory_space<vmem>>, vector<16x10240xf32>
    %dot_general3A_322 = arith.constant dense<0.000000e+00> : vector<16x16xf32>
    %dot_general3A_323 = tpu.matmul %get3A_321, %get3A_296, %dot_general3A_322 {dimension_numbers = #tpu.dot_dimension_numbers<[1], [1], [0], [0], [0, 0, 1, 0], [], []>, transpose_lhs_hint = false} : vector<16x10240xf32>, vector<16x10240xf32>, vector<16x16xf32> -> vector<16x16xf32>
    %get3A_324 = arith.constant 32 : index
    %get3A_325 = arith.constant 0 : index
    %get3A_326 = vector.load %arg6[%get3A_324, %get3A_325] : memref<128x10240xf32, #tpu.memory_space<vmem>>, vector<16x10240xf32>
    %dot_general3A_327 = arith.constant dense<0.000000e+00> : vector<16x10240xf32>
    %dot_general3A_328 = tpu.matmul %dot_general3A_323, %get3A_326, %dot_general3A_327 {dimension_numbers = #tpu.dot_dimension_numbers<[0], [0], [1], [1], [0, 1, 1, 1], [], []>, transpose_lhs_hint = false} : vector<16x16xf32>, vector<16x10240xf32>, vector<16x10240xf32> -> vector<16x10240xf32>
    %sub3A_329 = arith.subf %sub3A_318, %dot_general3A_328 : vector<16x10240xf32>
    %get3A_330 = arith.constant 48 : index
    %get3A_331 = arith.constant 0 : index
    %get3A_332 = vector.load %arg5[%get3A_330, %get3A_331] : memref<128x10240xf32, #tpu.memory_space<vmem>>, vector<16x10240xf32>
    %dot_general3A_333 = arith.constant dense<0.000000e+00> : vector<16x16xf32>
    %dot_general3A_334 = tpu.matmul %get3A_332, %get3A_296, %dot_general3A_333 {dimension_numbers = #tpu.dot_dimension_numbers<[1], [1], [0], [0], [0, 0, 1, 0], [], []>, transpose_lhs_hint = false} : vector<16x10240xf32>, vector<16x10240xf32>, vector<16x16xf32> -> vector<16x16xf32>
    %get3A_335 = arith.constant 48 : index
    %get3A_336 = arith.constant 0 : index
    %get3A_337 = vector.load %arg6[%get3A_335, %get3A_336] : memref<128x10240xf32, #tpu.memory_space<vmem>>, vector<16x10240xf32>
    %dot_general3A_338 = arith.constant dense<0.000000e+00> : vector<16x10240xf32>
    %dot_general3A_339 = tpu.matmul %dot_general3A_334, %get3A_337, %dot_general3A_338 {dimension_numbers = #tpu.dot_dimension_numbers<[0], [0], [1], [1], [0, 1, 1, 1], [], []>, transpose_lhs_hint = false} : vector<16x16xf32>, vector<16x10240xf32>, vector<16x10240xf32> -> vector<16x10240xf32>
    %sub3A_340 = arith.subf %sub3A_329, %dot_general3A_339 : vector<16x10240xf32>
    %get3A_341 = arith.constant 64 : index
    %get3A_342 = arith.constant 0 : index
    %get3A_343 = vector.load %arg4[%get3A_341, %get3A_342] : memref<128x16xf32, #tpu.memory_space<vmem>>, vector<16x16xf32>
    %dot_general3A_344 = arith.constant dense<0.000000e+00> : vector<16x10240xf32>
    %dot_general3A_345 = tpu.matmul %get3A_343, %sub3A_340, %dot_general3A_344 {dimension_numbers = #tpu.dot_dimension_numbers<[1], [0], [0], [1], [0, 0, 1, 1], [], []>, transpose_lhs_hint = false} : vector<16x16xf32>, vector<16x10240xf32>, vector<16x10240xf32> -> vector<16x10240xf32>
    %swap3A_346 = arith.constant 64 : index
    %swap3A_347 = arith.constant 0 : index
    %swap3A_348 = vector.load %arg6[%swap3A_346, %swap3A_347] : memref<128x10240xf32, #tpu.memory_space<vmem>>, vector<16x10240xf32>
    tpu.vector_store %arg6[%swap3A_346, %swap3A_347], %dot_general3A_345 {strides = array<i32>} : memref<128x10240xf32, #tpu.memory_space<vmem>>, vector<16x10240xf32>,
    %get3A_349 = arith.constant 80 : index
    %get3A_350 = arith.constant 0 : index
    %get3A_351 = vector.load %arg5[%get3A_349, %get3A_350] : memref<128x10240xf32, #tpu.memory_space<vmem>>, vector<16x10240xf32>
    %get3A_352 = arith.constant 0 : index
    %get3A_353 = arith.constant 0 : index
    %get3A_354 = vector.load %arg5[%get3A_352, %get3A_353] : memref<128x10240xf32, #tpu.memory_space<vmem>>, vector<16x10240xf32>
    %dot_general3A_355 = arith.constant dense<0.000000e+00> : vector<16x16xf32>
    %dot_general3A_356 = tpu.matmul %get3A_354, %get3A_351, %dot_general3A_355 {dimension_numbers = #tpu.dot_dimension_numbers<[1], [1], [0], [0], [0, 0, 1, 0], [], []>, transpose_lhs_hint = false} : vector<16x10240xf32>, vector<16x10240xf32>, vector<16x16xf32> -> vector<16x16xf32>
    %get3A_357 = arith.constant 0 : index
    %get3A_358 = arith.constant 0 : index
    %get3A_359 = vector.load %arg6[%get3A_357, %get3A_358] : memref<128x10240xf32, #tpu.memory_space<vmem>>, vector<16x10240xf32>
    %dot_general3A_360 = arith.constant dense<0.000000e+00> : vector<16x10240xf32>
    %dot_general3A_361 = tpu.matmul %dot_general3A_356, %get3A_359, %dot_general3A_360 {dimension_numbers = #tpu.dot_dimension_numbers<[0], [0], [1], [1], [0, 1, 1, 1], [], []>, transpose_lhs_hint = false} : vector<16x16xf32>, vector<16x10240xf32>, vector<16x10240xf32> -> vector<16x10240xf32>
    %sub3A_362 = arith.subf %get3A_351, %dot_general3A_361 : vector<16x10240xf32>
    %get3A_363 = arith.constant 16 : index
    %get3A_364 = arith.constant 0 : index
    %get3A_365 = vector.load %arg5[%get3A_363, %get3A_364] : memref<128x10240xf32, #tpu.memory_space<vmem>>, vector<16x10240xf32>
    %dot_general3A_366 = arith.constant dense<0.000000e+00> : vector<16x16xf32>
    %dot_general3A_367 = tpu.matmul %get3A_365, %get3A_351, %dot_general3A_366 {dimension_numbers = #tpu.dot_dimension_numbers<[1], [1], [0], [0], [0, 0, 1, 0], [], []>, transpose_lhs_hint = false} : vector<16x10240xf32>, vector<16x10240xf32>, vector<16x16xf32> -> vector<16x16xf32>
    %get3A_368 = arith.constant 16 : index
    %get3A_369 = arith.constant 0 : index
    %get3A_370 = vector.load %arg6[%get3A_368, %get3A_369] : memref<128x10240xf32, #tpu.memory_space<vmem>>, vector<16x10240xf32>
    %dot_general3A_371 = arith.constant dense<0.000000e+00> : vector<16x10240xf32>
    %dot_general3A_372 = tpu.matmul %dot_general3A_367, %get3A_370, %dot_general3A_371 {dimension_numbers = #tpu.dot_dimension_numbers<[0], [0], [1], [1], [0, 1, 1, 1], [], []>, transpose_lhs_hint = false} : vector<16x16xf32>, vector<16x10240xf32>, vector<16x10240xf32> -> vector<16x10240xf32>
    %sub3A_373 = arith.subf %sub3A_362, %dot_general3A_372 : vector<16x10240xf32>
    %get3A_374 = arith.constant 32 : index
    %get3A_375 = arith.constant 0 : index
    %get3A_376 = vector.load %arg5[%get3A_374, %get3A_375] : memref<128x10240xf32, #tpu.memory_space<vmem>>, vector<16x10240xf32>
    %dot_general3A_377 = arith.constant dense<0.000000e+00> : vector<16x16xf32>
    %dot_general3A_378 = tpu.matmul %get3A_376, %get3A_351, %dot_general3A_377 {dimension_numbers = #tpu.dot_dimension_numbers<[1], [1], [0], [0], [0, 0, 1, 0], [], []>, transpose_lhs_hint = false} : vector<16x10240xf32>, vector<16x10240xf32>, vector<16x16xf32> -> vector<16x16xf32>
    %get3A_379 = arith.constant 32 : index
    %get3A_380 = arith.constant 0 : index
    %get3A_381 = vector.load %arg6[%get3A_379, %get3A_380] : memref<128x10240xf32, #tpu.memory_space<vmem>>, vector<16x10240xf32>
    %dot_general3A_382 = arith.constant dense<0.000000e+00> : vector<16x10240xf32>
    %dot_general3A_383 = tpu.matmul %dot_general3A_378, %get3A_381, %dot_general3A_382 {dimension_numbers = #tpu.dot_dimension_numbers<[0], [0], [1], [1], [0, 1, 1, 1], [], []>, transpose_lhs_hint = false} : vector<16x16xf32>, vector<16x10240xf32>, vector<16x10240xf32> -> vector<16x10240xf32>
    %sub3A_384 = arith.subf %sub3A_373, %dot_general3A_383 : vector<16x10240xf32>
    %get3A_385 = arith.constant 48 : index
    %get3A_386 = arith.constant 0 : index
    %get3A_387 = vector.load %arg5[%get3A_385, %get3A_386] : memref<128x10240xf32, #tpu.memory_space<vmem>>, vector<16x10240xf32>
    %dot_general3A_388 = arith.constant dense<0.000000e+00> : vector<16x16xf32>
    %dot_general3A_389 = tpu.matmul %get3A_387, %get3A_351, %dot_general3A_388 {dimension_numbers = #tpu.dot_dimension_numbers<[1], [1], [0], [0], [0, 0, 1, 0], [], []>, transpose_lhs_hint = false} : vector<16x10240xf32>, vector<16x10240xf32>, vector<16x16xf32> -> vector<16x16xf32>
    %get3A_390 = arith.constant 48 : index
    %get3A_391 = arith.constant 0 : index
    %get3A_392 = vector.load %arg6[%get3A_390, %get3A_391] : memref<128x10240xf32, #tpu.memory_space<vmem>>, vector<16x10240xf32>
    %dot_general3A_393 = arith.constant dense<0.000000e+00> : vector<16x10240xf32>
    %dot_general3A_394 = tpu.matmul %dot_general3A_389, %get3A_392, %dot_general3A_393 {dimension_numbers = #tpu.dot_dimension_numbers<[0], [0], [1], [1], [0, 1, 1, 1], [], []>, transpose_lhs_hint = false} : vector<16x16xf32>, vector<16x10240xf32>, vector<16x10240xf32> -> vector<16x10240xf32>
    %sub3A_395 = arith.subf %sub3A_384, %dot_general3A_394 : vector<16x10240xf32>
    %get3A_396 = arith.constant 64 : index
    %get3A_397 = arith.constant 0 : index
    %get3A_398 = vector.load %arg5[%get3A_396, %get3A_397] : memref<128x10240xf32, #tpu.memory_space<vmem>>, vector<16x10240xf32>
    %dot_general3A_399 = arith.constant dense<0.000000e+00> : vector<16x16xf32>
    %dot_general3A_400 = tpu.matmul %get3A_398, %get3A_351, %dot_general3A_399 {dimension_numbers = #tpu.dot_dimension_numbers<[1], [1], [0], [0], [0, 0, 1, 0], [], []>, transpose_lhs_hint = false} : vector<16x10240xf32>, vector<16x10240xf32>, vector<16x16xf32> -> vector<16x16xf32>
    %get3A_401 = arith.constant 64 : index
    %get3A_402 = arith.constant 0 : index
    %get3A_403 = vector.load %arg6[%get3A_401, %get3A_402] : memref<128x10240xf32, #tpu.memory_space<vmem>>, vector<16x10240xf32>
    %dot_general3A_404 = arith.constant dense<0.000000e+00> : vector<16x10240xf32>
    %dot_general3A_405 = tpu.matmul %dot_general3A_400, %get3A_403, %dot_general3A_404 {dimension_numbers = #tpu.dot_dimension_numbers<[0], [0], [1], [1], [0, 1, 1, 1], [], []>, transpose_lhs_hint = false} : vector<16x16xf32>, vector<16x10240xf32>, vector<16x10240xf32> -> vector<16x10240xf32>
    %sub3A_406 = arith.subf %sub3A_395, %dot_general3A_405 : vector<16x10240xf32>
    %get3A_407 = arith.constant 80 : index
    %get3A_408 = arith.constant 0 : index
    %get3A_409 = vector.load %arg4[%get3A_407, %get3A_408] : memref<128x16xf32, #tpu.memory_space<vmem>>, vector<16x16xf32>
    %dot_general3A_410 = arith.constant dense<0.000000e+00> : vector<16x10240xf32>
    %dot_general3A_411 = tpu.matmul %get3A_409, %sub3A_406, %dot_general3A_410 {dimension_numbers = #tpu.dot_dimension_numbers<[1], [0], [0], [1], [0, 0, 1, 1], [], []>, transpose_lhs_hint = false} : vector<16x16xf32>, vector<16x10240xf32>, vector<16x10240xf32> -> vector<16x10240xf32>
    %swap3A_412 = arith.constant 80 : index
    %swap3A_413 = arith.constant 0 : index
    %swap3A_414 = vector.load %arg6[%swap3A_412, %swap3A_413] : memref<128x10240xf32, #tpu.memory_space<vmem>>, vector<16x10240xf32>
    tpu.vector_store %arg6[%swap3A_412, %swap3A_413], %dot_general3A_411 {strides = array<i32>} : memref<128x10240xf32, #tpu.memory_space<vmem>>, vector<16x10240xf32>,
    %get3A_415 = arith.constant 96 : index
    %get3A_416 = arith.constant 0 : index
    %get3A_417 = vector.load %arg5[%get3A_415, %get3A_416] : memref<128x10240xf32, #tpu.memory_space<vmem>>, vector<16x10240xf32>
    %get3A_418 = arith.constant 0 : index
    %get3A_419 = arith.constant 0 : index
    %get3A_420 = vector.load %arg5[%get3A_418, %get3A_419] : memref<128x10240xf32, #tpu.memory_space<vmem>>, vector<16x10240xf32>
    %dot_general3A_421 = arith.constant dense<0.000000e+00> : vector<16x16xf32>
    %dot_general3A_422 = tpu.matmul %get3A_420, %get3A_417, %dot_general3A_421 {dimension_numbers = #tpu.dot_dimension_numbers<[1], [1], [0], [0], [0, 0, 1, 0], [], []>, transpose_lhs_hint = false} : vector<16x10240xf32>, vector<16x10240xf32>, vector<16x16xf32> -> vector<16x16xf32>
    %get3A_423 = arith.constant 0 : index
    %get3A_424 = arith.constant 0 : index
    %get3A_425 = vector.load %arg6[%get3A_423, %get3A_424] : memref<128x10240xf32, #tpu.memory_space<vmem>>, vector<16x10240xf32>
    %dot_general3A_426 = arith.constant dense<0.000000e+00> : vector<16x10240xf32>
    %dot_general3A_427 = tpu.matmul %dot_general3A_422, %get3A_425, %dot_general3A_426 {dimension_numbers = #tpu.dot_dimension_numbers<[0], [0], [1], [1], [0, 1, 1, 1], [], []>, transpose_lhs_hint = false} : vector<16x16xf32>, vector<16x10240xf32>, vector<16x10240xf32> -> vector<16x10240xf32>
    %sub3A_428 = arith.subf %get3A_417, %dot_general3A_427 : vector<16x10240xf32>
    %get3A_429 = arith.constant 16 : index
    %get3A_430 = arith.constant 0 : index
    %get3A_431 = vector.load %arg5[%get3A_429, %get3A_430] : memref<128x10240xf32, #tpu.memory_space<vmem>>, vector<16x10240xf32>
    %dot_general3A_432 = arith.constant dense<0.000000e+00> : vector<16x16xf32>
    %dot_general3A_433 = tpu.matmul %get3A_431, %get3A_417, %dot_general3A_432 {dimension_numbers = #tpu.dot_dimension_numbers<[1], [1], [0], [0], [0, 0, 1, 0], [], []>, transpose_lhs_hint = false} : vector<16x10240xf32>, vector<16x10240xf32>, vector<16x16xf32> -> vector<16x16xf32>
    %get3A_434 = arith.constant 16 : index
    %get3A_435 = arith.constant 0 : index
    %get3A_436 = vector.load %arg6[%get3A_434, %get3A_435] : memref<128x10240xf32, #tpu.memory_space<vmem>>, vector<16x10240xf32>
    %dot_general3A_437 = arith.constant dense<0.000000e+00> : vector<16x10240xf32>
    %dot_general3A_438 = tpu.matmul %dot_general3A_433, %get3A_436, %dot_general3A_437 {dimension_numbers = #tpu.dot_dimension_numbers<[0], [0], [1], [1], [0, 1, 1, 1], [], []>, transpose_lhs_hint = false} : vector<16x16xf32>, vector<16x10240xf32>, vector<16x10240xf32> -> vector<16x10240xf32>
    %sub3A_439 = arith.subf %sub3A_428, %dot_general3A_438 : vector<16x10240xf32>
    %get3A_440 = arith.constant 32 : index
    %get3A_441 = arith.constant 0 : index
    %get3A_442 = vector.load %arg5[%get3A_440, %get3A_441] : memref<128x10240xf32, #tpu.memory_space<vmem>>, vector<16x10240xf32>
    %dot_general3A_443 = arith.constant dense<0.000000e+00> : vector<16x16xf32>
    %dot_general3A_444 = tpu.matmul %get3A_442, %get3A_417, %dot_general3A_443 {dimension_numbers = #tpu.dot_dimension_numbers<[1], [1], [0], [0], [0, 0, 1, 0], [], []>, transpose_lhs_hint = false} : vector<16x10240xf32>, vector<16x10240xf32>, vector<16x16xf32> -> vector<16x16xf32>
    %get3A_445 = arith.constant 32 : index
    %get3A_446 = arith.constant 0 : index
    %get3A_447 = vector.load %arg6[%get3A_445, %get3A_446] : memref<128x10240xf32, #tpu.memory_space<vmem>>, vector<16x10240xf32>
    %dot_general3A_448 = arith.constant dense<0.000000e+00> : vector<16x10240xf32>
    %dot_general3A_449 = tpu.matmul %dot_general3A_444, %get3A_447, %dot_general3A_448 {dimension_numbers = #tpu.dot_dimension_numbers<[0], [0], [1], [1], [0, 1, 1, 1], [], []>, transpose_lhs_hint = false} : vector<16x16xf32>, vector<16x10240xf32>, vector<16x10240xf32> -> vector<16x10240xf32>
    %sub3A_450 = arith.subf %sub3A_439, %dot_general3A_449 : vector<16x10240xf32>
    %get3A_451 = arith.constant 48 : index
    %get3A_452 = arith.constant 0 : index
    %get3A_453 = vector.load %arg5[%get3A_451, %get3A_452] : memref<128x10240xf32, #tpu.memory_space<vmem>>, vector<16x10240xf32>
    %dot_general3A_454 = arith.constant dense<0.000000e+00> : vector<16x16xf32>
    %dot_general3A_455 = tpu.matmul %get3A_453, %get3A_417, %dot_general3A_454 {dimension_numbers = #tpu.dot_dimension_numbers<[1], [1], [0], [0], [0, 0, 1, 0], [], []>, transpose_lhs_hint = false} : vector<16x10240xf32>, vector<16x10240xf32>, vector<16x16xf32> -> vector<16x16xf32>
    %get3A_456 = arith.constant 48 : index
    %get3A_457 = arith.constant 0 : index
    %get3A_458 = vector.load %arg6[%get3A_456, %get3A_457] : memref<128x10240xf32, #tpu.memory_space<vmem>>, vector<16x10240xf32>
    %dot_general3A_459 = arith.constant dense<0.000000e+00> : vector<16x10240xf32>
    %dot_general3A_460 = tpu.matmul %dot_general3A_455, %get3A_458, %dot_general3A_459 {dimension_numbers = #tpu.dot_dimension_numbers<[0], [0], [1], [1], [0, 1, 1, 1], [], []>, transpose_lhs_hint = false} : vector<16x16xf32>, vector<16x10240xf32>, vector<16x10240xf32> -> vector<16x10240xf32>
    %sub3A_461 = arith.subf %sub3A_450, %dot_general3A_460 : vector<16x10240xf32>
    %get3A_462 = arith.constant 64 : index
    %get3A_463 = arith.constant 0 : index
    %get3A_464 = vector.load %arg5[%get3A_462, %get3A_463] : memref<128x10240xf32, #tpu.memory_space<vmem>>, vector<16x10240xf32>
    %dot_general3A_465 = arith.constant dense<0.000000e+00> : vector<16x16xf32>
    %dot_general3A_466 = tpu.matmul %get3A_464, %get3A_417, %dot_general3A_465 {dimension_numbers = #tpu.dot_dimension_numbers<[1], [1], [0], [0], [0, 0, 1, 0], [], []>, transpose_lhs_hint = false} : vector<16x10240xf32>, vector<16x10240xf32>, vector<16x16xf32> -> vector<16x16xf32>
    %get3A_467 = arith.constant 64 : index
    %get3A_468 = arith.constant 0 : index
    %get3A_469 = vector.load %arg6[%get3A_467, %get3A_468] : memref<128x10240xf32, #tpu.memory_space<vmem>>, vector<16x10240xf32>
    %dot_general3A_470 = arith.constant dense<0.000000e+00> : vector<16x10240xf32>
    %dot_general3A_471 = tpu.matmul %dot_general3A_466, %get3A_469, %dot_general3A_470 {dimension_numbers = #tpu.dot_dimension_numbers<[0], [0], [1], [1], [0, 1, 1, 1], [], []>, transpose_lhs_hint = false} : vector<16x16xf32>, vector<16x10240xf32>, vector<16x10240xf32> -> vector<16x10240xf32>
    %sub3A_472 = arith.subf %sub3A_461, %dot_general3A_471 : vector<16x10240xf32>
    %get3A_473 = arith.constant 80 : index
    %get3A_474 = arith.constant 0 : index
    %get3A_475 = vector.load %arg5[%get3A_473, %get3A_474] : memref<128x10240xf32, #tpu.memory_space<vmem>>, vector<16x10240xf32>
    %dot_general3A_476 = arith.constant dense<0.000000e+00> : vector<16x16xf32>
    %dot_general3A_477 = tpu.matmul %get3A_475, %get3A_417, %dot_general3A_476 {dimension_numbers = #tpu.dot_dimension_numbers<[1], [1], [0], [0], [0, 0, 1, 0], [], []>, transpose_lhs_hint = false} : vector<16x10240xf32>, vector<16x10240xf32>, vector<16x16xf32> -> vector<16x16xf32>
    %get3A_478 = arith.constant 80 : index
    %get3A_479 = arith.constant 0 : index
    %get3A_480 = vector.load %arg6[%get3A_478, %get3A_479] : memref<128x10240xf32, #tpu.memory_space<vmem>>, vector<16x10240xf32>
    %dot_general3A_481 = arith.constant dense<0.000000e+00> : vector<16x10240xf32>
    %dot_general3A_482 = tpu.matmul %dot_general3A_477, %get3A_480, %dot_general3A_481 {dimension_numbers = #tpu.dot_dimension_numbers<[0], [0], [1], [1], [0, 1, 1, 1], [], []>, transpose_lhs_hint = false} : vector<16x16xf32>, vector<16x10240xf32>, vector<16x10240xf32> -> vector<16x10240xf32>
    %sub3A_483 = arith.subf %sub3A_472, %dot_general3A_482 : vector<16x10240xf32>
    %get3A_484 = arith.constant 96 : index
    %get3A_485 = arith.constant 0 : index
    %get3A_486 = vector.load %arg4[%get3A_484, %get3A_485] : memref<128x16xf32, #tpu.memory_space<vmem>>, vector<16x16xf32>
    %dot_general3A_487 = arith.constant dense<0.000000e+00> : vector<16x10240xf32>
    %dot_general3A_488 = tpu.matmul %get3A_486, %sub3A_483, %dot_general3A_487 {dimension_numbers = #tpu.dot_dimension_numbers<[1], [0], [0], [1], [0, 0, 1, 1], [], []>, transpose_lhs_hint = false} : vector<16x16xf32>, vector<16x10240xf32>, vector<16x10240xf32> -> vector<16x10240xf32>
    %swap3A_489 = arith.constant 96 : index
    %swap3A_490 = arith.constant 0 : index
    %swap3A_491 = vector.load %arg6[%swap3A_489, %swap3A_490] : memref<128x10240xf32, #tpu.memory_space<vmem>>, vector<16x10240xf32>
    tpu.vector_store %arg6[%swap3A_489, %swap3A_490], %dot_general3A_488 {strides = array<i32>} : memref<128x10240xf32, #tpu.memory_space<vmem>>, vector<16x10240xf32>,
    %get3A_492 = arith.constant 112 : index
    %get3A_493 = arith.constant 0 : index
    %get3A_494 = vector.load %arg5[%get3A_492, %get3A_493] : memref<128x10240xf32, #tpu.memory_space<vmem>>, vector<16x10240xf32>
    %get3A_495 = arith.constant 0 : index
    %get3A_496 = arith.constant 0 : index
    %get3A_497 = vector.load %arg5[%get3A_495, %get3A_496] : memref<128x10240xf32, #tpu.memory_space<vmem>>, vector<16x10240xf32>
    %dot_general3A_498 = arith.constant dense<0.000000e+00> : vector<16x16xf32>
    %dot_general3A_499 = tpu.matmul %get3A_497, %get3A_494, %dot_general3A_498 {dimension_numbers = #tpu.dot_dimension_numbers<[1], [1], [0], [0], [0, 0, 1, 0], [], []>, transpose_lhs_hint = false} : vector<16x10240xf32>, vector<16x10240xf32>, vector<16x16xf32> -> vector<16x16xf32>
    %get3A_500 = arith.constant 0 : index
    %get3A_501 = arith.constant 0 : index
    %get3A_502 = vector.load %arg6[%get3A_500, %get3A_501] : memref<128x10240xf32, #tpu.memory_space<vmem>>, vector<16x10240xf32>
    %dot_general3A_503 = arith.constant dense<0.000000e+00> : vector<16x10240xf32>
    %dot_general3A_504 = tpu.matmul %dot_general3A_499, %get3A_502, %dot_general3A_503 {dimension_numbers = #tpu.dot_dimension_numbers<[0], [0], [1], [1], [0, 1, 1, 1], [], []>, transpose_lhs_hint = false} : vector<16x16xf32>, vector<16x10240xf32>, vector<16x10240xf32> -> vector<16x10240xf32>
    %sub3A_505 = arith.subf %get3A_494, %dot_general3A_504 : vector<16x10240xf32>
    %get3A_506 = arith.constant 16 : index
    %get3A_507 = arith.constant 0 : index
    %get3A_508 = vector.load %arg5[%get3A_506, %get3A_507] : memref<128x10240xf32, #tpu.memory_space<vmem>>, vector<16x10240xf32>
    %dot_general3A_509 = arith.constant dense<0.000000e+00> : vector<16x16xf32>
    %dot_general3A_510 = tpu.matmul %get3A_508, %get3A_494, %dot_general3A_509 {dimension_numbers = #tpu.dot_dimension_numbers<[1], [1], [0], [0], [0, 0, 1, 0], [], []>, transpose_lhs_hint = false} : vector<16x10240xf32>, vector<16x10240xf32>, vector<16x16xf32> -> vector<16x16xf32>
    %get3A_511 = arith.constant 16 : index
    %get3A_512 = arith.constant 0 : index
    %get3A_513 = vector.load %arg6[%get3A_511, %get3A_512] : memref<128x10240xf32, #tpu.memory_space<vmem>>, vector<16x10240xf32>
    %dot_general3A_514 = arith.constant dense<0.000000e+00> : vector<16x10240xf32>
    %dot_general3A_515 = tpu.matmul %dot_general3A_510, %get3A_513, %dot_general3A_514 {dimension_numbers = #tpu.dot_dimension_numbers<[0], [0], [1], [1], [0, 1, 1, 1], [], []>, transpose_lhs_hint = false} : vector<16x16xf32>, vector<16x10240xf32>, vector<16x10240xf32> -> vector<16x10240xf32>
    %sub3A_516 = arith.subf %sub3A_505, %dot_general3A_515 : vector<16x10240xf32>
    %get3A_517 = arith.constant 32 : index
    %get3A_518 = arith.constant 0 : index
    %get3A_519 = vector.load %arg5[%get3A_517, %get3A_518] : memref<128x10240xf32, #tpu.memory_space<vmem>>, vector<16x10240xf32>
    %dot_general3A_520 = arith.constant dense<0.000000e+00> : vector<16x16xf32>
    %dot_general3A_521 = tpu.matmul %get3A_519, %get3A_494, %dot_general3A_520 {dimension_numbers = #tpu.dot_dimension_numbers<[1], [1], [0], [0], [0, 0, 1, 0], [], []>, transpose_lhs_hint = false} : vector<16x10240xf32>, vector<16x10240xf32>, vector<16x16xf32> -> vector<16x16xf32>
    %get3A_522 = arith.constant 32 : index
    %get3A_523 = arith.constant 0 : index
    %get3A_524 = vector.load %arg6[%get3A_522, %get3A_523] : memref<128x10240xf32, #tpu.memory_space<vmem>>, vector<16x10240xf32>
    %dot_general3A_525 = arith.constant dense<0.000000e+00> : vector<16x10240xf32>
    %dot_general3A_526 = tpu.matmul %dot_general3A_521, %get3A_524, %dot_general3A_525 {dimension_numbers = #tpu.dot_dimension_numbers<[0], [0], [1], [1], [0, 1, 1, 1], [], []>, transpose_lhs_hint = false} : vector<16x16xf32>, vector<16x10240xf32>, vector<16x10240xf32> -> vector<16x10240xf32>
    %sub3A_527 = arith.subf %sub3A_516, %dot_general3A_526 : vector<16x10240xf32>
    %get3A_528 = arith.constant 48 : index
    %get3A_529 = arith.constant 0 : index
    %get3A_530 = vector.load %arg5[%get3A_528, %get3A_529] : memref<128x10240xf32, #tpu.memory_space<vmem>>, vector<16x10240xf32>
    %dot_general3A_531 = arith.constant dense<0.000000e+00> : vector<16x16xf32>
    %dot_general3A_532 = tpu.matmul %get3A_530, %get3A_494, %dot_general3A_531 {dimension_numbers = #tpu.dot_dimension_numbers<[1], [1], [0], [0], [0, 0, 1, 0], [], []>, transpose_lhs_hint = false} : vector<16x10240xf32>, vector<16x10240xf32>, vector<16x16xf32> -> vector<16x16xf32>
    %get3A_533 = arith.constant 48 : index
    %get3A_534 = arith.constant 0 : index
    %get3A_535 = vector.load %arg6[%get3A_533, %get3A_534] : memref<128x10240xf32, #tpu.memory_space<vmem>>, vector<16x10240xf32>
    %dot_general3A_536 = arith.constant dense<0.000000e+00> : vector<16x10240xf32>
    %dot_general3A_537 = tpu.matmul %dot_general3A_532, %get3A_535, %dot_general3A_536 {dimension_numbers = #tpu.dot_dimension_numbers<[0], [0], [1], [1], [0, 1, 1, 1], [], []>, transpose_lhs_hint = false} : vector<16x16xf32>, vector<16x10240xf32>, vector<16x10240xf32> -> vector<16x10240xf32>
    %sub3A_538 = arith.subf %sub3A_527, %dot_general3A_537 : vector<16x10240xf32>
    %get3A_539 = arith.constant 64 : index
    %get3A_540 = arith.constant 0 : index
    %get3A_541 = vector.load %arg5[%get3A_539, %get3A_540] : memref<128x10240xf32, #tpu.memory_space<vmem>>, vector<16x10240xf32>
    %dot_general3A_542 = arith.constant dense<0.000000e+00> : vector<16x16xf32>
    %dot_general3A_543 = tpu.matmul %get3A_541, %get3A_494, %dot_general3A_542 {dimension_numbers = #tpu.dot_dimension_numbers<[1], [1], [0], [0], [0, 0, 1, 0], [], []>, transpose_lhs_hint = false} : vector<16x10240xf32>, vector<16x10240xf32>, vector<16x16xf32> -> vector<16x16xf32>
    %get3A_544 = arith.constant 64 : index
    %get3A_545 = arith.constant 0 : index
    %get3A_546 = vector.load %arg6[%get3A_544, %get3A_545] : memref<128x10240xf32, #tpu.memory_space<vmem>>, vector<16x10240xf32>
    %dot_general3A_547 = arith.constant dense<0.000000e+00> : vector<16x10240xf32>
    %dot_general3A_548 = tpu.matmul %dot_general3A_543, %get3A_546, %dot_general3A_547 {dimension_numbers = #tpu.dot_dimension_numbers<[0], [0], [1], [1], [0, 1, 1, 1], [], []>, transpose_lhs_hint = false} : vector<16x16xf32>, vector<16x10240xf32>, vector<16x10240xf32> -> vector<16x10240xf32>
    %sub3A_549 = arith.subf %sub3A_538, %dot_general3A_548 : vector<16x10240xf32>
    %get3A_550 = arith.constant 80 : index
    %get3A_551 = arith.constant 0 : index
    %get3A_552 = vector.load %arg5[%get3A_550, %get3A_551] : memref<128x10240xf32, #tpu.memory_space<vmem>>, vector<16x10240xf32>
    %dot_general3A_553 = arith.constant dense<0.000000e+00> : vector<16x16xf32>
    %dot_general3A_554 = tpu.matmul %get3A_552, %get3A_494, %dot_general3A_553 {dimension_numbers = #tpu.dot_dimension_numbers<[1], [1], [0], [0], [0, 0, 1, 0], [], []>, transpose_lhs_hint = false} : vector<16x10240xf32>, vector<16x10240xf32>, vector<16x16xf32> -> vector<16x16xf32>
    %get3A_555 = arith.constant 80 : index
    %get3A_556 = arith.constant 0 : index
    %get3A_557 = vector.load %arg6[%get3A_555, %get3A_556] : memref<128x10240xf32, #tpu.memory_space<vmem>>, vector<16x10240xf32>
    %dot_general3A_558 = arith.constant dense<0.000000e+00> : vector<16x10240xf32>
    %dot_general3A_559 = tpu.matmul %dot_general3A_554, %get3A_557, %dot_general3A_558 {dimension_numbers = #tpu.dot_dimension_numbers<[0], [0], [1], [1], [0, 1, 1, 1], [], []>, transpose_lhs_hint = false} : vector<16x16xf32>, vector<16x10240xf32>, vector<16x10240xf32> -> vector<16x10240xf32>
    %sub3A_560 = arith.subf %sub3A_549, %dot_general3A_559 : vector<16x10240xf32>
    %get3A_561 = arith.constant 96 : index
    %get3A_562 = arith.constant 0 : index
    %get3A_563 = vector.load %arg5[%get3A_561, %get3A_562] : memref<128x10240xf32, #tpu.memory_space<vmem>>, vector<16x10240xf32>
    %dot_general3A_564 = arith.constant dense<0.000000e+00> : vector<16x16xf32>
    %dot_general3A_565 = tpu.matmul %get3A_563, %get3A_494, %dot_general3A_564 {dimension_numbers = #tpu.dot_dimension_numbers<[1], [1], [0], [0], [0, 0, 1, 0], [], []>, transpose_lhs_hint = false} : vector<16x10240xf32>, vector<16x10240xf32>, vector<16x16xf32> -> vector<16x16xf32>
    %get3A_566 = arith.constant 96 : index
    %get3A_567 = arith.constant 0 : index
    %get3A_568 = vector.load %arg6[%get3A_566, %get3A_567] : memref<128x10240xf32, #tpu.memory_space<vmem>>, vector<16x10240xf32>
    %dot_general3A_569 = arith.constant dense<0.000000e+00> : vector<16x10240xf32>
    %dot_general3A_570 = tpu.matmul %dot_general3A_565, %get3A_568, %dot_general3A_569 {dimension_numbers = #tpu.dot_dimension_numbers<[0], [0], [1], [1], [0, 1, 1, 1], [], []>, transpose_lhs_hint = false} : vector<16x16xf32>, vector<16x10240xf32>, vector<16x10240xf32> -> vector<16x10240xf32>
    %sub3A_571 = arith.subf %sub3A_560, %dot_general3A_570 : vector<16x10240xf32>
    %get3A_572 = arith.constant 112 : index
    %get3A_573 = arith.constant 0 : index
    %get3A_574 = vector.load %arg4[%get3A_572, %get3A_573] : memref<128x16xf32, #tpu.memory_space<vmem>>, vector<16x16xf32>
    %dot_general3A_575 = arith.constant dense<0.000000e+00> : vector<16x10240xf32>
    %dot_general3A_576 = tpu.matmul %get3A_574, %sub3A_571, %dot_general3A_575 {dimension_numbers = #tpu.dot_dimension_numbers<[1], [0], [0], [1], [0, 0, 1, 1], [], []>, transpose_lhs_hint = false} : vector<16x16xf32>, vector<16x10240xf32>, vector<16x10240xf32> -> vector<16x10240xf32>
    %swap3A_577 = arith.constant 112 : index
    %swap3A_578 = arith.constant 0 : index
    %swap3A_579 = vector.load %arg6[%swap3A_577, %swap3A_578] : memref<128x10240xf32, #tpu.memory_space<vmem>>, vector<16x10240xf32>
    tpu.vector_store %arg6[%swap3A_577, %swap3A_578], %dot_general3A_576 {strides = array<i32>} : memref<128x10240xf32, #tpu.memory_space<vmem>>, vector<16x10240xf32>,
    %get3A_580 = arith.constant 0 : index
    %get3A_581 = arith.constant 0 : index
    %get3A_582 = vector.load %arg5[%get3A_580, %get3A_581] : memref<128x10240xf32, #tpu.memory_space<vmem>>, vector<128x10240xf32>
    %convert_element_type3A = arith.truncf %get3A_582 : vector<128x10240xf32> to vector<128x10240xbf16>
    %swap3A_583 = arith.constant 0 : index
    %swap3A_584 = arith.constant 0 : index
    %swap3A_585 = vector.load %arg1[%swap3A_583, %swap3A_584] : memref<128x10240xbf16, #tpu.memory_space<vmem>>, vector<128x10240xbf16>
    tpu.vector_store %arg1[%swap3A_583, %swap3A_584], %convert_element_type3A {strides = array<i32>} : memref<128x10240xbf16, #tpu.memory_space<vmem>>, vector<128x10240xbf16>,
    %get3A_586 = arith.constant 0 : index
    %get3A_587 = arith.constant 0 : index
    %get3A_588 = vector.load %arg6[%get3A_586, %get3A_587] : memref<128x10240xf32, #tpu.memory_space<vmem>>, vector<128x10240xf32>
    %convert_element_type3A_589 = arith.truncf %get3A_588 : vector<128x10240xf32> to vector<128x10240xbf16>
    %swap3A_590 = arith.constant 0 : index
    %swap3A_591 = arith.constant 0 : index
    %swap3A_592 = vector.load %arg2[%swap3A_590, %swap3A_591] : memref<128x10240xbf16, #tpu.memory_space<vmem>>, vector<128x10240xbf16>
    tpu.vector_store %arg2[%swap3A_590, %swap3A_591], %convert_element_type3A_589 {strides = array<i32>} : memref<128x10240xbf16, #tpu.memory_space<vmem>>, vector<128x10240xbf16>,
    return
  }
}

</mosaic_0001>

<sc_bundles>
// kernel: kernel.11.cloned.1.call-start
scs
__scs_entry_jumppad:
0x0: {  	(pc) =	sbr.rel $0x88, $3  }
0x1: {  	(tag) =	ssettag $0x0;
	lr =	simm.s32 $0x1  }
0x2: {  	[smem:$0x3F9F] =	sst lr;
	_ =	strace $0xD0000000  }
0x3: {  	_ = 	snop  }
0x4: {  	_ = 	snop  }
0x5: {  	_ = 	snop  }
0x6: {  	_ = 	snop  }
0x7: {  	_ = 	snop  }
__scs_overlays_trampoline_lowered:
0x8: {  	[smem:$0x3FAE] =	sst s0  }
0x9: {  	[smem:$0x3FAF] =	sst s1  }
0xa: {  	[smem:$0x3FB0] =	sst s2  }
0xb: {  	[smem:$0x3FB1] =	sst s3  }
0xc: {  	[smem:$0x3FB2] =	sst s4  }
0xd: {  	[smem:$0x3FB3] =	sst s5  }
0xe: {  	[smem:$0x3FB4] =	sst s6  }
0xf: {  	[smem:$0x3FB5] =	sst s7  }
0x10: {  	[smem:$0x3FB6] =	sst s8  }
0x11: {  	[smem:$0x3FB7] =	sst s9;
	s0 =	simm.s32 @!p0 $0x0  }
0x12: {  	s1 =	sld [smem:$0x3F9D];
	s0 =	simm.s32 @p0 $0x1  }
0x13: {  	[smem:$0x3FB8] =	sst s0;
	s0 =	simm.s32 @!p1 $0x0  }
0x14: {  	s2 =	sld [smem:$0x3F9C];
	s0 =	simm.s32 @p1 $0x1  }
0x15: {  	[smem:$0x3FB9] =	sst s0;
	s0 =	simm.s32 @!p2 $0x0  }
0x16: {  	s3 =	sld [smem:$0x3FDB];
	s0 =	simm.s32 @p2 $0x1  }
0x17: {  	s4 =	simm.s32 $0x1BF5;
	[smem:$0x3FBB] =	sst s0  }
0x18: {  	s0 =	sld [smem:$0x3F9E];
	_ =	swait.ge [sflag:s4], $0x0  }
0x19: {  	s7 =	sld [smem:$0x3F9F]  }
0x1a: {  	s8 =	sadd.s32 $0xFFFFE003, lr  }
0x1b: {  	s9 =	sadd.s32 $0xFFFFFEF7, lr;
	s5 =	simm.s32 $0xFFFFFFFF;
	p2 =	slt.u32 s8, $0xFFFFF086  }
0x1c: {  	p1 =	slt.u32 s9, $0xF7A;
	s5 =	simm.s32 @!p2 $0x0  }
0x1d: {  	s5 =	simm.s32 @p1 $0x1;
	p0 =	seq.s32 s7, s2  }
0x1e: {  	s7 =	smul.u32 @!p0 $0xF7A, s2;
	p2 =	seq.s32 @!p0 s5, $0x0  }
0x1f: {  	s9 =	smul.u32 $0xF7A, s1;
	s8 =	simm.s32 @!p0 $0x1BF5;
	p2 =	por !p2, p0  }
0x20: {  	[sflag:s8] =	ssyncset.s32 @!p0 $0xFFFFF086;
	s6 =	sadd.s32 @!p0 s3, s7;
	s7 =	simm.s32 @!p0 $0x108  }
0x21: {  	s3 =	sadd.s32 s3, s9;
	s6 =	sadd.s32 @!p0 $0x88, s6;
	s7 =	simm.s32 @p2 $0x1082  }
0x22: {  	[simem:s7], [sflag:s8] =	dma.local @!p0 [hbm:s6], $0xF7A  }
0x23: {  	s9 =	sor.u32 $0xD0000000, s2;
	s6 =	simm.s32 $0x108;
	_ =	swait.ge @!p0 [sflag:s8], $0x0  }
0x24: {  	s3 =	sadd.s32 $0x88, s3;
	s6 =	simm.s32 @!p1 $0x1082;
	[sflag:s4] =	ssyncset.s32 $0xFFFFF086  }
0x25: {  	[simem:s6], [sflag:s4] =	dma.local [hbm:s3], $0xF7A  }
0x26: {  	[smem:$0x3F9F] =	sst s1;
	(tag) =	ssettag s2;
	_ =	strace s9  }
0x27: {  	s1 =	sld [smem:$0x3FAF]  }
0x28: {  	s2 =	sld [smem:$0x3FB0]  }
0x29: {  	s4 =	sld [smem:$0x3FB2]  }
0x2a: {  	p0 =	seq.s32 s5, $0x0;
	s5 =	sld [smem:$0x3FB3]  }
0x2b: {  	s6 =	sld [smem:$0x3FB4]  }
0x2c: {  	s7 =	sld [smem:$0x3FB5]  }
0x2d: {  	s3 =	simm.s32 $0x108;
	s8 =	sld [smem:$0x3FB6]  }
0x2e: {  	s3 =	simm.s32 @!p0 $0x1082;
	s9 =	sld [smem:$0x3FB7]  }
0x2f: {  	lr =	sadd.s32 s0, s3;
	s0 =	sld [smem:$0x3FAE]  }
0x30: {  	s3 =	sld [smem:$0x3FB1]  }
0x31: {  	[smem:$0x3FBA] =	sst s10  }
0x32: {  	s10 =	sld [smem:$0x3FB8];
	_ =	sdelay $0x3  }
0x33: {  	p0 =	seq.s32 s10, $0x1;
	s10 =	sld [smem:$0x3FBA];
	_ =	sdelay $0x3  }
0x34: {  	[smem:$0x3FBA] =	sst s10  }
0x35: {  	s10 =	sld [smem:$0x3FB9];
	_ =	sdelay $0x3  }
0x36: {  	p1 =	seq.s32 s10, $0x1;
	s10 =	sld [smem:$0x3FBA];
	_ =	sdelay $0x3  }
0x37: {  	[smem:$0x3FBA] =	sst s10  }
0x38: {  	s10 =	sld [smem:$0x3FBB]  }
0x39: {  	_ = 	snop;
	(pc) =	sbr.ind lr, $3  }
0x3a: {  	_ = 	snop  }
0x3b: {  	_ = 	snop  }
0x3c: {  	p2 =	seq.s32 s10, $0x1;
	s10 =	sld [smem:$0x3FBA]  }
0x3d: {  	_ =	shalt  }
0x3e: {  	_ =	shalt  }
0x3f: {  	_ =	shalt  }
0x40: {  	_ =	shalt  }
0x41: {  	_ =	shalt  }
0x42: {  	_ =	shalt  }
0x43: {  	_ =	shalt  }
0x44: {  	_ =	shalt  }
0x45: {  	_ =	shalt  }
0x46: {  	_ =	shalt  }
0x47: {  	_ =	shalt  }
0x48: {  	_ =	shalt  }
0x49: {  	_ =	shalt  }
0x4a: {  	_ =	shalt  }
0x4b: {  	_ =	shalt  }
0x4c: {  	_ =	shalt  }
0x4d: {  	_ =	shalt  }
0x4e: {  	_ =	shalt  }
0x4f: {  	_ =	shalt  }
0x50: {  	_ =	shalt  }
0x51: {  	_ =	shalt  }
0x52: {  	_ =	shalt  }
0x53: {  	_ =	shalt  }
0x54: {  	_ =	shalt  }
0x55: {  	_ =	shalt  }
0x56: {  	_ =	shalt  }
0x57: {  	_ =	shalt  }
0x58: {  	_ =	shalt  }
0x59: {  	_ =	shalt  }
0x5a: {  	_ =	shalt  }
0x5b: {  	_ =	shalt  }
0x5c: {  	_ =	shalt  }
0x5d: {  	_ =	shalt  }
0x5e: {  	_ =	shalt  }
0x5f: {  	_ =	shalt  }
0x60: {  	_ =	shalt  }
0x61: {  	_ =	shalt  }
0x62: {  	_ =	shalt  }
0x63: {  	_ =	shalt  }
0x64: {  	_ =	shalt  }
0x65: {  	_ =	shalt  }
0x66: {  	_ =	shalt  }
0x67: {  	_ =	shalt  }
0x68: {  	_ =	shalt  }
0x69: {  	_ =	shalt  }
0x6a: {  	_ =	shalt  }
0x6b: {  	_ =	shalt  }
0x6c: {  	_ =	shalt  }
0x6d: {  	_ =	shalt  }
0x6e: {  	_ =	shalt  }
0x6f: {  	_ =	shalt  }
0x70: {  	_ =	shalt  }
0x71: {  	_ =	shalt  }
0x72: {  	_ =	shalt  }
0x73: {  	_ =	shalt  }
0x74: {  	_ =	shalt  }
0x75: {  	_ =	shalt  }
0x76: {  	_ =	shalt  }
0x77: {  	_ =	shalt  }
0x78: {  	_ =	shalt  }
0x79: {  	_ =	shalt  }
0x7a: {  	_ =	shalt  }
0x7b: {  	_ =	shalt  }
0x7c: {  	_ =	shalt  }
0x7d: {  	_ =	shalt  }
0x7e: {  	_ =	shalt  }
0x7f: {  	_ =	shalt  }
0x80: {  	_ =	shalt  }
0x81: {  	_ =	shalt  }
0x82: {  	_ =	shalt  }
0x83: {  	_ =	shalt  }
0x84: {  	_ =	shalt  }
0x85: {  	_ =	shalt  }
0x86: {  	_ =	shalt  }
0x87: {  	_ =	shalt  }
.Lfunc_end0:
.L_simem_size_0:
called_computation.1_lowered:
.L_overlay_start_0:
0x88: {  	s2 =	sld [smem:$0x3FD9]  }
0x89: {  	s3 =	sld [smem:$0x3FFE];
	_ =	sdelay $0x1  }
0x8a: {  	s1 =	srdreg.scid  }
0x8b: {  	s0 =	sand.u32 $0x1, s1  }
0x8c: {  	s17 =	sshll.u32 s0, $0xA;
	s2 =	sadd.s32 s3, s2  }
0x8d: {  	s2 =	sadd.s32 s2, s17  }
0x8e: {  	[smem:$0x3FC6] =	sst s2  }
0x8f: {  	_ = 	snop  }
0x90: {  	s2 =	sld [smem:$0x3FD0];
	(tm) =	ssettm $0x1  }
0x91: {  	s18 =	sld [smem:$0x3FFB];
	_ =	sdelay $0x3  }
0x92: {  	_ =	strace s18  }
0x93: {  	s3 =	sld [smem:$0x3FFC];
	_ =	sdelay $0x3  }
0x94: {  	_ =	strace s3  }
0x95: {  	s3 =	sld [smem:$0x3FFD];
	_ =	sdelay $0x3  }
0x96: {  	_ =	strace s3  }
0x97: {  	_ =	strace $0x8FFFFFFF  }
0x98: {  	s19 =	sld [smem:$0x3FDB];
	_ =	sdelay $0x1  }
0x99: {  	s4 =	simm.s32 $_scs_section_size  }
0x9a: {  	s5 =	simm.s32 $_size__tile_overlayer_lowered;
	s6 =	simm.s32 $_tile_overlayer_lowered  }
0x9b: {  	s22 =	simm.s32 $0x1BFF;
	s21 =	sshll.u32 s6, $0x1;
	s3 =	sadd.s32 s4, s19  }
0x9c: {  	s7 =	simm.s32 $0x0;
	s20 =	sshll.u32 s5, $0x1;
	s5 =	sadd.s32 s21, s3  }
0x9d: {  	[timem:s7], [sflag:s22] =	dma.local [hbm:s5], s20  }
0x9e: {  	_ =	swait.ge [sflag:s22], s20  }
0x9f: {  	s4 =	ssub.s32 $0x0, s20;
	[sflag:s22] =	ssyncset.done $0x0  }
0xa0: {  	[sflag:s22] =	ssyncadd.s32 s4;
	_ =	sdelay $0x1  }
0xa1: {  	s23 =	simm.s32 $0x1B8B  }
0xa2: {  	_ =	swait.ge [sflag:s23], $0x1  }
0xa3: {  	[sflag:s23] =	ssyncset.done $0x0  }
0xa4: {  	s25 =	simm.s32 $0x1B8E;
	s24 =	sld [smem:$0x3FFE];
	[sflag:s23] =	ssyncadd.s32 $0xFFFFFFFF  }
0xa5: {  	s26 =	simm.s32 $execute0_lowered;
	[smem:$0x3FD2] =	sst s25  }
0xa6: {  	s5 =	sshll.u32 s26, $0x1;
	_ =	strace $0x80000049;
	[dreg:$0x1] =	wrdreg $0xFFFFFFFF  }
0xa7: {  	s28 =	simm.s32 $_size_execute0_lowered;
	s3 =	sadd.s32 s3, s5;
	[dreg:$0x0] =	wrdreg $0x0  }
0xa8: {  	s5 =	sshll.u32 s28, $0x1;
	[dreg:$0x2] =	wrdreg s3  }
0xa9: {  	[dreg:$0x3] =	wrdreg s5  }
0xaa: {  	[dreg:$0x4] =	wrdreg $0xC0  }
0xab: {  	_ =	task [dreg:s7], $0x5FFFF  }
0xac: {  	[dreg:$0x1] =	wrdreg $0xFFFFFFFF  }
0xad: {  	[dreg:$0x0] =	wrdreg $0x60  }
0xae: {  	[dreg:$0x2] =	wrdreg s24  }
0xaf: {  	[dreg:$0x3] =	wrdreg s2  }
0xb0: {  	[dreg:$0x4] =	wrdreg $0x9F800  }
0xb1: {  	[dreg:$0x5] =	wrdreg $0x9  }
0xb2: {  	_ =	task.clear_ibuf [dreg:s7], $0x6FFFF;
	_ =	strace $0x90000049  }
0xb3: {  	s29 =	simm.s32 $0x9;
	_ =	strace $0x8000004B  }
0xb4: {  	_ =	swait.ge [sflag:s29], $0x1  }
0xb5: {  	[sflag:s29] =	ssyncadd.s32 $0xFFFFFFFF  }
0xb6: {  	_ =	strace $0x9000004B  }
0xb7: {  	_ =	sfence  }
0xb8: {  	s30 =	sld [smem:$0x0];
	_ =	sdelay $0x2  }
0xb9: {  	s31 =	sshll.u32 s1, $0xD;
	s1 =	sshrl.u32 s1, $0x2  }
0xba: {  	s3 =	sand.u32 $0x4000, s31;
	s1 =	sadd.s32 s1, s30  }
0xbb: {  	s0 =	sor.u32 s3, s0;
	s1 =	sshll.u32 s1, $0x11  }
0xbc: {  	s0 =	sor.u32 s1, s0  }
0xbd: {  	s0 =	sadd.s32 $0x8F2B, s0  }
0xbe: {  	[sflag:s0] =	ssyncadd.remote.s32 $0x1  }
0xbf: {  	_ =	sfence.sel $0xFFFF  }
0xc0: {  	[dreg:$0x0] =	wrdreg $0xFFFFFFFF;
	(pc) =	sbr.abs _section_cstart, $3  }
0xc1: {  	[dreg:$0x1] =	wrdreg $0xFFFFFFFF  }
0xc2: {  	_ =	task.clear_ibuf [dreg:s7], $0x2FFFF;
	_ =	strace $0x9FFFFFFF  }
0xc3: {  	(tm) =	ssettm $0x7FFFFFFF  }
tec
execute0_lowered:
.L_overlay_start_1:
0x0: {  	(tag) =	ssettag $0x1  }
0x1: {  	s1 =	rddreg [dreg:$0x0]  }
0x2: {  	s0 =	rddreg [dreg:$0x1]  }
0x3: {  	s2 =	rddreg [dreg:$0x2];
	s4 =	srdreg.scid  }
0x4: {  	s10 =	stileid.u32;
	s3 =	simm.s32 $0x0;
	s28 =	simm.s32 $0x2780  }
0x5: {  	s29 =	simm.s32 $0x50;
	s30 =	simm.s32 $0x7780;
	s31 =	simm.s32 $0x1  }
0x6: {  	s5 =	sand.u32 $0x1, s4;
	s19 =	sshll.u32 s10, $0x1;
	s9 =	smul.u32 $0x50000, s10  }
0x7: {  	[smem:$0x7FF] =	sst s3;
	s23 =	smul.u32 $0x14000, s10;
	s4 =	sor.u32 s5, s19  }
0x8: {  	_ =	strace $0x8000004A;
	s7 =	ssub.s32 $0x2, s5;
	s5 =	smul.u32 $0x140000, s5  }
0x9: {  	s6 =	smul.u32 $0x4E2, s4;
	s4 =	sadd.s32 $0x14800, s1;
	s8 =	sshrl.u32 s7, $0x1  }
0xa: {  	s22 =	sshrl.u32 s9, $0x2;
	s24 =	sor.u32 $0x2800, s23;
	s25 =	sadd.s32 $0x5000, s23  }
0xb: {  	s26 =	sadd.s32 $0x7800, s23;
	s16 =	sadd.s32 $0xA000, s23;
	s17 =	sadd.s32 $0xC800, s23  }
0xc: {  	s18 =	sadd.s32 $0xF000, s23;
	s9 =	sadd.s32 $0x11800, s23;
	s20 =	ssub.s32 s7, s8  }
0xd: {  	s8 =	sadd.s32 s22, s2;
	s10 =	sadd.s32 s24, s2;
	s11 =	sadd.s32 s25, s2  }
0xe: {  	s12 =	sadd.s32 s26, s2;
	s13 =	sadd.s32 s16, s2;
	s14 =	sadd.s32 s17, s2  }
0xf: {  	s15 =	sadd.s32 s18, s2;
	s19 =	sadd.s32 s5, s23;
	s7 =	sadd.s32 s5, s26  }
0x10: {  	s17 =	sadd.s32 s5, s17;
	s22 =	sadd.s32 s5, s18;
	s6 =	sadd.s32 s6, s1  }
0x11: {  	s1 =	sadd.s32 $0x3BA00, s1;
	s19 =	sshrl.u32 s19, $0x3;
	s23 =	sshrl.u32 s7, $0x3  }
0x12: {  	s26 =	sshrl.u32 s22, $0x3;
	[dreg:$0x4] =	wrdreg s1;
	s21 =	sadd.s32 $0xAA00, s6  }
0x13: {  	s6 =	sadd.s32 $0xC00, s6;
	s1 =	smax.u32 s20, $0x1;
	[dreg:$0x5] =	wrdreg s21  }
0x14: {  	s20 =	sadd.s32 s5, s16;
	s16 =	sadd.s32 s9, s2;
	[dreg:$0x6] =	wrdreg s6  }
0x15: {  	s19 =	sadd.s32 s0, s19;
	[dreg:$0x7] =	wrdreg s1;
	s1 =	sadd.s32 s5, s24  }
0x16: {  	s6 =	sadd.s32 s5, s25;
	s5 =	sadd.s32 s5, s9;
	[dreg:$0x8] =	wrdreg s19  }
0x17: {  	s24 =	sshrl.u32 s20, $0x3;
	s20 =	sadd.s32 s0, s23;
	s25 =	sshrl.u32 s17, $0x3  }
0x18: {  	s23 =	sadd.s32 s0, s26;
	s26 =	simm.s32 $0x3;
	s1 =	sshrl.u32 s1, $0x3  }
0x19: {  	s21 =	sshrl.u32 s6, $0x3;
	s5 =	sshrl.u32 s5, $0x3;
	s22 =	sadd.s32 s0, s25  }
0x1a: {  	s25 =	simm.s32 $0x4F80;
	s1 =	sadd.s32 s0, s1;
	s19 =	sadd.s32 s0, s21  }
0x1b: {  	s21 =	sadd.s32 s0, s24;
	s24 =	sadd.s32 s0, s5;
	s0 =	simm.s32 $0x4F00  }
0x1c: {  	s5 =	simm.s32 $0x0;
	[dreg:$0x9] =	wrdreg s1;
	s1 =	simm.s32 $0x2  }
.LBB2_1:
0x1d: {  	s6 =	rddreg [dreg:$0x4]  }
0x1e: {  	[tilespmem:s25], [sflag:$0x3] =	stream.linear.gather [hbm4b:s6+s3], $0x2800, $0x38;
	[tilespmem:$0x1DF80] =	vst v63  }
0x1f: {  	_ =	swait.ge [sflag:s26], $0x2800  }
0x20: {  	[sflag:s26] =	ssyncset.done $0x0  }
0x21: {  	[sflag:s26] =	ssyncadd.s32 $0xFFFFD800  }
0x22: {  	[spmem:s8] =	stream.linear.scatter [tilespmem:s25], [sflag:$0x3], $0x2800, $0x38;
	[tilespmem:$0x1DF80] =	vst v63  }
0x23: {  	_ =	swait.ge [sflag:s26], $0x2800  }
0x24: {  	[sflag:s26] =	ssyncset.done $0x0  }
0x25: {  	[sflag:s26] =	ssyncadd.s32 $0xFFFFD800  }
0x26: {  	[spmem:s10] =	stream.linear.scatter [tilespmem:s25], [sflag:$0x3], $0x2800, $0x38;
	[tilespmem:$0x1DF80] =	vst v63  }
0x27: {  	_ =	swait.ge [sflag:s26], $0x2800  }
0x28: {  	[sflag:s26] =	ssyncset.done $0x0  }
0x29: {  	[sflag:s26] =	ssyncadd.s32 $0xFFFFD800  }
0x2a: {  	[spmem:s11] =	stream.linear.scatter [tilespmem:s25], [sflag:$0x3], $0x2800, $0x38;
	[tilespmem:$0x1DF80] =	vst v63  }
0x2b: {  	_ =	swait.ge [sflag:s26], $0x2800  }
0x2c: {  	[sflag:s26] =	ssyncset.done $0x0  }
0x2d: {  	[sflag:s26] =	ssyncadd.s32 $0xFFFFD800  }
0x2e: {  	[spmem:s12] =	stream.linear.scatter [tilespmem:s25], [sflag:$0x3], $0x2800, $0x38;
	[tilespmem:$0x1DF80] =	vst v63  }
0x2f: {  	_ =	swait.ge [sflag:s26], $0x2800  }
0x30: {  	[sflag:s26] =	ssyncset.done $0x0  }
0x31: {  	[sflag:s26] =	ssyncadd.s32 $0xFFFFD800  }
0x32: {  	[spmem:s13] =	stream.linear.scatter [tilespmem:s25], [sflag:$0x3], $0x2800, $0x38;
	[tilespmem:$0x1DF80] =	vst v63  }
0x33: {  	_ =	swait.ge [sflag:s26], $0x2800  }
0x34: {  	[sflag:s26] =	ssyncset.done $0x0  }
0x35: {  	[sflag:s26] =	ssyncadd.s32 $0xFFFFD800  }
0x36: {  	[spmem:s14] =	stream.linear.scatter [tilespmem:s25], [sflag:$0x3], $0x2800, $0x38;
	[tilespmem:$0x1DF80] =	vst v63  }
0x37: {  	_ =	swait.ge [sflag:s26], $0x2800  }
0x38: {  	[sflag:s26] =	ssyncset.done $0x0  }
0x39: {  	[sflag:s26] =	ssyncadd.s32 $0xFFFFD800  }
0x3a: {  	[spmem:s15] =	stream.linear.scatter [tilespmem:s25], [sflag:$0x3], $0x2800, $0x38;
	[tilespmem:$0x1DF80] =	vst v63  }
0x3b: {  	_ =	swait.ge [sflag:s26], $0x2800  }
0x3c: {  	[sflag:s26] =	ssyncset.done $0x0  }
0x3d: {  	[sflag:s26] =	ssyncadd.s32 $0xFFFFD800  }
0x3e: {  	[spmem:s16] =	stream.linear.scatter [tilespmem:s25], [sflag:$0x3], $0x2800, $0x38;
	[tilespmem:$0x1DF80] =	vst v63  }
0x3f: {  	_ =	swait.ge [sflag:s26], $0x2800  }
0x40: {  	[sflag:s26] =	ssyncset.done $0x0  }
0x41: {  	[sflag:s26] =	ssyncadd.s32 $0xFFFFD800  }
0x42: {  	[bflag:$0x0] =	sbarrier.arrive $0xFFFF  }
0x43: {  	s7 =	rddreg [dreg:$0x5]  }
0x44: {  	[tilespmem:s3], [sflag:$0x3] =	stream.linear.gather [hbm4b:s7+s3], $0x2710, $0x38;
	[tilespmem:$0x1DF80] =	vst v63  }
0x45: {  	_ =	swait.ge [sflag:s26], $0x2710  }
0x46: {  	[sflag:s26] =	ssyncset.done $0x0  }
0x47: {  	s9 =	rddreg [dreg:$0x6];
	[sflag:s26] =	ssyncadd.s32 $0xFFFFD8F0  }
0x48: {  	[tilespmem:s28], [sflag:$0x3] =	stream.linear.gather [hbm4b:s9+s3], $0x2710, $0x38;
	[tilespmem:$0x1DF80] =	vst v63  }
0x49: {  	_ =	swait.ge [sflag:s26], $0x2710  }
0x4a: {  	[sflag:s26] =	ssyncset.done $0x0  }
0x4b: {  	[sflag:s26] =	ssyncadd.s32 $0xFFFFD8F0  }
0x4c: {  	[tilespmem:s25], [sflag:$0x1] =	stream.indirect.gather [hbm4b:s4+s29], $0x80, s28, s29, $0xb8;
	[tilespmem:$0x1DF80] =	vst v63  }
0x4d: {  	s17 =	simm.s32 $0x27D0  }
0x4e: {  	[tilespmem:s30], [sflag:$0x2] =	stream.indirect.gather [hbm4b:s4+s29], $0x80, s17, s29, $0xb8;
	[tilespmem:$0x1DF80] =	vst v63  }
0x4f: {  	_ =	swait.ge [sflag:s31], $0x2800  }
0x50: {  	[sflag:s31] =	ssyncset.done $0x0  }
0x51: {  	s18 =	simm.s32 $0x0;
	[sflag:s31] =	ssyncadd.s32 $0xFFFFD800  }
0x52: {  	v0 =	vld [tilespmem:s18+$0x0];
	_ =	sdelay $0x4  }
0x53: {  	[tilespmem:$0x4F00] =	vst v0  }
0x54: {  	v0 =	vld [tilespmem:s18+$0x10];
	_ =	sdelay $0x4  }
0x55: {  	[tilespmem:$0x4F10] =	vst v0  }
0x56: {  	v0 =	vld [tilespmem:s18+$0x20];
	_ =	sdelay $0x4  }
0x57: {  	[tilespmem:$0x4F20] =	vst v0  }
0x58: {  	v0 =	vld [tilespmem:s18+$0x30];
	_ =	sdelay $0x4  }
0x59: {  	[tilespmem:$0x4F30] =	vst v0  }
0x5a: {  	v0 =	vld [tilespmem:s18+$0x40];
	_ =	sdelay $0x4  }
0x5b: {  	[tilespmem:$0x4F40] =	vst v0  }
0x5c: {  	[spmem:s2] =	stream.indirect.scatter.add.f32 [tilespmem:s25], [sflag:$0x3], $0x80, s0, s29, $0xb8;
	[tilespmem:$0x1DF80] =	vst v63  }
0x5d: {  	_ =	swait.ge [sflag:s26], $0x2800  }
0x5e: {  	[sflag:s26] =	ssyncset.done $0x0  }
0x5f: {  	s7 =	simm.s32 $0x2820;
	[sflag:s26] =	ssyncadd.s32 $0xFFFFD800  }
0x60: {  	[tilespmem:s25], [sflag:$0x1] =	stream.indirect.gather [hbm4b:s4+s29], $0x80, s7, s29, $0xb8;
	[tilespmem:$0x1DF80] =	vst v63  }
0x61: {  	_ =	swait.ge [sflag:s1], $0x2800  }
0x62: {  	[sflag:s1] =	ssyncset.done $0x0  }
0x63: {  	[sflag:s1] =	ssyncadd.s32 $0xFFFFD800  }
0x64: {  	v63 =	vld [tilespmem:s18+$0x50];
	_ =	sdelay $0x4  }
0x65: {  	[tilespmem:$0x4F00] =	vst v63  }
0x66: {  	v0 =	vld [tilespmem:s18+$0x60];
	_ =	sdelay $0x4  }
0x67: {  	[tilespmem:$0x4F10] =	vst v0  }
0x68: {  	v0 =	vld [tilespmem:s18+$0x70];
	_ =	sdelay $0x4  }
0x69: {  	[tilespmem:$0x4F20] =	vst v0  }
0x6a: {  	v0 =	vld [tilespmem:s18+$0x80];
	_ =	sdelay $0x4  }
0x6b: {  	[tilespmem:$0x4F30] =	vst v0  }
0x6c: {  	v0 =	vld [tilespmem:s18+$0x90];
	_ =	sdelay $0x4  }
0x6d: {  	[tilespmem:$0x4F40] =	vst v0  }
0x6e: {  	[spmem:s2] =	stream.indirect.scatter.add.f32 [tilespmem:s30], [sflag:$0x3], $0x80, s0, s29, $0xb8;
	[tilespmem:$0x1DF80] =	vst v63  }
0x6f: {  	_ =	swait.ge [sflag:s26], $0x2800  }
0x70: {  	s6 =	simm.s32 $0xA0;
	s7 =	simm.s32 $0x500;
	[sflag:s26] =	ssyncset.done $0x0  }
.LBB2_2:
0x71: {  	s18 =	sadd.s32 $0x27D0, s6  }
0x72: {  	[sflag:s26] =	ssyncadd.s32 $0xFFFFD800;
	s9 =	smov.u32 s7;
	s17 =	sadd.s32 $0x280, s7  }
0x73: {  	[tilespmem:s30], [sflag:$0x2] =	stream.indirect.gather [hbm4b:s4+s29], $0x80, s18, s29, $0xb8;
	[tilespmem:$0x1DF80] =	vst v63  }
0x74: {  	p0 =	sne.s32 s7, $0x9880;
	_ =	swait.ge [sflag:s31], $0x2800  }
0x75: {  	[sflag:s31] =	ssyncset.done $0x0  }
0x76: {  	[sflag:s31] =	ssyncadd.s32 $0xFFFFD800  }
0x77: {  	v0 =	vld [tilespmem:s6+$0x0];
	_ =	sdelay $0x4  }
0x78: {  	[tilespmem:$0x4F00] =	vst v0  }
0x79: {  	v0 =	vld [tilespmem:s6+$0x10];
	_ =	sdelay $0x4  }
0x7a: {  	[tilespmem:$0x4F10] =	vst v0  }
0x7b: {  	v0 =	vld [tilespmem:s6+$0x20];
	_ =	sdelay $0x4  }
0x7c: {  	[tilespmem:$0x4F20] =	vst v0  }
0x7d: {  	v0 =	vld [tilespmem:s6+$0x30];
	_ =	sdelay $0x4  }
0x7e: {  	[tilespmem:$0x4F30] =	vst v0  }
0x7f: {  	v0 =	vld [tilespmem:s6+$0x40];
	_ =	sdelay $0x4  }
0x80: {  	[tilespmem:$0x4F40] =	vst v0  }
0x81: {  	[spmem:s2] =	stream.indirect.scatter.add.f32 [tilespmem:s25], [sflag:$0x3], $0x80, s0, s29, $0xb8;
	[tilespmem:$0x1DF80] =	vst v63  }
0x82: {  	_ =	swait.ge [sflag:s26], $0x2800  }
0x83: {  	[sflag:s26] =	ssyncset.done $0x0  }
0x84: {  	s7 =	sadd.s32 $0x2820, s6;
	[sflag:s26] =	ssyncadd.s32 $0xFFFFD800  }
0x85: {  	[tilespmem:s25], [sflag:$0x1] =	stream.indirect.gather [hbm4b:s4+s29], $0x80, s7, s29, $0xb8;
	[tilespmem:$0x1DF80] =	vst v63  }
0x86: {  	_ =	swait.ge [sflag:s1], $0x2800  }
0x87: {  	[sflag:s1] =	ssyncset.done $0x0  }
0x88: {  	[sflag:s1] =	ssyncadd.s32 $0xFFFFD800  }
0x89: {  	v0 =	vld [tilespmem:s6+$0x50];
	_ =	sdelay $0x4  }
0x8a: {  	[tilespmem:$0x4F00] =	vst v0  }
0x8b: {  	v0 =	vld [tilespmem:s6+$0x60];
	_ =	sdelay $0x4  }
0x8c: {  	[tilespmem:$0x4F10] =	vst v0  }
0x8d: {  	v0 =	vld [tilespmem:s6+$0x70];
	_ =	sdelay $0x4  }
0x8e: {  	[tilespmem:$0x4F20] =	vst v0  }
0x8f: {  	v0 =	vld [tilespmem:s6+$0x80];
	_ =	sdelay $0x4  }
0x90: {  	[tilespmem:$0x4F30] =	vst v0  }
0x91: {  	v0 =	vld [tilespmem:s6+$0x90];
	_ =	sdelay $0x3  }
.Ltmp0:
0x92: {  	(pc) =	sbr.rel @p0 .LBB2_2-.Ltmp0, $4  }
0x93: {  	[tilespmem:$0x4F40] =	vst v0  }
0x94: {  	[spmem:s2] =	stream.indirect.scatter.add.f32 [tilespmem:s30], [sflag:$0x3], $0x80, s0, s29, $0xb8;
	[tilespmem:$0x1DF80] =	vst v63  }
0x95: {  	_ =	swait.ge [sflag:s26], $0x2800  }
0x96: {  	s7 =	smov.u32 s17;
	s6 =	sshra.s32 s9, $0x2;
	[sflag:s26] =	ssyncset.done $0x0  }
0x97: {  	s7 =	sadd.s32 $0x27D0, s6;
	[sflag:s26] =	ssyncadd.s32 $0xFFFFD800  }
0x98: {  	[tilespmem:s30], [sflag:$0x2] =	stream.indirect.gather [hbm4b:s4+s29], $0x80, s7, s29, $0xb8;
	[tilespmem:$0x1DF80] =	vst v63  }
0x99: {  	_ =	swait.ge [sflag:s31], $0x2800  }
0x9a: {  	[sflag:s31] =	ssyncset.done $0x0  }
0x9b: {  	[sflag:s31] =	ssyncadd.s32 $0xFFFFD800  }
0x9c: {  	v0 =	vld [tilespmem:s6+$0x0];
	_ =	sdelay $0x4  }
0x9d: {  	[tilespmem:$0x4F00] =	vst v0  }
0x9e: {  	v0 =	vld [tilespmem:s6+$0x10];
	_ =	sdelay $0x4  }
0x9f: {  	[tilespmem:$0x4F10] =	vst v0  }
0xa0: {  	v0 =	vld [tilespmem:s6+$0x20];
	_ =	sdelay $0x4  }
0xa1: {  	[tilespmem:$0x4F20] =	vst v0  }
0xa2: {  	v0 =	vld [tilespmem:s6+$0x30];
	_ =	sdelay $0x4  }
0xa3: {  	[tilespmem:$0x4F30] =	vst v0  }
0xa4: {  	v0 =	vld [tilespmem:s6+$0x40];
	_ =	sdelay $0x4  }
0xa5: {  	[tilespmem:$0x4F40] =	vst v0  }
0xa6: {  	[spmem:s2] =	stream.indirect.scatter.add.f32 [tilespmem:s25], [sflag:$0x3], $0x80, s0, s29, $0xb8;
	[tilespmem:$0x1DF80] =	vst v63  }
0xa7: {  	_ =	swait.ge [sflag:s26], $0x2800  }
0xa8: {  	[sflag:s26] =	ssyncset.done $0x0  }
0xa9: {  	s18 =	sadd.s32 $0x2820, s6;
	[sflag:s26] =	ssyncadd.s32 $0xFFFFD800  }
0xaa: {  	[tilespmem:s25], [sflag:$0x1] =	stream.indirect.gather [hbm4b:s4+s29], $0x80, s18, s29, $0xb8;
	[tilespmem:$0x1DF80] =	vst v63  }
0xab: {  	_ =	swait.ge [sflag:s1], $0x2800  }
0xac: {  	[sflag:s1] =	ssyncset.done $0x0  }
0xad: {  	[sflag:s1] =	ssyncadd.s32 $0xFFFFD800  }
0xae: {  	v62 =	vld [tilespmem:s6+$0x50];
	_ =	sdelay $0x4  }
0xaf: {  	[tilespmem:$0x4F00] =	vst v62  }
0xb0: {  	v0 =	vld [tilespmem:s6+$0x60];
	_ =	sdelay $0x4  }
0xb1: {  	[tilespmem:$0x4F10] =	vst v0  }
0xb2: {  	v0 =	vld [tilespmem:s6+$0x70];
	_ =	sdelay $0x4  }
0xb3: {  	[tilespmem:$0x4F20] =	vst v0  }
0xb4: {  	v0 =	vld [tilespmem:s6+$0x80];
	_ =	sdelay $0x4  }
0xb5: {  	[tilespmem:$0x4F30] =	vst v0  }
0xb6: {  	v0 =	vld [tilespmem:s6+$0x90];
	_ =	sdelay $0x4  }
0xb7: {  	[tilespmem:$0x4F40] =	vst v0  }
0xb8: {  	[spmem:s2] =	stream.indirect.scatter.add.f32 [tilespmem:s30], [sflag:$0x3], $0x80, s0, s29, $0xb8;
	[tilespmem:$0x1DF80] =	vst v63  }
0xb9: {  	_ =	swait.ge [sflag:s26], $0x2800  }
0xba: {  	[sflag:s26] =	ssyncset.done $0x0  }
0xbb: {  	[sflag:s26] =	ssyncadd.s32 $0xFFFFD800  }
0xbc: {  	_ =	swait.ge [sflag:s31], $0x2800  }
0xbd: {  	[sflag:s31] =	ssyncset.done $0x0  }
0xbe: {  	[sflag:s31] =	ssyncadd.s32 $0xFFFFD800  }
0xbf: {  	v63 =	vld [tilespmem:$0x26C0]  }
0xc0: {  	v1 =	vld [tilespmem:$0x26D0]  }
0xc1: {  	v2 =	vld [tilespmem:$0x26E0]  }
0xc2: {  	v3 =	vld [tilespmem:$0x26F0]  }
0xc3: {  	v4 =	vld [tilespmem:$0x2700]  }
0xc4: {  	[tilespmem:$0x4F00] =	vst v63  }
0xc5: {  	[tilespmem:$0x4F10] =	vst v1  }
0xc6: {  	[tilespmem:$0x4F20] =	vst v2  }
0xc7: {  	[tilespmem:$0x4F30] =	vst v3  }
0xc8: {  	[tilespmem:$0x4F40] =	vst v4  }
0xc9: {  	[spmem:s2] =	stream.indirect.scatter.add.f32 [tilespmem:s25], [sflag:$0x3], $0x80, s0, s29, $0xb8;
	[tilespmem:$0x1DF80] =	vst v63  }
0xca: {  	_ =	swait.ge [sflag:s26], $0x2800  }
0xcb: {  	[sflag:s26] =	ssyncset.done $0x0  }
0xcc: {  	[sflag:s26] =	ssyncadd.s32 $0xFFFFD800  }
0xcd: {  	[bflag:$0x0] =	sbarrier.arrive $0xFFFF  }
0xce: {  	[tilespmem:s25], [sflag:$0x3] =	stream.linear.gather [spmem:s8], $0x2800, $0x38;
	[tilespmem:$0x1DF80] =	vst v63  }
0xcf: {  	_ =	swait.ge [sflag:s26], $0x2800  }
0xd0: {  	[sflag:s26] =	ssyncset.done $0x0  }
0xd1: {  	s9 =	rddreg [dreg:$0x8];
	[sflag:s26] =	ssyncadd.s32 $0xFFFFD800  }
0xd2: {  	[hbm4b:s9+s3] =	stream.linear.scatter [tilespmem:s25], [sflag:$0x3], $0x2800, $0x38;
	[tilespmem:$0x1DF80] =	vst v63  }
0xd3: {  	_ =	swait.ge [sflag:s26], $0x2800  }
0xd4: {  	[sflag:s26] =	ssyncset.done $0x0  }
0xd5: {  	[sflag:s26] =	ssyncadd.s32 $0xFFFFD800  }
0xd6: {  	[tilespmem:s25], [sflag:$0x3] =	stream.linear.gather [spmem:s10], $0x2800, $0x38;
	[tilespmem:$0x1DF80] =	vst v63  }
0xd7: {  	_ =	swait.ge [sflag:s26], $0x2800  }
0xd8: {  	[sflag:s26] =	ssyncset.done $0x0  }
0xd9: {  	s17 =	rddreg [dreg:$0x9];
	[sflag:s26] =	ssyncadd.s32 $0xFFFFD800  }
0xda: {  	[hbm4b:s17+s3] =	stream.linear.scatter [tilespmem:s25], [sflag:$0x3], $0x2800, $0x38;
	[tilespmem:$0x1DF80] =	vst v63  }
0xdb: {  	_ =	swait.ge [sflag:s26], $0x2800  }
0xdc: {  	[sflag:s26] =	ssyncset.done $0x0  }
0xdd: {  	[sflag:s26] =	ssyncadd.s32 $0xFFFFD800  }
0xde: {  	[tilespmem:s25], [sflag:$0x3] =	stream.linear.gather [spmem:s11], $0x2800, $0x38;
	[tilespmem:$0x1DF80] =	vst v63  }
0xdf: {  	_ =	swait.ge [sflag:s26], $0x2800  }
0xe0: {  	[sflag:s26] =	ssyncset.done $0x0  }
0xe1: {  	[sflag:s26] =	ssyncadd.s32 $0xFFFFD800  }
0xe2: {  	[hbm4b:s19+s3] =	stream.linear.scatter [tilespmem:s25], [sflag:$0x3], $0x2800, $0x38;
	[tilespmem:$0x1DF80] =	vst v63  }
0xe3: {  	_ =	swait.ge [sflag:s26], $0x2800  }
0xe4: {  	[sflag:s26] =	ssyncset.done $0x0  }
0xe5: {  	[sflag:s26] =	ssyncadd.s32 $0xFFFFD800  }
0xe6: {  	[tilespmem:s25], [sflag:$0x3] =	stream.linear.gather [spmem:s12], $0x2800, $0x38;
	[tilespmem:$0x1DF80] =	vst v63  }
0xe7: {  	_ =	swait.ge [sflag:s26], $0x2800  }
0xe8: {  	[sflag:s26] =	ssyncset.done $0x0  }
0xe9: {  	[sflag:s26] =	ssyncadd.s32 $0xFFFFD800  }
0xea: {  	[hbm4b:s20+s3] =	stream.linear.scatter [tilespmem:s25], [sflag:$0x3], $0x2800, $0x38;
	[tilespmem:$0x1DF80] =	vst v63  }
0xeb: {  	_ =	swait.ge [sflag:s26], $0x2800  }
0xec: {  	[sflag:s26] =	ssyncset.done $0x0  }
0xed: {  	[sflag:s26] =	ssyncadd.s32 $0xFFFFD800  }
0xee: {  	[tilespmem:s25], [sflag:$0x3] =	stream.linear.gather [spmem:s13], $0x2800, $0x38;
	[tilespmem:$0x1DF80] =	vst v63  }
0xef: {  	_ =	swait.ge [sflag:s26], $0x2800  }
0xf0: {  	[sflag:s26] =	ssyncset.done $0x0  }
0xf1: {  	[sflag:s26] =	ssyncadd.s32 $0xFFFFD800  }
0xf2: {  	[hbm4b:s21+s3] =	stream.linear.scatter [tilespmem:s25], [sflag:$0x3], $0x2800, $0x38;
	[tilespmem:$0x1DF80] =	vst v63  }
0xf3: {  	_ =	swait.ge [sflag:s26], $0x2800  }
0xf4: {  	[sflag:s26] =	ssyncset.done $0x0  }
0xf5: {  	[sflag:s26] =	ssyncadd.s32 $0xFFFFD800  }
0xf6: {  	[tilespmem:s25], [sflag:$0x3] =	stream.linear.gather [spmem:s14], $0x2800, $0x38;
	[tilespmem:$0x1DF80] =	vst v63  }
0xf7: {  	_ =	swait.ge [sflag:s26], $0x2800  }
0xf8: {  	[sflag:s26] =	ssyncset.done $0x0  }
0xf9: {  	[sflag:s26] =	ssyncadd.s32 $0xFFFFD800  }
0xfa: {  	[hbm4b:s22+s3] =	stream.linear.scatter [tilespmem:s25], [sflag:$0x3], $0x2800, $0x38;
	[tilespmem:$0x1DF80] =	vst v63  }
0xfb: {  	_ =	swait.ge [sflag:s26], $0x2800  }
0xfc: {  	[sflag:s26] =	ssyncset.done $0x0  }
0xfd: {  	[sflag:s26] =	ssyncadd.s32 $0xFFFFD800  }
0xfe: {  	[tilespmem:s25], [sflag:$0x3] =	stream.linear.gather [spmem:s15], $0x2800, $0x38;
	[tilespmem:$0x1DF80] =	vst v63  }
0xff: {  	_ =	swait.ge [sflag:s26], $0x2800  }
0x100: {  	[sflag:s26] =	ssyncset.done $0x0  }
0x101: {  	[sflag:s26] =	ssyncadd.s32 $0xFFFFD800  }
0x102: {  	[hbm4b:s23+s3] =	stream.linear.scatter [tilespmem:s25], [sflag:$0x3], $0x2800, $0x38;
	[tilespmem:$0x1DF80] =	vst v63  }
0x103: {  	_ =	swait.ge [sflag:s26], $0x2800  }
0x104: {  	[sflag:s26] =	ssyncset.done $0x0  }
0x105: {  	[sflag:s26] =	ssyncadd.s32 $0xFFFFD800  }
0x106: {  	[tilespmem:s25], [sflag:$0x3] =	stream.linear.gather [spmem:s16], $0x2800, $0x38;
	[tilespmem:$0x1DF80] =	vst v63  }
0x107: {  	_ =	swait.ge [sflag:s26], $0x2800  }
0x108: {  	[sflag:s26] =	ssyncset.done $0x0  }
0x109: {  	[sflag:s26] =	ssyncadd.s32 $0xFFFFD800  }
0x10a: {  	[hbm4b:s24+s3] =	stream.linear.scatter [tilespmem:s25], [sflag:$0x3], $0x2800, $0x38;
	[tilespmem:$0x1DF80] =	vst v63  }
0x10b: {  	_ =	swait.ge [sflag:s26], $0x2800  }
0x10c: {  	s5 =	sadd.s32 $0x1, s5;
	s18 =	rddreg [dreg:$0x7]  }
0x10d: {  	p0 =	sne.s32 s5, s18  }
.Ltmp1:
0x10e: {  	_ = 	snop;
	(pc) =	sbr.rel @p0 .LBB2_1-.Ltmp1, $3  }
0x10f: {  	_ =	sdelay $0x1  }
0x110: {  	[sflag:s26] =	ssyncset.done $0x0  }
0x111: {  	[sflag:s26] =	ssyncadd.s32 $0xFFFFD800  }
0x112: {  	_ =	sfence.sel $0x180000  }
0x113: {  	[bflag:$0x0] =	sbarrier.arrive $0xFFFF  }
0x114: {  	_ =	strace $0x9000004A  }
0x115: {  	s0 =	stileid.u32;
	[bflag:$0x2] =	sbarrier.arrive $0xFFFF  }
0x116: {  	p0 =	sne.s32 s0, $0x0;
	s0 =	rddreg [dreg:$0x3]  }
0x117: {  	s0 =	sadd.s32 @!p0 $0x100000, s0  }
0x118: {  	[sflag:s0] =	ssyncadd.tile.s32 @!p0 $0x1;
	_ =	shalt  }
.Lfunc_end2:
_tile_overlayer_lowered:
.L_overlay_start_2:
0x119: {  	(tag) =	ssettag $0x2  }
0x11a: {  	s0 =	rddreg [dreg:$0x0];
	s2 =	stileid.u32  }
0x11b: {  	s1 =	rddreg [dreg:$0x1];
	p0 =	sne.s32 s2, $0x0  }
0x11c: {  	s3 =	rddreg [dreg:$0x2];
	[bflag:$0x3] =	sbarrier.arrive $0xFFFF;
	s2 =	simm.s32 @!p0 $0x1C03  }
0x11d: {  	[timem:s3], [sflag:s2] =	dma.local @!p0 [hbm:s0], s1  }
0x11e: {  	s0 =	simm.s32 @!p0 $0x3  }
0x11f: {  	_ =	swait.ge @!p0 [sflag:s0], s1  }
0x120: {  	s1 =	ssub.s32 @!p0 $0x0, s1;
	[sflag:s0] =	ssyncset.done @!p0 $0x0  }
0x121: {  	[sflag:s0] =	ssyncadd.s32 @!p0 s1  }
0x122: {  	[bflag:$0x3] =	sbarrier.arrive $0xFFFF  }
0x123: {  	_ =	shalt  }

// kernel: kernel.8.cloned.1.call-start
scs
__scs_entry_jumppad:
0x0: {  	(pc) =	sbr.rel $0x88, $3  }
0x1: {  	(tag) =	ssettag $0x0;
	lr =	simm.s32 $0x1  }
0x2: {  	[smem:$0x3F9F] =	sst lr;
	_ =	strace $0xD0000000  }
0x3: {  	_ = 	snop  }
0x4: {  	_ = 	snop  }
0x5: {  	_ = 	snop  }
0x6: {  	_ = 	snop  }
0x7: {  	_ = 	snop  }
__scs_overlays_trampoline_lowered:
0x8: {  	[smem:$0x3FAE] =	sst s0  }
0x9: {  	[smem:$0x3FAF] =	sst s1  }
0xa: {  	[smem:$0x3FB0] =	sst s2  }
0xb: {  	[smem:$0x3FB1] =	sst s3  }
0xc: {  	[smem:$0x3FB2] =	sst s4  }
0xd: {  	[smem:$0x3FB3] =	sst s5  }
0xe: {  	[smem:$0x3FB4] =	sst s6  }
0xf: {  	[smem:$0x3FB5] =	sst s7  }
0x10: {  	[smem:$0x3FB6] =	sst s8  }
0x11: {  	[smem:$0x3FB7] =	sst s9;
	s0 =	simm.s32 @!p0 $0x0  }
0x12: {  	s1 =	sld [smem:$0x3F9D];
	s0 =	simm.s32 @p0 $0x1  }
0x13: {  	[smem:$0x3FB8] =	sst s0;
	s0 =	simm.s32 @!p1 $0x0  }
0x14: {  	s2 =	sld [smem:$0x3F9C];
	s0 =	simm.s32 @p1 $0x1  }
0x15: {  	[smem:$0x3FB9] =	sst s0;
	s0 =	simm.s32 @!p2 $0x0  }
0x16: {  	s3 =	sld [smem:$0x3FDB];
	s0 =	simm.s32 @p2 $0x1  }
0x17: {  	s4 =	simm.s32 $0x1BF5;
	[smem:$0x3FBB] =	sst s0  }
0x18: {  	s0 =	sld [smem:$0x3F9E];
	_ =	swait.ge [sflag:s4], $0x0  }
0x19: {  	s7 =	sld [smem:$0x3F9F]  }
0x1a: {  	s8 =	sadd.s32 $0xFFFFE003, lr  }
0x1b: {  	s9 =	sadd.s32 $0xFFFFFEF7, lr;
	s5 =	simm.s32 $0xFFFFFFFF;
	p2 =	slt.u32 s8, $0xFFFFF086  }
0x1c: {  	p1 =	slt.u32 s9, $0xF7A;
	s5 =	simm.s32 @!p2 $0x0  }
0x1d: {  	s5 =	simm.s32 @p1 $0x1;
	p0 =	seq.s32 s7, s2  }
0x1e: {  	s7 =	smul.u32 @!p0 $0xF7A, s2;
	p2 =	seq.s32 @!p0 s5, $0x0  }
0x1f: {  	s9 =	smul.u32 $0xF7A, s1;
	s8 =	simm.s32 @!p0 $0x1BF5;
	p2 =	por !p2, p0  }
0x20: {  	[sflag:s8] =	ssyncset.s32 @!p0 $0xFFFFF086;
	s6 =	sadd.s32 @!p0 s3, s7;
	s7 =	simm.s32 @!p0 $0x108  }
0x21: {  	s3 =	sadd.s32 s3, s9;
	s6 =	sadd.s32 @!p0 $0x88, s6;
	s7 =	simm.s32 @p2 $0x1082  }
0x22: {  	[simem:s7], [sflag:s8] =	dma.local @!p0 [hbm:s6], $0xF7A  }
0x23: {  	s9 =	sor.u32 $0xD0000000, s2;
	s6 =	simm.s32 $0x108;
	_ =	swait.ge @!p0 [sflag:s8], $0x0  }
0x24: {  	s3 =	sadd.s32 $0x88, s3;
	s6 =	simm.s32 @!p1 $0x1082;
	[sflag:s4] =	ssyncset.s32 $0xFFFFF086  }
0x25: {  	[simem:s6], [sflag:s4] =	dma.local [hbm:s3], $0xF7A  }
0x26: {  	[smem:$0x3F9F] =	sst s1;
	(tag) =	ssettag s2;
	_ =	strace s9  }
0x27: {  	s1 =	sld [smem:$0x3FAF]  }
0x28: {  	s2 =	sld [smem:$0x3FB0]  }
0x29: {  	s4 =	sld [smem:$0x3FB2]  }
0x2a: {  	p0 =	seq.s32 s5, $0x0;
	s5 =	sld [smem:$0x3FB3]  }
0x2b: {  	s6 =	sld [smem:$0x3FB4]  }
0x2c: {  	s7 =	sld [smem:$0x3FB5]  }
0x2d: {  	s3 =	simm.s32 $0x108;
	s8 =	sld [smem:$0x3FB6]  }
0x2e: {  	s3 =	simm.s32 @!p0 $0x1082;
	s9 =	sld [smem:$0x3FB7]  }
0x2f: {  	lr =	sadd.s32 s0, s3;
	s0 =	sld [smem:$0x3FAE]  }
0x30: {  	s3 =	sld [smem:$0x3FB1]  }
0x31: {  	[smem:$0x3FBA] =	sst s10  }
0x32: {  	s10 =	sld [smem:$0x3FB8];
	_ =	sdelay $0x3  }
0x33: {  	p0 =	seq.s32 s10, $0x1;
	s10 =	sld [smem:$0x3FBA];
	_ =	sdelay $0x3  }
0x34: {  	[smem:$0x3FBA] =	sst s10  }
0x35: {  	s10 =	sld [smem:$0x3FB9];
	_ =	sdelay $0x3  }
0x36: {  	p1 =	seq.s32 s10, $0x1;
	s10 =	sld [smem:$0x3FBA];
	_ =	sdelay $0x3  }
0x37: {  	[smem:$0x3FBA] =	sst s10  }
0x38: {  	s10 =	sld [smem:$0x3FBB]  }
0x39: {  	_ = 	snop;
	(pc) =	sbr.ind lr, $3  }
0x3a: {  	_ = 	snop  }
0x3b: {  	_ = 	snop  }
0x3c: {  	p2 =	seq.s32 s10, $0x1;
	s10 =	sld [smem:$0x3FBA]  }
0x3d: {  	_ =	shalt  }
0x3e: {  	_ =	shalt  }
0x3f: {  	_ =	shalt  }
0x40: {  	_ =	shalt  }
0x41: {  	_ =	shalt  }
0x42: {  	_ =	shalt  }
0x43: {  	_ =	shalt  }
0x44: {  	_ =	shalt  }
0x45: {  	_ =	shalt  }
0x46: {  	_ =	shalt  }
0x47: {  	_ =	shalt  }
0x48: {  	_ =	shalt  }
0x49: {  	_ =	shalt  }
0x4a: {  	_ =	shalt  }
0x4b: {  	_ =	shalt  }
0x4c: {  	_ =	shalt  }
0x4d: {  	_ =	shalt  }
0x4e: {  	_ =	shalt  }
0x4f: {  	_ =	shalt  }
0x50: {  	_ =	shalt  }
0x51: {  	_ =	shalt  }
0x52: {  	_ =	shalt  }
0x53: {  	_ =	shalt  }
0x54: {  	_ =	shalt  }
0x55: {  	_ =	shalt  }
0x56: {  	_ =	shalt  }
0x57: {  	_ =	shalt  }
0x58: {  	_ =	shalt  }
0x59: {  	_ =	shalt  }
0x5a: {  	_ =	shalt  }
0x5b: {  	_ =	shalt  }
0x5c: {  	_ =	shalt  }
0x5d: {  	_ =	shalt  }
0x5e: {  	_ =	shalt  }
0x5f: {  	_ =	shalt  }
0x60: {  	_ =	shalt  }
0x61: {  	_ =	shalt  }
0x62: {  	_ =	shalt  }
0x63: {  	_ =	shalt  }
0x64: {  	_ =	shalt  }
0x65: {  	_ =	shalt  }
0x66: {  	_ =	shalt  }
0x67: {  	_ =	shalt  }
0x68: {  	_ =	shalt  }
0x69: {  	_ =	shalt  }
0x6a: {  	_ =	shalt  }
0x6b: {  	_ =	shalt  }
0x6c: {  	_ =	shalt  }
0x6d: {  	_ =	shalt  }
0x6e: {  	_ =	shalt  }
0x6f: {  	_ =	shalt  }
0x70: {  	_ =	shalt  }
0x71: {  	_ =	shalt  }
0x72: {  	_ =	shalt  }
0x73: {  	_ =	shalt  }
0x74: {  	_ =	shalt  }
0x75: {  	_ =	shalt  }
0x76: {  	_ =	shalt  }
0x77: {  	_ =	shalt  }
0x78: {  	_ =	shalt  }
0x79: {  	_ =	shalt  }
0x7a: {  	_ =	shalt  }
0x7b: {  	_ =	shalt  }
0x7c: {  	_ =	shalt  }
0x7d: {  	_ =	shalt  }
0x7e: {  	_ =	shalt  }
0x7f: {  	_ =	shalt  }
0x80: {  	_ =	shalt  }
0x81: {  	_ =	shalt  }
0x82: {  	_ =	shalt  }
0x83: {  	_ =	shalt  }
0x84: {  	_ =	shalt  }
0x85: {  	_ =	shalt  }
0x86: {  	_ =	shalt  }
0x87: {  	_ =	shalt  }
.Lfunc_end0:
.L_simem_size_0:
called_computation_lowered:
.L_overlay_start_0:
0x88: {  	s2 =	sld [smem:$0x3FD9]  }
0x89: {  	s3 =	sld [smem:$0x3FFE];
	_ =	sdelay $0x1  }
0x8a: {  	s1 =	srdreg.scid  }
0x8b: {  	s0 =	sand.u32 $0x1, s1  }
0x8c: {  	s17 =	sshll.u32 s0, $0xA;
	s2 =	sadd.s32 s3, s2  }
0x8d: {  	s2 =	sadd.s32 s2, s17  }
0x8e: {  	[smem:$0x3FC6] =	sst s2  }
0x8f: {  	_ = 	snop  }
0x90: {  	s2 =	sld [smem:$0x3FD0];
	(tm) =	ssettm $0x1  }
0x91: {  	s18 =	sld [smem:$0x3FFB];
	_ =	sdelay $0x3  }
0x92: {  	_ =	strace s18  }
0x93: {  	s3 =	sld [smem:$0x3FFC];
	_ =	sdelay $0x3  }
0x94: {  	_ =	strace s3  }
0x95: {  	s3 =	sld [smem:$0x3FFD];
	_ =	sdelay $0x3  }
0x96: {  	_ =	strace s3  }
0x97: {  	_ =	strace $0x8FFFFFFF  }
0x98: {  	s19 =	sld [smem:$0x3FDB];
	_ =	sdelay $0x1  }
0x99: {  	s4 =	simm.s32 $_scs_section_size  }
0x9a: {  	s5 =	simm.s32 $_size__tile_overlayer_lowered;
	s6 =	simm.s32 $_tile_overlayer_lowered  }
0x9b: {  	s22 =	simm.s32 $0x1BFF;
	s21 =	sshll.u32 s6, $0x1;
	s3 =	sadd.s32 s4, s19  }
0x9c: {  	s7 =	simm.s32 $0x0;
	s20 =	sshll.u32 s5, $0x1;
	s5 =	sadd.s32 s21, s3  }
0x9d: {  	[timem:s7], [sflag:s22] =	dma.local [hbm:s5], s20  }
0x9e: {  	_ =	swait.ge [sflag:s22], s20  }
0x9f: {  	s4 =	ssub.s32 $0x0, s20;
	[sflag:s22] =	ssyncset.done $0x0  }
0xa0: {  	[sflag:s22] =	ssyncadd.s32 s4;
	_ =	sdelay $0x1  }
0xa1: {  	s23 =	simm.s32 $0x1B8B  }
0xa2: {  	_ =	swait.ge [sflag:s23], $0x1  }
0xa3: {  	[sflag:s23] =	ssyncset.done $0x0  }
0xa4: {  	s25 =	simm.s32 $0x1B8E;
	s24 =	sld [smem:$0x3FFE];
	[sflag:s23] =	ssyncadd.s32 $0xFFFFFFFF  }
0xa5: {  	s26 =	simm.s32 $execute0_lowered;
	[smem:$0x3FD2] =	sst s25  }
0xa6: {  	s5 =	sshll.u32 s26, $0x1;
	_ =	strace $0x80000046;
	[dreg:$0x1] =	wrdreg $0xFFFFFFFF  }
0xa7: {  	s28 =	simm.s32 $_size_execute0_lowered;
	s3 =	sadd.s32 s3, s5;
	[dreg:$0x0] =	wrdreg $0x0  }
0xa8: {  	s5 =	sshll.u32 s28, $0x1;
	[dreg:$0x2] =	wrdreg s3  }
0xa9: {  	[dreg:$0x3] =	wrdreg s5  }
0xaa: {  	[dreg:$0x4] =	wrdreg $0xC0  }
0xab: {  	_ =	task [dreg:s7], $0x5FFFF  }
0xac: {  	[dreg:$0x1] =	wrdreg $0xFFFFFFFF  }
0xad: {  	[dreg:$0x0] =	wrdreg $0x60  }
0xae: {  	[dreg:$0x2] =	wrdreg s24  }
0xaf: {  	[dreg:$0x3] =	wrdreg s2  }
0xb0: {  	[dreg:$0x4] =	wrdreg $0x2B000  }
0xb1: {  	[dreg:$0x5] =	wrdreg $0x9  }
0xb2: {  	_ =	task.clear_ibuf [dreg:s7], $0x6FFFF;
	_ =	strace $0x90000046  }
0xb3: {  	s29 =	simm.s32 $0x9;
	_ =	strace $0x80000048  }
0xb4: {  	_ =	swait.ge [sflag:s29], $0x1  }
0xb5: {  	[sflag:s29] =	ssyncadd.s32 $0xFFFFFFFF  }
0xb6: {  	_ =	strace $0x90000048  }
0xb7: {  	_ =	sfence  }
0xb8: {  	s30 =	sld [smem:$0x0];
	_ =	sdelay $0x2  }
0xb9: {  	s31 =	sshll.u32 s1, $0xD;
	s1 =	sshrl.u32 s1, $0x2  }
0xba: {  	s3 =	sand.u32 $0x4000, s31;
	s1 =	sadd.s32 s1, s30  }
0xbb: {  	s0 =	sor.u32 s3, s0;
	s1 =	sshll.u32 s1, $0x11  }
0xbc: {  	s0 =	sor.u32 s1, s0  }
0xbd: {  	s0 =	sadd.s32 $0x8F2B, s0  }
0xbe: {  	[sflag:s0] =	ssyncadd.remote.s32 $0x1  }
0xbf: {  	_ =	sfence.sel $0xFFFF  }
0xc0: {  	[dreg:$0x0] =	wrdreg $0xFFFFFFFF;
	(pc) =	sbr.abs _section_cstart, $3  }
0xc1: {  	[dreg:$0x1] =	wrdreg $0xFFFFFFFF  }
0xc2: {  	_ =	task.clear_ibuf [dreg:s7], $0x2FFFF;
	_ =	strace $0x9FFFFFFF  }
0xc3: {  	(tm) =	ssettm $0x7FFFFFFF  }
tec
execute0_lowered:
.L_overlay_start_1:
0x0: {  	(tag) =	ssettag $0x1  }
0x1: {  	s4 =	rddreg [dreg:$0x0]  }
0x2: {  	s6 =	rddreg [dreg:$0x1];
	s1 =	srdreg.scid  }
0x3: {  	s0 =	stileid.u32;
	s2 =	rddreg [dreg:$0x2]  }
0x4: {  	s3 =	simm.s32 $0x0;
	s11 =	simm.s32 $0x2780;
	s12 =	simm.s32 $0x2800  }
0x5: {  	s13 =	simm.s32 $0x80;
	s14 =	simm.s32 $0x100;
	s15 =	simm.s32 $0x0  }
0x6: {  	s5 =	sand.u32 $0x1, s1;
	s1 =	rddreg [dreg:$0x3];
	s8 =	smul.u32 $0x500, s0  }
0x7: {  	s7 =	sshll.u32 s0, $0x1;
	[smem:$0x7FF] =	sst s3;
	s10 =	smul.u32 $0xA00, s0  }
0x8: {  	s7 =	sor.u32 s5, s7;
	_ =	strace $0x80000047;
	s9 =	ssub.s32 $0x2, s5  }
0x9: {  	s5 =	sshll.u32 s5, $0x7;
	s7 =	smul.u32 $0x4E2, s7;
	s28 =	sshrl.u32 s9, $0x1  }
0xa: {  	s5 =	sor.u32 s5, s8;
	s30 =	sshrl.u32 s10, $0x2;
	s8 =	simm.s32 $0x2880  }
0xb: {  	s10 =	simm.s32 $0x50;
	s29 =	ssub.s32 s9, s28;
	s31 =	sshrl.u32 s5, $0x3  }
0xc: {  	s9 =	simm.s32 $0x1;
	s7 =	sadd.s32 s7, s4;
	s4 =	sadd.s32 s30, s2  }
0xd: {  	v0 =	vimm.f32 $0.0e+00;
	v1 =	vimm.f32 $1.000000000e+00;
	s6 =	sadd.s32 s6, s31;
	s5 =	sadd.s32 $0xAA00, s7;
	s7 =	smax.u32 s29, $0x1  }
.LBB2_1:
0xe: {  	[tilespmem:$0x2880] =	vst v0  }
0xf: {  	[tilespmem:$0x2890] =	vst v0  }
0x10: {  	[tilespmem:$0x28A0] =	vst v0  }
0x11: {  	[tilespmem:$0x28B0] =	vst v0  }
0x12: {  	[tilespmem:$0x28C0] =	vst v0  }
0x13: {  	[tilespmem:$0x28D0] =	vst v0  }
0x14: {  	[tilespmem:$0x28E0] =	vst v0  }
0x15: {  	[tilespmem:$0x28F0] =	vst v0  }
0x16: {  	[tilespmem:$0x2900] =	vst v0  }
0x17: {  	[tilespmem:$0x2910] =	vst v0  }
0x18: {  	[tilespmem:$0x2920] =	vst v0  }
0x19: {  	[tilespmem:$0x2930] =	vst v0  }
0x1a: {  	[tilespmem:$0x2940] =	vst v0  }
0x1b: {  	[tilespmem:$0x2950] =	vst v0  }
0x1c: {  	[tilespmem:$0x2960] =	vst v0  }
0x1d: {  	[tilespmem:$0x2970] =	vst v0  }
0x1e: {  	[tilespmem:$0x2980] =	vst v0  }
0x1f: {  	[tilespmem:$0x2990] =	vst v0  }
0x20: {  	[tilespmem:$0x29A0] =	vst v0  }
0x21: {  	[tilespmem:$0x29B0] =	vst v0  }
0x22: {  	[tilespmem:$0x29C0] =	vst v0  }
0x23: {  	[tilespmem:$0x29D0] =	vst v0  }
0x24: {  	[tilespmem:$0x29E0] =	vst v0  }
0x25: {  	[tilespmem:$0x29F0] =	vst v0  }
0x26: {  	[tilespmem:$0x2A00] =	vst v0  }
0x27: {  	[tilespmem:$0x2A10] =	vst v0  }
0x28: {  	[tilespmem:$0x2A20] =	vst v0  }
0x29: {  	[tilespmem:$0x2A30] =	vst v0  }
0x2a: {  	[tilespmem:$0x2A40] =	vst v0  }
0x2b: {  	[tilespmem:$0x2A50] =	vst v0  }
0x2c: {  	[tilespmem:$0x2A60] =	vst v0  }
0x2d: {  	[tilespmem:$0x2A70] =	vst v0  }
0x2e: {  	[tilespmem:$0x2A80] =	vst v0  }
0x2f: {  	[tilespmem:$0x2A90] =	vst v0  }
0x30: {  	[tilespmem:$0x2AA0] =	vst v0  }
0x31: {  	[tilespmem:$0x2AB0] =	vst v0  }
0x32: {  	[tilespmem:$0x2AC0] =	vst v0  }
0x33: {  	[tilespmem:$0x2AD0] =	vst v0  }
0x34: {  	[tilespmem:$0x2AE0] =	vst v0  }
0x35: {  	[tilespmem:$0x2AF0] =	vst v0  }
0x36: {  	[tilespmem:$0x2800] =	vst v1  }
0x37: {  	[tilespmem:$0x2810] =	vst v1  }
0x38: {  	[tilespmem:$0x2820] =	vst v1  }
0x39: {  	[tilespmem:$0x2830] =	vst v1  }
0x3a: {  	[tilespmem:$0x2840] =	vst v1  }
0x3b: {  	[spmem:s4] =	stream.linear.scatter [tilespmem:s8], [sflag:$0x1], $0x280, $0x38;
	[tilespmem:$0x2D80] =	vst v63  }
0x3c: {  	_ =	swait.ge [sflag:s9], $0x280  }
0x3d: {  	[sflag:s9] =	ssyncset.done $0x0  }
0x3e: {  	[sflag:s9] =	ssyncadd.s32 $0xFFFFFD80  }
0x3f: {  	[bflag:$0x0] =	sbarrier.arrive $0xFFFF  }
0x40: {  	[tilespmem:s3], [sflag:$0x1] =	stream.linear.gather [hbm4b:s5+s3], $0x2710, $0x38;
	[tilespmem:$0x2D80] =	vst v63  }
0x41: {  	_ =	swait.ge [sflag:s9], $0x2710  }
0x42: {  	[sflag:s9] =	ssyncset.done $0x0  }
0x43: {  	s16 =	simm.s32 $0x0;
	[sflag:s9] =	ssyncadd.s32 $0xFFFFD8F0  }
0x44: {  	v2 =	vld [tilespmem:s16+$0x0];
	_ =	sdelay $0x4  }
0x45: {  	[tilespmem:$0x2780] =	vst v2  }
0x46: {  	v2 =	vld [tilespmem:s16+$0x10];
	_ =	sdelay $0x4  }
0x47: {  	[tilespmem:$0x2790] =	vst v2  }
0x48: {  	v2 =	vld [tilespmem:s16+$0x20];
	_ =	sdelay $0x4  }
0x49: {  	[tilespmem:$0x27A0] =	vst v2  }
0x4a: {  	v2 =	vld [tilespmem:s16+$0x30];
	_ =	sdelay $0x4  }
0x4b: {  	[tilespmem:$0x27B0] =	vst v2  }
0x4c: {  	v2 =	vld [tilespmem:s16+$0x40];
	_ =	sdelay $0x4  }
0x4d: {  	[tilespmem:$0x27C0] =	vst v2  }
0x4e: {  	[spmem:s2] =	stream.indirect.scatter.add.f32 [tilespmem:s12], [sflag:$0x1], $0x1, s11, s10, $0xb8;
	[tilespmem:$0x2D80] =	vst v63  }
0x4f: {  	_ =	swait.ge [sflag:s9], $0x50  }
0x50: {  	s17 =	simm.s32 $0x280;
	s16 =	simm.s32 $0x140;
	[sflag:s9] =	ssyncset.done $0x0  }
.LBB2_2:
0x51: {  	s18 =	sshra.s32 s16, $0x2  }
0x52: {  	[sflag:s9] =	ssyncadd.s32 $0xFFFFFFB0;
	s16 =	smov.u32 s17;
	s19 =	sadd.s32 $0x140, s17  }
0x53: {  	p0 =	sne.s32 s17, $0x9B00;
	v2 =	vld [tilespmem:s18+$0x0];
	_ =	sdelay $0x4  }
0x54: {  	[tilespmem:$0x2780] =	vst v2  }
0x55: {  	v2 =	vld [tilespmem:s18+$0x10];
	_ =	sdelay $0x4  }
0x56: {  	[tilespmem:$0x2790] =	vst v2  }
0x57: {  	v2 =	vld [tilespmem:s18+$0x20];
	_ =	sdelay $0x4  }
0x58: {  	[tilespmem:$0x27A0] =	vst v2  }
0x59: {  	v2 =	vld [tilespmem:s18+$0x30];
	_ =	sdelay $0x4  }
0x5a: {  	[tilespmem:$0x27B0] =	vst v2  }
0x5b: {  	v2 =	vld [tilespmem:s18+$0x40];
	_ =	sdelay $0x3  }
.Ltmp0:
0x5c: {  	(pc) =	sbr.rel @p0 .LBB2_2-.Ltmp0, $4  }
0x5d: {  	[tilespmem:$0x27C0] =	vst v2  }
0x5e: {  	[spmem:s2] =	stream.indirect.scatter.add.f32 [tilespmem:s12], [sflag:$0x1], $0x1, s11, s10, $0xb8;
	[tilespmem:$0x2D80] =	vst v63  }
0x5f: {  	_ =	swait.ge [sflag:s9], $0x50  }
0x60: {  	s17 =	smov.u32 s19;
	[sflag:s9] =	ssyncset.done $0x0  }
0x61: {  	s16 =	sshra.s32 s16, $0x2;
	[sflag:s9] =	ssyncadd.s32 $0xFFFFFFB0  }
0x62: {  	v2 =	vld [tilespmem:s16+$0x0];
	_ =	sdelay $0x4  }
0x63: {  	[tilespmem:$0x2780] =	vst v2  }
0x64: {  	v2 =	vld [tilespmem:s16+$0x10];
	_ =	sdelay $0x4  }
0x65: {  	[tilespmem:$0x2790] =	vst v2  }
0x66: {  	v2 =	vld [tilespmem:s16+$0x20];
	_ =	sdelay $0x4  }
0x67: {  	[tilespmem:$0x27A0] =	vst v2  }
0x68: {  	v2 =	vld [tilespmem:s16+$0x30];
	_ =	sdelay $0x4  }
0x69: {  	[tilespmem:$0x27B0] =	vst v2  }
0x6a: {  	v2 =	vld [tilespmem:s16+$0x40];
	_ =	sdelay $0x4  }
0x6b: {  	[tilespmem:$0x27C0] =	vst v2  }
0x6c: {  	[spmem:s2] =	stream.indirect.scatter.add.f32 [tilespmem:s12], [sflag:$0x1], $0x1, s11, s10, $0xb8;
	[tilespmem:$0x2D80] =	vst v63  }
0x6d: {  	_ =	swait.ge [sflag:s9], $0x50  }
0x6e: {  	[sflag:s9] =	ssyncset.done $0x0  }
0x6f: {  	[sflag:s9] =	ssyncadd.s32 $0xFFFFFFB0  }
0x70: {  	[bflag:$0x0] =	sbarrier.arrive $0xFFFF  }
0x71: {  	[tilespmem:s8], [sflag:$0x1] =	stream.linear.gather [spmem:s4], $0x280, $0x38;
	[tilespmem:$0x2D80] =	vst v63  }
0x72: {  	s15 =	sadd.s32 $0x1, s15;
	_ =	swait.ge [sflag:s9], $0x280  }
0x73: {  	p0 =	sne.s32 s15, s7;
	[sflag:s9] =	ssyncset.done $0x0  }
.Ltmp1:
0x74: {  	[sflag:s9] =	ssyncadd.s32 $0xFFFFFD80;
	(pc) =	sbr.rel @p0 .LBB2_1-.Ltmp1, $4  }
0x75: {  	[hbm4b:s6+s13] =	stream.strided.scatter [tilespmem:s8], [sflag:$0x1], $0x280, s14, s13, $0x38;
	[tilespmem:$0x2D80] =	vst v63  }
0x76: {  	_ =	swait.ge [sflag:s9], $0x280  }
0x77: {  	[sflag:s9] =	ssyncset.done $0x0  }
0x78: {  	[sflag:s9] =	ssyncadd.s32 $0xFFFFFD80  }
0x79: {  	_ =	sfence.sel $0x180000  }
0x7a: {  	[bflag:$0x0] =	sbarrier.arrive $0xFFFF  }
0x7b: {  	p0 =	sne.s32 s0, $0x0;
	_ =	strace $0x90000047  }
0x7c: {  	s0 =	sadd.s32 @!p0 $0x100000, s1;
	[bflag:$0x2] =	sbarrier.arrive $0xFFFF  }
0x7d: {  	[sflag:s0] =	ssyncadd.tile.s32 @!p0 $0x1;
	_ =	shalt  }
.Lfunc_end2:
_tile_overlayer_lowered:
.L_overlay_start_2:
0x7e: {  	(tag) =	ssettag $0x2  }
0x7f: {  	s0 =	rddreg [dreg:$0x0];
	s2 =	stileid.u32  }
0x80: {  	s1 =	rddreg [dreg:$0x1];
	p0 =	sne.s32 s2, $0x0  }
0x81: {  	s3 =	rddreg [dreg:$0x2];
	[bflag:$0x3] =	sbarrier.arrive $0xFFFF;
	s2 =	simm.s32 @!p0 $0x1C01  }
0x82: {  	[timem:s3], [sflag:s2] =	dma.local @!p0 [hbm:s0], s1  }
0x83: {  	s0 =	simm.s32 @!p0 $0x1  }
0x84: {  	_ =	swait.ge @!p0 [sflag:s0], s1  }
0x85: {  	s1 =	ssub.s32 @!p0 $0x0, s1;
	[sflag:s0] =	ssyncset.done @!p0 $0x0  }
0x86: {  	[sflag:s0] =	ssyncadd.s32 @!p0 s1  }
0x87: {  	[bflag:$0x3] =	sbarrier.arrive $0xFFFF  }
0x88: {  	_ =	shalt  }

</sc_bundles>
